<compile_context>
chip_gen: v7x
topology: tpu7x:2x2x1
jax: 0.10.2.dev20260603
libtpu: 0.0.44.dev20260713+nightly
codegen_flags: <defaults>
</compile_context>

<pallas_src>
import functools

import jax
import jax.numpy as jnp
from jax import lax
from jax.experimental import pallas as pl
from jax.experimental.pallas import tpu as pltpu
from jax.experimental.pallas import tpu_sc as plsc

_B, _C, _M = 4, 3, 4096
_N = 4096
_MB = 1024
_TCB = 3
_MI = _M // _MB
_EPS = 1e-8

_NC = 2
_NS = 16
_NW = _NC * _NS
_RPT = _M // _NW
_L = 16
_CHUNKS = _N // _L
_R = 8
_GROUPS = _RPT // _L


def _tc_main(p_ref, g_ref, out_ref, colmin_ref, facc_ref, bacc_ref):
    b = pl.program_id(0)
    mi = pl.program_id(1)

    @pl.when(mi == 0)
    def _init_batch():
        colmin_ref[...] = jnp.full((1, _N), jnp.inf, jnp.float32)

    @pl.when((b == 0) & (mi == 0))
    def _init_all():
        facc_ref[...] = jnp.zeros((1, 1), jnp.float32)
        bacc_ref[...] = jnp.zeros((1, 1), jnp.float32)

    p = p_ref[0]
    g = g_ref[0]
    p0 = p[0, :].reshape(_MB, 1)
    p1 = p[1, :].reshape(_MB, 1)
    p2 = p[2, :].reshape(_MB, 1)
    g0 = g[0, :].reshape(1, _N)
    g1 = g[1, :].reshape(1, _N)
    g2 = g[2, :].reshape(1, _N)
    q0 = -2.0 * p0
    q1 = -2.0 * p1
    q2 = -2.0 * p2
    np2 = p0 * p0 + p1 * p1 + p2 * p2
    ng2 = g0 * g0 + g1 * g1 + g2 * g2
    t = q0 * g0 + q1 * g1 + q2 * g2
    e = t + ng2
    f = t + np2

    rowmin = np2 + jnp.min(e, axis=1, keepdims=True)
    facc_ref[...] += jnp.sum(jnp.sqrt(rowmin + _EPS), axis=(0, 1), keepdims=True)
    colmin_ref[...] = jnp.minimum(colmin_ref[...], jnp.min(f, axis=0, keepdims=True))

    @pl.when(mi == _MI - 1)
    def _finish_batch():
        bmin = ng2 + colmin_ref[...]
        bacc_ref[...] += jnp.sum(jnp.sqrt(bmin + _EPS), axis=(0, 1), keepdims=True)

    @pl.when((b == _TCB - 1) & (mi == _MI - 1))
    def _emit():
        out_ref[...] = jnp.concatenate([facc_ref[...], bacc_ref[...]], axis=1)


def _sc_body(pf_hbm, gf_hbm, rowmin_hbm, colph_hbm, g0v, g1v, g2v, pc0, pc1, pc2, cminv, rowv, sem):
    cid = lax.axis_index("c")
    sid = lax.axis_index("s")
    wid = sid * _NC + cid
    base = wid * _RPT
    pb = _TCB * _C * _M

    pltpu.sync_copy(pf_hbm.at[pl.ds(pb + base, _RPT)], pc0)
    pltpu.sync_copy(pf_hbm.at[pl.ds(pb + _M + base, _RPT)], pc1)
    pltpu.sync_copy(pf_hbm.at[pl.ds(pb + 2 * _M + base, _RPT)], pc2)
    pltpu.sync_copy(gf_hbm.at[pl.ds(pb, _N)], g0v)
    pltpu.sync_copy(gf_hbm.at[pl.ds(pb + _N, _N)], g1v)
    pltpu.sync_copy(gf_hbm.at[pl.ds(pb + 2 * _N, _N)], g2v)

    big = jnp.full((_L,), 3.0e38, jnp.float32)
    for j in range(_CHUNKS):
        cminv[pl.ds(j * _L, _L)] = big

    def group_body(grp, _):
        og = grp * _L
        p0g = pc0[pl.ds(og, _L)]
        p1g = pc1[pl.ds(og, _L)]
        p2g = pc2[pl.ds(og, _L)]
        for half in range(2):
            ps = []
            for r in range(_R):
                l = half * _R + r
                ps.append((
                    jnp.broadcast_to(p0g[l], (_L,)),
                    jnp.broadcast_to(p1g[l], (_L,)),
                    jnp.broadcast_to(p2g[l], (_L,)),
                ))

            def chunk_body(j, raccs):
                o = j * _L
                g0c = g0v[pl.ds(o, _L)]
                g1c = g1v[pl.ds(o, _L)]
                g2c = g2v[pl.ds(o, _L)]
                ds_list = []
                for r in range(_R):
                    d0 = ps[r][0] - g0c
                    d1 = ps[r][1] - g1c
                    d2 = ps[r][2] - g2c
                    ds_list.append(d0 * d0 + d1 * d1 + d2 * d2)
                m = ds_list
                while len(m) > 1:
                    m = [jnp.minimum(m[i], m[i + 1]) for i in range(0, len(m) - 1, 2)] + (
                        [m[-1]] if len(m) % 2 else []
                    )
                cminv[pl.ds(o, _L)] = jnp.minimum(cminv[pl.ds(o, _L)], m[0])
                return tuple(jnp.minimum(raccs[r], ds_list[r]) for r in range(_R))

            raccs = lax.fori_loop(0, _CHUNKS, chunk_body, (big,) * _R, unroll=4)
            for r in range(_R):
                row = og + half * _R + r
                rowv[pl.ds(row * _L, _L)] = raccs[r]
        return 0

    lax.fori_loop(0, _GROUPS, group_body, 0)

    pltpu.sync_copy(rowv, rowmin_hbm.at[pl.ds(base * _L, _RPT * _L)])
    pltpu.sync_copy(cminv, colph_hbm.at[pl.ds(wid * _N, _N)])


@functools.partial(
    pl.kernel,
    out_type=(
        jax.ShapeDtypeStruct((_M * _L,), jnp.float32),
        jax.ShapeDtypeStruct((_NW * _N,), jnp.float32),
    ),
    mesh=plsc.VectorSubcoreMesh(core_axis_name="c", subcore_axis_name="s"),
    scratch_types=[
        pltpu.VMEM((_N,), jnp.float32),
        pltpu.VMEM((_N,), jnp.float32),
        pltpu.VMEM((_N,), jnp.float32),
        pltpu.VMEM((_RPT,), jnp.float32),
        pltpu.VMEM((_RPT,), jnp.float32),
        pltpu.VMEM((_RPT,), jnp.float32),
        pltpu.VMEM((_N,), jnp.float32),
        pltpu.VMEM((_RPT * _L,), jnp.float32),
        pltpu.SemaphoreType.DMA,
    ],
)
def _sc_minima(pf_hbm, gf_hbm, rowmin_hbm, colph_hbm, g0v, g1v, g2v, pc0, pc1, pc2, cminv, rowv, sem):
    _sc_body(pf_hbm, gf_hbm, rowmin_hbm, colph_hbm, g0v, g1v, g2v, pc0, pc1, pc2, cminv, rowv, sem)


def _tc_merge(tcpart_ref, rowmin_ref, colph_ref, out_ref):
    rmin = jnp.min(rowmin_ref[...], axis=1, keepdims=True)
    fsum = jnp.sum(jnp.sqrt(rmin + _EPS), axis=(0, 1), keepdims=True)
    cmin = jnp.min(colph_ref[...], axis=0)
    bsum = jnp.sum(jnp.sqrt(cmin + _EPS), axis=(0, 1)).reshape(1, 1)
    ftot = tcpart_ref[:, 0:1] + fsum
    btot = tcpart_ref[:, 1:2] + bsum
    out_ref[...] = ftot / (_B * _M) + btot / (_B * _N)


def kernel(predict_pc, gt_pc):
    rowmin_sc, colph = _sc_minima(predict_pc.reshape(-1), gt_pc.reshape(-1))

    tc_part = pl.pallas_call(
        _tc_main,
        grid=(_TCB, _MI),
        in_specs=[
            pl.BlockSpec((1, _C, _MB), lambda b, mi: (b, 0, mi)),
            pl.BlockSpec((1, _C, _N), lambda b, mi: (b, 0, 0)),
        ],
        out_specs=pl.BlockSpec((1, 2), lambda b, mi: (0, 0)),
        out_shape=jax.ShapeDtypeStruct((1, 2), jnp.float32),
        scratch_shapes=[
            pltpu.VMEM((1, _N), jnp.float32),
            pltpu.VMEM((1, 1), jnp.float32),
            pltpu.VMEM((1, 1), jnp.float32),
        ],
    )(predict_pc, gt_pc)

    out = pl.pallas_call(
        _tc_merge,
        out_shape=jax.ShapeDtypeStruct((1, 1), jnp.float32),
    )(tc_part, rowmin_sc.reshape(_M, _L), colph.reshape(_NW, 32, 128))
    return out[0, 0]

# --- scband reference (transcript-rebuilt; emitter-appended) ---
"""Pipeline reference for scband-envs-42898133352725 (READ-ONLY COPY).

The authoritative reference and input builder live on the scoring server;
editing this copy changes nothing except your own understanding.
"""

import jax, jax.numpy as jnp
import numpy as np


def setup_inputs(seed: int = 0) -> dict:
    key = jax.random.key(seed)
    k1, k2 = jax.random.split(key)
    predict_pc = jax.random.normal(k1, (4, 3, 4096), dtype=jnp.float32)
    gt_pc = jax.random.normal(k2, (4, 3, 4096), dtype=jnp.float32)
    return {"predict_pc": predict_pc, "gt_pc": gt_pc}


def reference(predict_pc, gt_pc):
    # predict_pc: [B,3,M], gt_pc: [B,3,N]
    # Faithful ChamferLoss (k=1) as in the torch module: faiss IndexFlatL2
    # exact 1-NN search in both directions, gather, robust_norm, mean.
    p = jnp.transpose(predict_pc, (0, 2, 1))  # [B,M,3]
    g = jnp.transpose(gt_pc, (0, 2, 1))       # [B,N,3]
    # exact L2 pairwise distances (what IndexFlatL2 computes)
    d2 = jnp.sum((p[:, :, None, :] - g[:, None, :, :]) ** 2, axis=-1)  # [B,M,N]
    idx_gt_by_pred = jnp.argmin(d2, axis=2)  # [B,M] nearest gt point per predict point
    idx_pred_by_gt = jnp.argmin(d2, axis=1)  # [B,N] nearest predict point per gt point
    # gather: gt_pc[i].index_select(1, I) -> take_along_axis on last axis
    selected_gt_by_predict = jnp.take_along_axis(gt_pc, idx_gt_by_pred[:, None, :], axis=2)      # [B,3,M]
    selected_predict_by_gt = jnp.take_along_axis(predict_pc, idx_pred_by_gt[:, None, :], axis=2)  # [B,3,N]
    # add k=1 axis to match torch shapes [B,k,3,M]
    selected_gt_by_predict = selected_gt_by_predict[:, None, :, :]
    selected_predict_by_gt = selected_predict_by_gt[:, None, :, :]
    # robust_norm: sqrt(sum over channel dim (dim=2) + 1e-8)
    fdiff = selected_gt_by_predict - predict_pc[:, None, :, :]
    forward_loss_element = jnp.sqrt(jnp.sum(fdiff ** 2, axis=2) + 1e-8)  # [B,1,M]
    forward_loss = jnp.mean(forward_loss_element)
    bdiff = selected_predict_by_gt - gt_pc[:, None, :, :]
    backward_loss_element = jnp.sqrt(jnp.sum(bdiff ** 2, axis=2) + 1e-8)  # [B,1,N]
    backward_loss = jnp.mean(backward_loss_element)
    return forward_loss + backward_loss

if __name__ == "__main__":
    import jax
    _d = setup_inputs()
    print(jax.jit(kernel)(*tuple(_d.values())))

</pallas_src>

<mosaic_0001>
#map = affine_map<(d0, d1) -> (0)>
module attributes {stable_mosaic.version = 14 : i64} {
  func.func @_sc_minima(%arg0: i32, %arg1: i32, %arg2: memref<49152xf32, #tpu.memory_space<hbm>>, %arg3: memref<49152xf32, #tpu.memory_space<hbm>>, %arg4: memref<65536xf32, #tpu.memory_space<hbm>>, %arg5: memref<131072xf32, #tpu.memory_space<hbm>>, %arg6: memref<4096xf32, #tpu.memory_space<vmem>>, %arg7: memref<4096xf32, #tpu.memory_space<vmem>>, %arg8: memref<4096xf32, #tpu.memory_space<vmem>>, %arg9: memref<128xf32, #tpu.memory_space<vmem>>, %arg10: memref<128xf32, #tpu.memory_space<vmem>>, %arg11: memref<128xf32, #tpu.memory_space<vmem>>, %arg12: memref<4096xf32, #tpu.memory_space<vmem>>, %arg13: memref<2048xf32, #tpu.memory_space<vmem>>, %arg14: memref<!tpu.dma_semaphore, #tpu.memory_space<semaphore_mem>>) attributes {dimension_semantics = [#tpu.dimension_semantics<core_parallel>, #tpu.dimension_semantics<subcore_parallel>], iteration_bounds = array<i64: 2, 16>, scalar_prefetch = 0 : i64, scratch_operands = 9 : i64, tpu.core_type = #tpu.core_type<sc_vector_subcore>, window_params = [{transform_indices = #map}, {transform_indices = #map}, {transform_indices = #map}, {transform_indices = #map}]} {
    %mul3A = arith.constant 2 : i32
    %mul3A_0 = arith.muli %arg1, %mul3A : i32
    %add3A = arith.addi %mul3A_0, %arg0 : i32
    %mul3A_1 = arith.constant 128 : i32
    %mul3A_2 = arith.muli %add3A, %mul3A_1 : i32
    %add3A_3 = arith.constant 36864 : i32
    %add3A_4 = arith.addi %add3A_3, %mul3A_2 : i32
    "tpu.region"() ({
      %run_scoped3A = tpu.sem_alloc : memref<!tpu.dma_semaphore, #tpu.memory_space<semaphore_mem>>
      %dma_start3A = tpu.memref_slice %arg2[%add3A_4] : memref<49152xf32, #tpu.memory_space<hbm>> -> memref<128xf32, #tpu.memory_space<hbm>>
      %dma_start3A_1043 = tpu.memref_slice %arg2[%add3A_4] : memref<49152xf32, #tpu.memory_space<hbm>> -> memref<128xf32, #tpu.memory_space<hbm>>
      tpu.enqueue_dma source(%dma_start3A_1043 : memref<128xf32, #tpu.memory_space<hbm>>) target(%arg9 : memref<128xf32, #tpu.memory_space<vmem>>) target_semaphore(%run_scoped3A : memref<!tpu.dma_semaphore, #tpu.memory_space<semaphore_mem>>)
      %dma_wait3A = tpu.memref_slice %arg2[%add3A_4] : memref<49152xf32, #tpu.memory_space<hbm>> -> memref<128xf32, #tpu.memory_space<hbm>>
      %dma_wait3A_1044 = tpu.memref_slice %arg2[%add3A_4] : memref<49152xf32, #tpu.memory_space<hbm>> -> memref<128xf32, #tpu.memory_space<hbm>>
      tpu.wait_dma2 semaphore(%run_scoped3A : memref<!tpu.dma_semaphore, #tpu.memory_space<semaphore_mem>>) src(%dma_wait3A_1044 : memref<128xf32, #tpu.memory_space<hbm>>) dst(%arg9 : memref<128xf32, #tpu.memory_space<vmem>>)
      tpu.yield
    }) : () -> ()
    %add3A_5 = arith.constant 40960 : i32
    %add3A_6 = arith.addi %add3A_5, %mul3A_2 : i32
    "tpu.region"() ({
      %run_scoped3A = tpu.sem_alloc : memref<!tpu.dma_semaphore, #tpu.memory_space<semaphore_mem>>
      %dma_start3A = tpu.memref_slice %arg2[%add3A_6] : memref<49152xf32, #tpu.memory_space<hbm>> -> memref<128xf32, #tpu.memory_space<hbm>>
      %dma_start3A_1043 = tpu.memref_slice %arg2[%add3A_6] : memref<49152xf32, #tpu.memory_space<hbm>> -> memref<128xf32, #tpu.memory_space<hbm>>
      tpu.enqueue_dma source(%dma_start3A_1043 : memref<128xf32, #tpu.memory_space<hbm>>) target(%arg10 : memref<128xf32, #tpu.memory_space<vmem>>) target_semaphore(%run_scoped3A : memref<!tpu.dma_semaphore, #tpu.memory_space<semaphore_mem>>)
      %dma_wait3A = tpu.memref_slice %arg2[%add3A_6] : memref<49152xf32, #tpu.memory_space<hbm>> -> memref<128xf32, #tpu.memory_space<hbm>>
      %dma_wait3A_1044 = tpu.memref_slice %arg2[%add3A_6] : memref<49152xf32, #tpu.memory_space<hbm>> -> memref<128xf32, #tpu.memory_space<hbm>>
      tpu.wait_dma2 semaphore(%run_scoped3A : memref<!tpu.dma_semaphore, #tpu.memory_space<semaphore_mem>>) src(%dma_wait3A_1044 : memref<128xf32, #tpu.memory_space<hbm>>) dst(%arg10 : memref<128xf32, #tpu.memory_space<vmem>>)
      tpu.yield
    }) : () -> ()
    %add3A_7 = arith.constant 45056 : i32
    %add3A_8 = arith.addi %add3A_7, %mul3A_2 : i32
    "tpu.region"() ({
      %run_scoped3A = tpu.sem_alloc : memref<!tpu.dma_semaphore, #tpu.memory_space<semaphore_mem>>
      %dma_start3A = tpu.memref_slice %arg2[%add3A_8] : memref<49152xf32, #tpu.memory_space<hbm>> -> memref<128xf32, #tpu.memory_space<hbm>>
      %dma_start3A_1043 = tpu.memref_slice %arg2[%add3A_8] : memref<49152xf32, #tpu.memory_space<hbm>> -> memref<128xf32, #tpu.memory_space<hbm>>
      tpu.enqueue_dma source(%dma_start3A_1043 : memref<128xf32, #tpu.memory_space<hbm>>) target(%arg11 : memref<128xf32, #tpu.memory_space<vmem>>) target_semaphore(%run_scoped3A : memref<!tpu.dma_semaphore, #tpu.memory_space<semaphore_mem>>)
      %dma_wait3A = tpu.memref_slice %arg2[%add3A_8] : memref<49152xf32, #tpu.memory_space<hbm>> -> memref<128xf32, #tpu.memory_space<hbm>>
      %dma_wait3A_1044 = tpu.memref_slice %arg2[%add3A_8] : memref<49152xf32, #tpu.memory_space<hbm>> -> memref<128xf32, #tpu.memory_space<hbm>>
      tpu.wait_dma2 semaphore(%run_scoped3A : memref<!tpu.dma_semaphore, #tpu.memory_space<semaphore_mem>>) src(%dma_wait3A_1044 : memref<128xf32, #tpu.memory_space<hbm>>) dst(%arg11 : memref<128xf32, #tpu.memory_space<vmem>>)
      tpu.yield
    }) : () -> ()
    "tpu.region"() ({
      %run_scoped3A = tpu.sem_alloc : memref<!tpu.dma_semaphore, #tpu.memory_space<semaphore_mem>>
      %dma_start3A = arith.constant 36864 : i32
      %dma_start3A_1043 = tpu.memref_slice %arg3[%dma_start3A] : memref<49152xf32, #tpu.memory_space<hbm>> -> memref<4096xf32, #tpu.memory_space<hbm>>
      %dma_start3A_1044 = arith.constant 36864 : i32
      %dma_start3A_1045 = tpu.memref_slice %arg3[%dma_start3A_1044] : memref<49152xf32, #tpu.memory_space<hbm>> -> memref<4096xf32, #tpu.memory_space<hbm>>
      tpu.enqueue_dma source(%dma_start3A_1045 : memref<4096xf32, #tpu.memory_space<hbm>>) target(%arg6 : memref<4096xf32, #tpu.memory_space<vmem>>) target_semaphore(%run_scoped3A : memref<!tpu.dma_semaphore, #tpu.memory_space<semaphore_mem>>)
      %dma_wait3A = arith.constant 36864 : i32
      %dma_wait3A_1046 = tpu.memref_slice %arg3[%dma_wait3A] : memref<49152xf32, #tpu.memory_space<hbm>> -> memref<4096xf32, #tpu.memory_space<hbm>>
      %dma_wait3A_1047 = arith.constant 36864 : i32
      %dma_wait3A_1048 = tpu.memref_slice %arg3[%dma_wait3A_1047] : memref<49152xf32, #tpu.memory_space<hbm>> -> memref<4096xf32, #tpu.memory_space<hbm>>
      tpu.wait_dma2 semaphore(%run_scoped3A : memref<!tpu.dma_semaphore, #tpu.memory_space<semaphore_mem>>) src(%dma_wait3A_1048 : memref<4096xf32, #tpu.memory_space<hbm>>) dst(%arg6 : memref<4096xf32, #tpu.memory_space<vmem>>)
      tpu.yield
    }) : () -> ()
    "tpu.region"() ({
      %run_scoped3A = tpu.sem_alloc : memref<!tpu.dma_semaphore, #tpu.memory_space<semaphore_mem>>
      %dma_start3A = arith.constant 40960 : i32
      %dma_start3A_1043 = tpu.memref_slice %arg3[%dma_start3A] : memref<49152xf32, #tpu.memory_space<hbm>> -> memref<4096xf32, #tpu.memory_space<hbm>>
      %dma_start3A_1044 = arith.constant 40960 : i32
      %dma_start3A_1045 = tpu.memref_slice %arg3[%dma_start3A_1044] : memref<49152xf32, #tpu.memory_space<hbm>> -> memref<4096xf32, #tpu.memory_space<hbm>>
      tpu.enqueue_dma source(%dma_start3A_1045 : memref<4096xf32, #tpu.memory_space<hbm>>) target(%arg7 : memref<4096xf32, #tpu.memory_space<vmem>>) target_semaphore(%run_scoped3A : memref<!tpu.dma_semaphore, #tpu.memory_space<semaphore_mem>>)
      %dma_wait3A = arith.constant 40960 : i32
      %dma_wait3A_1046 = tpu.memref_slice %arg3[%dma_wait3A] : memref<49152xf32, #tpu.memory_space<hbm>> -> memref<4096xf32, #tpu.memory_space<hbm>>
      %dma_wait3A_1047 = arith.constant 40960 : i32
      %dma_wait3A_1048 = tpu.memref_slice %arg3[%dma_wait3A_1047] : memref<49152xf32, #tpu.memory_space<hbm>> -> memref<4096xf32, #tpu.memory_space<hbm>>
      tpu.wait_dma2 semaphore(%run_scoped3A : memref<!tpu.dma_semaphore, #tpu.memory_space<semaphore_mem>>) src(%dma_wait3A_1048 : memref<4096xf32, #tpu.memory_space<hbm>>) dst(%arg7 : memref<4096xf32, #tpu.memory_space<vmem>>)
      tpu.yield
    }) : () -> ()
    "tpu.region"() ({
      %run_scoped3A = tpu.sem_alloc : memref<!tpu.dma_semaphore, #tpu.memory_space<semaphore_mem>>
      %dma_start3A = arith.constant 45056 : i32
      %dma_start3A_1043 = tpu.memref_slice %arg3[%dma_start3A] : memref<49152xf32, #tpu.memory_space<hbm>> -> memref<4096xf32, #tpu.memory_space<hbm>>
      %dma_start3A_1044 = arith.constant 45056 : i32
      %dma_start3A_1045 = tpu.memref_slice %arg3[%dma_start3A_1044] : memref<49152xf32, #tpu.memory_space<hbm>> -> memref<4096xf32, #tpu.memory_space<hbm>>
      tpu.enqueue_dma source(%dma_start3A_1045 : memref<4096xf32, #tpu.memory_space<hbm>>) target(%arg8 : memref<4096xf32, #tpu.memory_space<vmem>>) target_semaphore(%run_scoped3A : memref<!tpu.dma_semaphore, #tpu.memory_space<semaphore_mem>>)
      %dma_wait3A = arith.constant 45056 : i32
      %dma_wait3A_1046 = tpu.memref_slice %arg3[%dma_wait3A] : memref<49152xf32, #tpu.memory_space<hbm>> -> memref<4096xf32, #tpu.memory_space<hbm>>
      %dma_wait3A_1047 = arith.constant 45056 : i32
      %dma_wait3A_1048 = tpu.memref_slice %arg3[%dma_wait3A_1047] : memref<49152xf32, #tpu.memory_space<hbm>> -> memref<4096xf32, #tpu.memory_space<hbm>>
      tpu.wait_dma2 semaphore(%run_scoped3A : memref<!tpu.dma_semaphore, #tpu.memory_space<semaphore_mem>>) src(%dma_wait3A_1048 : memref<4096xf32, #tpu.memory_space<hbm>>) dst(%arg8 : memref<4096xf32, #tpu.memory_space<vmem>>)
      tpu.yield
    }) : () -> ()
    %broadcast_in_dim3A = arith.constant 3.000000e+38 : f32
    %broadcast_in_dim3A_9 = vector.broadcast %broadcast_in_dim3A : f32 to vector<16xf32>
    %swap3A = arith.constant 0 : index
    %swap3A_10 = tpu.vector_load %arg12[%swap3A] {strides = array<i32>} : memref<4096xf32, #tpu.memory_space<vmem>>, vector<16xf32>,
    %swap3A_11 = vector.shape_cast %swap3A_10 : vector<16xf32> to vector<16xf32>
    %swap3A_12 = vector.shape_cast %broadcast_in_dim3A_9 : vector<16xf32> to vector<16xf32>
    tpu.vector_store %arg12[%swap3A], %swap3A_12 {strides = array<i32>} : memref<4096xf32, #tpu.memory_space<vmem>>, vector<16xf32>,
    %swap3A_13 = arith.constant 16 : index
    %swap3A_14 = tpu.vector_load %arg12[%swap3A_13] {strides = array<i32>} : memref<4096xf32, #tpu.memory_space<vmem>>, vector<16xf32>,
    %swap3A_15 = vector.shape_cast %swap3A_14 : vector<16xf32> to vector<16xf32>
    %swap3A_16 = vector.shape_cast %broadcast_in_dim3A_9 : vector<16xf32> to vector<16xf32>
    tpu.vector_store %arg12[%swap3A_13], %swap3A_16 {strides = array<i32>} : memref<4096xf32, #tpu.memory_space<vmem>>, vector<16xf32>,
    %swap3A_17 = arith.constant 32 : index
    %swap3A_18 = tpu.vector_load %arg12[%swap3A_17] {strides = array<i32>} : memref<4096xf32, #tpu.memory_space<vmem>>, vector<16xf32>,
    %swap3A_19 = vector.shape_cast %swap3A_18 : vector<16xf32> to vector<16xf32>
    %swap3A_20 = vector.shape_cast %broadcast_in_dim3A_9 : vector<16xf32> to vector<16xf32>
    tpu.vector_store %arg12[%swap3A_17], %swap3A_20 {strides = array<i32>} : memref<4096xf32, #tpu.memory_space<vmem>>, vector<16xf32>,
    %swap3A_21 = arith.constant 48 : index
    %swap3A_22 = tpu.vector_load %arg12[%swap3A_21] {strides = array<i32>} : memref<4096xf32, #tpu.memory_space<vmem>>, vector<16xf32>,
    %swap3A_23 = vector.shape_cast %swap3A_22 : vector<16xf32> to vector<16xf32>
    %swap3A_24 = vector.shape_cast %broadcast_in_dim3A_9 : vector<16xf32> to vector<16xf32>
    tpu.vector_store %arg12[%swap3A_21], %swap3A_24 {strides = array<i32>} : memref<4096xf32, #tpu.memory_space<vmem>>, vector<16xf32>,
    %swap3A_25 = arith.constant 64 : index
    %swap3A_26 = tpu.vector_load %arg12[%swap3A_25] {strides = array<i32>} : memref<4096xf32, #tpu.memory_space<vmem>>, vector<16xf32>,
    %swap3A_27 = vector.shape_cast %swap3A_26 : vector<16xf32> to vector<16xf32>
    %swap3A_28 = vector.shape_cast %broadcast_in_dim3A_9 : vector<16xf32> to vector<16xf32>
    tpu.vector_store %arg12[%swap3A_25], %swap3A_28 {strides = array<i32>} : memref<4096xf32, #tpu.memory_space<vmem>>, vector<16xf32>,
    %swap3A_29 = arith.constant 80 : index
    %swap3A_30 = tpu.vector_load %arg12[%swap3A_29] {strides = array<i32>} : memref<4096xf32, #tpu.memory_space<vmem>>, vector<16xf32>,
    %swap3A_31 = vector.shape_cast %swap3A_30 : vector<16xf32> to vector<16xf32>
    %swap3A_32 = vector.shape_cast %broadcast_in_dim3A_9 : vector<16xf32> to vector<16xf32>
    tpu.vector_store %arg12[%swap3A_29], %swap3A_32 {strides = array<i32>} : memref<4096xf32, #tpu.memory_space<vmem>>, vector<16xf32>,
    %swap3A_33 = arith.constant 96 : index
    %swap3A_34 = tpu.vector_load %arg12[%swap3A_33] {strides = array<i32>} : memref<4096xf32, #tpu.memory_space<vmem>>, vector<16xf32>,
    %swap3A_35 = vector.shape_cast %swap3A_34 : vector<16xf32> to vector<16xf32>
    %swap3A_36 = vector.shape_cast %broadcast_in_dim3A_9 : vector<16xf32> to vector<16xf32>
    tpu.vector_store %arg12[%swap3A_33], %swap3A_36 {strides = array<i32>} : memref<4096xf32, #tpu.memory_space<vmem>>, vector<16xf32>,
    %swap3A_37 = arith.constant 112 : index
    %swap3A_38 = tpu.vector_load %arg12[%swap3A_37] {strides = array<i32>} : memref<4096xf32, #tpu.memory_space<vmem>>, vector<16xf32>,
    %swap3A_39 = vector.shape_cast %swap3A_38 : vector<16xf32> to vector<16xf32>
    %swap3A_40 = vector.shape_cast %broadcast_in_dim3A_9 : vector<16xf32> to vector<16xf32>
    tpu.vector_store %arg12[%swap3A_37], %swap3A_40 {strides = array<i32>} : memref<4096xf32, #tpu.memory_space<vmem>>, vector<16xf32>,
    %swap3A_41 = arith.constant 128 : index
    %swap3A_42 = tpu.vector_load %arg12[%swap3A_41] {strides = array<i32>} : memref<4096xf32, #tpu.memory_space<vmem>>, vector<16xf32>,
    %swap3A_43 = vector.shape_cast %swap3A_42 : vector<16xf32> to vector<16xf32>
    %swap3A_44 = vector.shape_cast %broadcast_in_dim3A_9 : vector<16xf32> to vector<16xf32>
    tpu.vector_store %arg12[%swap3A_41], %swap3A_44 {strides = array<i32>} : memref<4096xf32, #tpu.memory_space<vmem>>, vector<16xf32>,
    %swap3A_45 = arith.constant 144 : index
    %swap3A_46 = tpu.vector_load %arg12[%swap3A_45] {strides = array<i32>} : memref<4096xf32, #tpu.memory_space<vmem>>, vector<16xf32>,
    %swap3A_47 = vector.shape_cast %swap3A_46 : vector<16xf32> to vector<16xf32>
    %swap3A_48 = vector.shape_cast %broadcast_in_dim3A_9 : vector<16xf32> to vector<16xf32>
    tpu.vector_store %arg12[%swap3A_45], %swap3A_48 {strides = array<i32>} : memref<4096xf32, #tpu.memory_space<vmem>>, vector<16xf32>,
    %swap3A_49 = arith.constant 160 : index
    %swap3A_50 = tpu.vector_load %arg12[%swap3A_49] {strides = array<i32>} : memref<4096xf32, #tpu.memory_space<vmem>>, vector<16xf32>,
    %swap3A_51 = vector.shape_cast %swap3A_50 : vector<16xf32> to vector<16xf32>
    %swap3A_52 = vector.shape_cast %broadcast_in_dim3A_9 : vector<16xf32> to vector<16xf32>
    tpu.vector_store %arg12[%swap3A_49], %swap3A_52 {strides = array<i32>} : memref<4096xf32, #tpu.memory_space<vmem>>, vector<16xf32>,
    %swap3A_53 = arith.constant 176 : index
    %swap3A_54 = tpu.vector_load %arg12[%swap3A_53] {strides = array<i32>} : memref<4096xf32, #tpu.memory_space<vmem>>, vector<16xf32>,
    %swap3A_55 = vector.shape_cast %swap3A_54 : vector<16xf32> to vector<16xf32>
    %swap3A_56 = vector.shape_cast %broadcast_in_dim3A_9 : vector<16xf32> to vector<16xf32>
    tpu.vector_store %arg12[%swap3A_53], %swap3A_56 {strides = array<i32>} : memref<4096xf32, #tpu.memory_space<vmem>>, vector<16xf32>,
    %swap3A_57 = arith.constant 192 : index
    %swap3A_58 = tpu.vector_load %arg12[%swap3A_57] {strides = array<i32>} : memref<4096xf32, #tpu.memory_space<vmem>>, vector<16xf32>,
    %swap3A_59 = vector.shape_cast %swap3A_58 : vector<16xf32> to vector<16xf32>
    %swap3A_60 = vector.shape_cast %broadcast_in_dim3A_9 : vector<16xf32> to vector<16xf32>
    tpu.vector_store %arg12[%swap3A_57], %swap3A_60 {strides = array<i32>} : memref<4096xf32, #tpu.memory_space<vmem>>, vector<16xf32>,
    %swap3A_61 = arith.constant 208 : index
    %swap3A_62 = tpu.vector_load %arg12[%swap3A_61] {strides = array<i32>} : memref<4096xf32, #tpu.memory_space<vmem>>, vector<16xf32>,
    %swap3A_63 = vector.shape_cast %swap3A_62 : vector<16xf32> to vector<16xf32>
    %swap3A_64 = vector.shape_cast %broadcast_in_dim3A_9 : vector<16xf32> to vector<16xf32>
    tpu.vector_store %arg12[%swap3A_61], %swap3A_64 {strides = array<i32>} : memref<4096xf32, #tpu.memory_space<vmem>>, vector<16xf32>,
    %swap3A_65 = arith.constant 224 : index
    %swap3A_66 = tpu.vector_load %arg12[%swap3A_65] {strides = array<i32>} : memref<4096xf32, #tpu.memory_space<vmem>>, vector<16xf32>,
    %swap3A_67 = vector.shape_cast %swap3A_66 : vector<16xf32> to vector<16xf32>
    %swap3A_68 = vector.shape_cast %broadcast_in_dim3A_9 : vector<16xf32> to vector<16xf32>
    tpu.vector_store %arg12[%swap3A_65], %swap3A_68 {strides = array<i32>} : memref<4096xf32, #tpu.memory_space<vmem>>, vector<16xf32>,
    %swap3A_69 = arith.constant 240 : index
    %swap3A_70 = tpu.vector_load %arg12[%swap3A_69] {strides = array<i32>} : memref<4096xf32, #tpu.memory_space<vmem>>, vector<16xf32>,
    %swap3A_71 = vector.shape_cast %swap3A_70 : vector<16xf32> to vector<16xf32>
    %swap3A_72 = vector.shape_cast %broadcast_in_dim3A_9 : vector<16xf32> to vector<16xf32>
    tpu.vector_store %arg12[%swap3A_69], %swap3A_72 {strides = array<i32>} : memref<4096xf32, #tpu.memory_space<vmem>>, vector<16xf32>,
    %swap3A_73 = arith.constant 256 : index
    %swap3A_74 = tpu.vector_load %arg12[%swap3A_73] {strides = array<i32>} : memref<4096xf32, #tpu.memory_space<vmem>>, vector<16xf32>,
    %swap3A_75 = vector.shape_cast %swap3A_74 : vector<16xf32> to vector<16xf32>
    %swap3A_76 = vector.shape_cast %broadcast_in_dim3A_9 : vector<16xf32> to vector<16xf32>
    tpu.vector_store %arg12[%swap3A_73], %swap3A_76 {strides = array<i32>} : memref<4096xf32, #tpu.memory_space<vmem>>, vector<16xf32>,
    %swap3A_77 = arith.constant 272 : index
    %swap3A_78 = tpu.vector_load %arg12[%swap3A_77] {strides = array<i32>} : memref<4096xf32, #tpu.memory_space<vmem>>, vector<16xf32>,
    %swap3A_79 = vector.shape_cast %swap3A_78 : vector<16xf32> to vector<16xf32>
    %swap3A_80 = vector.shape_cast %broadcast_in_dim3A_9 : vector<16xf32> to vector<16xf32>
    tpu.vector_store %arg12[%swap3A_77], %swap3A_80 {strides = array<i32>} : memref<4096xf32, #tpu.memory_space<vmem>>, vector<16xf32>,
    %swap3A_81 = arith.constant 288 : index
    %swap3A_82 = tpu.vector_load %arg12[%swap3A_81] {strides = array<i32>} : memref<4096xf32, #tpu.memory_space<vmem>>, vector<16xf32>,
    %swap3A_83 = vector.shape_cast %swap3A_82 : vector<16xf32> to vector<16xf32>
    %swap3A_84 = vector.shape_cast %broadcast_in_dim3A_9 : vector<16xf32> to vector<16xf32>
    tpu.vector_store %arg12[%swap3A_81], %swap3A_84 {strides = array<i32>} : memref<4096xf32, #tpu.memory_space<vmem>>, vector<16xf32>,
    %swap3A_85 = arith.constant 304 : index
    %swap3A_86 = tpu.vector_load %arg12[%swap3A_85] {strides = array<i32>} : memref<4096xf32, #tpu.memory_space<vmem>>, vector<16xf32>,
    %swap3A_87 = vector.shape_cast %swap3A_86 : vector<16xf32> to vector<16xf32>
    %swap3A_88 = vector.shape_cast %broadcast_in_dim3A_9 : vector<16xf32> to vector<16xf32>
    tpu.vector_store %arg12[%swap3A_85], %swap3A_88 {strides = array<i32>} : memref<4096xf32, #tpu.memory_space<vmem>>, vector<16xf32>,
    %swap3A_89 = arith.constant 320 : index
    %swap3A_90 = tpu.vector_load %arg12[%swap3A_89] {strides = array<i32>} : memref<4096xf32, #tpu.memory_space<vmem>>, vector<16xf32>,
    %swap3A_91 = vector.shape_cast %swap3A_90 : vector<16xf32> to vector<16xf32>
    %swap3A_92 = vector.shape_cast %broadcast_in_dim3A_9 : vector<16xf32> to vector<16xf32>
    tpu.vector_store %arg12[%swap3A_89], %swap3A_92 {strides = array<i32>} : memref<4096xf32, #tpu.memory_space<vmem>>, vector<16xf32>,
    %swap3A_93 = arith.constant 336 : index
    %swap3A_94 = tpu.vector_load %arg12[%swap3A_93] {strides = array<i32>} : memref<4096xf32, #tpu.memory_space<vmem>>, vector<16xf32>,
    %swap3A_95 = vector.shape_cast %swap3A_94 : vector<16xf32> to vector<16xf32>
    %swap3A_96 = vector.shape_cast %broadcast_in_dim3A_9 : vector<16xf32> to vector<16xf32>
    tpu.vector_store %arg12[%swap3A_93], %swap3A_96 {strides = array<i32>} : memref<4096xf32, #tpu.memory_space<vmem>>, vector<16xf32>,
    %swap3A_97 = arith.constant 352 : index
    %swap3A_98 = tpu.vector_load %arg12[%swap3A_97] {strides = array<i32>} : memref<4096xf32, #tpu.memory_space<vmem>>, vector<16xf32>,
    %swap3A_99 = vector.shape_cast %swap3A_98 : vector<16xf32> to vector<16xf32>
    %swap3A_100 = vector.shape_cast %broadcast_in_dim3A_9 : vector<16xf32> to vector<16xf32>
    tpu.vector_store %arg12[%swap3A_97], %swap3A_100 {strides = array<i32>} : memref<4096xf32, #tpu.memory_space<vmem>>, vector<16xf32>,
    %swap3A_101 = arith.constant 368 : index
    %swap3A_102 = tpu.vector_load %arg12[%swap3A_101] {strides = array<i32>} : memref<4096xf32, #tpu.memory_space<vmem>>, vector<16xf32>,
    %swap3A_103 = vector.shape_cast %swap3A_102 : vector<16xf32> to vector<16xf32>
    %swap3A_104 = vector.shape_cast %broadcast_in_dim3A_9 : vector<16xf32> to vector<16xf32>
    tpu.vector_store %arg12[%swap3A_101], %swap3A_104 {strides = array<i32>} : memref<4096xf32, #tpu.memory_space<vmem>>, vector<16xf32>,
    %swap3A_105 = arith.constant 384 : index
    %swap3A_106 = tpu.vector_load %arg12[%swap3A_105] {strides = array<i32>} : memref<4096xf32, #tpu.memory_space<vmem>>, vector<16xf32>,
    %swap3A_107 = vector.shape_cast %swap3A_106 : vector<16xf32> to vector<16xf32>
    %swap3A_108 = vector.shape_cast %broadcast_in_dim3A_9 : vector<16xf32> to vector<16xf32>
    tpu.vector_store %arg12[%swap3A_105], %swap3A_108 {strides = array<i32>} : memref<4096xf32, #tpu.memory_space<vmem>>, vector<16xf32>,
    %swap3A_109 = arith.constant 400 : index
    %swap3A_110 = tpu.vector_load %arg12[%swap3A_109] {strides = array<i32>} : memref<4096xf32, #tpu.memory_space<vmem>>, vector<16xf32>,
    %swap3A_111 = vector.shape_cast %swap3A_110 : vector<16xf32> to vector<16xf32>
    %swap3A_112 = vector.shape_cast %broadcast_in_dim3A_9 : vector<16xf32> to vector<16xf32>
    tpu.vector_store %arg12[%swap3A_109], %swap3A_112 {strides = array<i32>} : memref<4096xf32, #tpu.memory_space<vmem>>, vector<16xf32>,
    %swap3A_113 = arith.constant 416 : index
    %swap3A_114 = tpu.vector_load %arg12[%swap3A_113] {strides = array<i32>} : memref<4096xf32, #tpu.memory_space<vmem>>, vector<16xf32>,
    %swap3A_115 = vector.shape_cast %swap3A_114 : vector<16xf32> to vector<16xf32>
    %swap3A_116 = vector.shape_cast %broadcast_in_dim3A_9 : vector<16xf32> to vector<16xf32>
    tpu.vector_store %arg12[%swap3A_113], %swap3A_116 {strides = array<i32>} : memref<4096xf32, #tpu.memory_space<vmem>>, vector<16xf32>,
    %swap3A_117 = arith.constant 432 : index
    %swap3A_118 = tpu.vector_load %arg12[%swap3A_117] {strides = array<i32>} : memref<4096xf32, #tpu.memory_space<vmem>>, vector<16xf32>,
    %swap3A_119 = vector.shape_cast %swap3A_118 : vector<16xf32> to vector<16xf32>
    %swap3A_120 = vector.shape_cast %broadcast_in_dim3A_9 : vector<16xf32> to vector<16xf32>
    tpu.vector_store %arg12[%swap3A_117], %swap3A_120 {strides = array<i32>} : memref<4096xf32, #tpu.memory_space<vmem>>, vector<16xf32>,
    %swap3A_121 = arith.constant 448 : index
    %swap3A_122 = tpu.vector_load %arg12[%swap3A_121] {strides = array<i32>} : memref<4096xf32, #tpu.memory_space<vmem>>, vector<16xf32>,
    %swap3A_123 = vector.shape_cast %swap3A_122 : vector<16xf32> to vector<16xf32>
    %swap3A_124 = vector.shape_cast %broadcast_in_dim3A_9 : vector<16xf32> to vector<16xf32>
    tpu.vector_store %arg12[%swap3A_121], %swap3A_124 {strides = array<i32>} : memref<4096xf32, #tpu.memory_space<vmem>>, vector<16xf32>,
    %swap3A_125 = arith.constant 464 : index
    %swap3A_126 = tpu.vector_load %arg12[%swap3A_125] {strides = array<i32>} : memref<4096xf32, #tpu.memory_space<vmem>>, vector<16xf32>,
    %swap3A_127 = vector.shape_cast %swap3A_126 : vector<16xf32> to vector<16xf32>
    %swap3A_128 = vector.shape_cast %broadcast_in_dim3A_9 : vector<16xf32> to vector<16xf32>
    tpu.vector_store %arg12[%swap3A_125], %swap3A_128 {strides = array<i32>} : memref<4096xf32, #tpu.memory_space<vmem>>, vector<16xf32>,
    %swap3A_129 = arith.constant 480 : index
    %swap3A_130 = tpu.vector_load %arg12[%swap3A_129] {strides = array<i32>} : memref<4096xf32, #tpu.memory_space<vmem>>, vector<16xf32>,
    %swap3A_131 = vector.shape_cast %swap3A_130 : vector<16xf32> to vector<16xf32>
    %swap3A_132 = vector.shape_cast %broadcast_in_dim3A_9 : vector<16xf32> to vector<16xf32>
    tpu.vector_store %arg12[%swap3A_129], %swap3A_132 {strides = array<i32>} : memref<4096xf32, #tpu.memory_space<vmem>>, vector<16xf32>,
    %swap3A_133 = arith.constant 496 : index
    %swap3A_134 = tpu.vector_load %arg12[%swap3A_133] {strides = array<i32>} : memref<4096xf32, #tpu.memory_space<vmem>>, vector<16xf32>,
    %swap3A_135 = vector.shape_cast %swap3A_134 : vector<16xf32> to vector<16xf32>
    %swap3A_136 = vector.shape_cast %broadcast_in_dim3A_9 : vector<16xf32> to vector<16xf32>
    tpu.vector_store %arg12[%swap3A_133], %swap3A_136 {strides = array<i32>} : memref<4096xf32, #tpu.memory_space<vmem>>, vector<16xf32>,
    %swap3A_137 = arith.constant 512 : index
    %swap3A_138 = tpu.vector_load %arg12[%swap3A_137] {strides = array<i32>} : memref<4096xf32, #tpu.memory_space<vmem>>, vector<16xf32>,
    %swap3A_139 = vector.shape_cast %swap3A_138 : vector<16xf32> to vector<16xf32>
    %swap3A_140 = vector.shape_cast %broadcast_in_dim3A_9 : vector<16xf32> to vector<16xf32>
    tpu.vector_store %arg12[%swap3A_137], %swap3A_140 {strides = array<i32>} : memref<4096xf32, #tpu.memory_space<vmem>>, vector<16xf32>,
    %swap3A_141 = arith.constant 528 : index
    %swap3A_142 = tpu.vector_load %arg12[%swap3A_141] {strides = array<i32>} : memref<4096xf32, #tpu.memory_space<vmem>>, vector<16xf32>,
    %swap3A_143 = vector.shape_cast %swap3A_142 : vector<16xf32> to vector<16xf32>
    %swap3A_144 = vector.shape_cast %broadcast_in_dim3A_9 : vector<16xf32> to vector<16xf32>
    tpu.vector_store %arg12[%swap3A_141], %swap3A_144 {strides = array<i32>} : memref<4096xf32, #tpu.memory_space<vmem>>, vector<16xf32>,
    %swap3A_145 = arith.constant 544 : index
    %swap3A_146 = tpu.vector_load %arg12[%swap3A_145] {strides = array<i32>} : memref<4096xf32, #tpu.memory_space<vmem>>, vector<16xf32>,
    %swap3A_147 = vector.shape_cast %swap3A_146 : vector<16xf32> to vector<16xf32>
    %swap3A_148 = vector.shape_cast %broadcast_in_dim3A_9 : vector<16xf32> to vector<16xf32>
    tpu.vector_store %arg12[%swap3A_145], %swap3A_148 {strides = array<i32>} : memref<4096xf32, #tpu.memory_space<vmem>>, vector<16xf32>,
    %swap3A_149 = arith.constant 560 : index
    %swap3A_150 = tpu.vector_load %arg12[%swap3A_149] {strides = array<i32>} : memref<4096xf32, #tpu.memory_space<vmem>>, vector<16xf32>,
    %swap3A_151 = vector.shape_cast %swap3A_150 : vector<16xf32> to vector<16xf32>
    %swap3A_152 = vector.shape_cast %broadcast_in_dim3A_9 : vector<16xf32> to vector<16xf32>
    tpu.vector_store %arg12[%swap3A_149], %swap3A_152 {strides = array<i32>} : memref<4096xf32, #tpu.memory_space<vmem>>, vector<16xf32>,
    %swap3A_153 = arith.constant 576 : index
    %swap3A_154 = tpu.vector_load %arg12[%swap3A_153] {strides = array<i32>} : memref<4096xf32, #tpu.memory_space<vmem>>, vector<16xf32>,
    %swap3A_155 = vector.shape_cast %swap3A_154 : vector<16xf32> to vector<16xf32>
    %swap3A_156 = vector.shape_cast %broadcast_in_dim3A_9 : vector<16xf32> to vector<16xf32>
    tpu.vector_store %arg12[%swap3A_153], %swap3A_156 {strides = array<i32>} : memref<4096xf32, #tpu.memory_space<vmem>>, vector<16xf32>,
    %swap3A_157 = arith.constant 592 : index
    %swap3A_158 = tpu.vector_load %arg12[%swap3A_157] {strides = array<i32>} : memref<4096xf32, #tpu.memory_space<vmem>>, vector<16xf32>,
    %swap3A_159 = vector.shape_cast %swap3A_158 : vector<16xf32> to vector<16xf32>
    %swap3A_160 = vector.shape_cast %broadcast_in_dim3A_9 : vector<16xf32> to vector<16xf32>
    tpu.vector_store %arg12[%swap3A_157], %swap3A_160 {strides = array<i32>} : memref<4096xf32, #tpu.memory_space<vmem>>, vector<16xf32>,
    %swap3A_161 = arith.constant 608 : index
    %swap3A_162 = tpu.vector_load %arg12[%swap3A_161] {strides = array<i32>} : memref<4096xf32, #tpu.memory_space<vmem>>, vector<16xf32>,
    %swap3A_163 = vector.shape_cast %swap3A_162 : vector<16xf32> to vector<16xf32>
    %swap3A_164 = vector.shape_cast %broadcast_in_dim3A_9 : vector<16xf32> to vector<16xf32>
    tpu.vector_store %arg12[%swap3A_161], %swap3A_164 {strides = array<i32>} : memref<4096xf32, #tpu.memory_space<vmem>>, vector<16xf32>,
    %swap3A_165 = arith.constant 624 : index
    %swap3A_166 = tpu.vector_load %arg12[%swap3A_165] {strides = array<i32>} : memref<4096xf32, #tpu.memory_space<vmem>>, vector<16xf32>,
    %swap3A_167 = vector.shape_cast %swap3A_166 : vector<16xf32> to vector<16xf32>
    %swap3A_168 = vector.shape_cast %broadcast_in_dim3A_9 : vector<16xf32> to vector<16xf32>
    tpu.vector_store %arg12[%swap3A_165], %swap3A_168 {strides = array<i32>} : memref<4096xf32, #tpu.memory_space<vmem>>, vector<16xf32>,
    %swap3A_169 = arith.constant 640 : index
    %swap3A_170 = tpu.vector_load %arg12[%swap3A_169] {strides = array<i32>} : memref<4096xf32, #tpu.memory_space<vmem>>, vector<16xf32>,
    %swap3A_171 = vector.shape_cast %swap3A_170 : vector<16xf32> to vector<16xf32>
    %swap3A_172 = vector.shape_cast %broadcast_in_dim3A_9 : vector<16xf32> to vector<16xf32>
    tpu.vector_store %arg12[%swap3A_169], %swap3A_172 {strides = array<i32>} : memref<4096xf32, #tpu.memory_space<vmem>>, vector<16xf32>,
    %swap3A_173 = arith.constant 656 : index
    %swap3A_174 = tpu.vector_load %arg12[%swap3A_173] {strides = array<i32>} : memref<4096xf32, #tpu.memory_space<vmem>>, vector<16xf32>,
    %swap3A_175 = vector.shape_cast %swap3A_174 : vector<16xf32> to vector<16xf32>
    %swap3A_176 = vector.shape_cast %broadcast_in_dim3A_9 : vector<16xf32> to vector<16xf32>
    tpu.vector_store %arg12[%swap3A_173], %swap3A_176 {strides = array<i32>} : memref<4096xf32, #tpu.memory_space<vmem>>, vector<16xf32>,
    %swap3A_177 = arith.constant 672 : index
    %swap3A_178 = tpu.vector_load %arg12[%swap3A_177] {strides = array<i32>} : memref<4096xf32, #tpu.memory_space<vmem>>, vector<16xf32>,
    %swap3A_179 = vector.shape_cast %swap3A_178 : vector<16xf32> to vector<16xf32>
    %swap3A_180 = vector.shape_cast %broadcast_in_dim3A_9 : vector<16xf32> to vector<16xf32>
    tpu.vector_store %arg12[%swap3A_177], %swap3A_180 {strides = array<i32>} : memref<4096xf32, #tpu.memory_space<vmem>>, vector<16xf32>,
    %swap3A_181 = arith.constant 688 : index
    %swap3A_182 = tpu.vector_load %arg12[%swap3A_181] {strides = array<i32>} : memref<4096xf32, #tpu.memory_space<vmem>>, vector<16xf32>,
    %swap3A_183 = vector.shape_cast %swap3A_182 : vector<16xf32> to vector<16xf32>
    %swap3A_184 = vector.shape_cast %broadcast_in_dim3A_9 : vector<16xf32> to vector<16xf32>
    tpu.vector_store %arg12[%swap3A_181], %swap3A_184 {strides = array<i32>} : memref<4096xf32, #tpu.memory_space<vmem>>, vector<16xf32>,
    %swap3A_185 = arith.constant 704 : index
    %swap3A_186 = tpu.vector_load %arg12[%swap3A_185] {strides = array<i32>} : memref<4096xf32, #tpu.memory_space<vmem>>, vector<16xf32>,
    %swap3A_187 = vector.shape_cast %swap3A_186 : vector<16xf32> to vector<16xf32>
    %swap3A_188 = vector.shape_cast %broadcast_in_dim3A_9 : vector<16xf32> to vector<16xf32>
    tpu.vector_store %arg12[%swap3A_185], %swap3A_188 {strides = array<i32>} : memref<4096xf32, #tpu.memory_space<vmem>>, vector<16xf32>,
    %swap3A_189 = arith.constant 720 : index
    %swap3A_190 = tpu.vector_load %arg12[%swap3A_189] {strides = array<i32>} : memref<4096xf32, #tpu.memory_space<vmem>>, vector<16xf32>,
    %swap3A_191 = vector.shape_cast %swap3A_190 : vector<16xf32> to vector<16xf32>
    %swap3A_192 = vector.shape_cast %broadcast_in_dim3A_9 : vector<16xf32> to vector<16xf32>
    tpu.vector_store %arg12[%swap3A_189], %swap3A_192 {strides = array<i32>} : memref<4096xf32, #tpu.memory_space<vmem>>, vector<16xf32>,
    %swap3A_193 = arith.constant 736 : index
    %swap3A_194 = tpu.vector_load %arg12[%swap3A_193] {strides = array<i32>} : memref<4096xf32, #tpu.memory_space<vmem>>, vector<16xf32>,
    %swap3A_195 = vector.shape_cast %swap3A_194 : vector<16xf32> to vector<16xf32>
    %swap3A_196 = vector.shape_cast %broadcast_in_dim3A_9 : vector<16xf32> to vector<16xf32>
    tpu.vector_store %arg12[%swap3A_193], %swap3A_196 {strides = array<i32>} : memref<4096xf32, #tpu.memory_space<vmem>>, vector<16xf32>,
    %swap3A_197 = arith.constant 752 : index
    %swap3A_198 = tpu.vector_load %arg12[%swap3A_197] {strides = array<i32>} : memref<4096xf32, #tpu.memory_space<vmem>>, vector<16xf32>,
    %swap3A_199 = vector.shape_cast %swap3A_198 : vector<16xf32> to vector<16xf32>
    %swap3A_200 = vector.shape_cast %broadcast_in_dim3A_9 : vector<16xf32> to vector<16xf32>
    tpu.vector_store %arg12[%swap3A_197], %swap3A_200 {strides = array<i32>} : memref<4096xf32, #tpu.memory_space<vmem>>, vector<16xf32>,
    %swap3A_201 = arith.constant 768 : index
    %swap3A_202 = tpu.vector_load %arg12[%swap3A_201] {strides = array<i32>} : memref<4096xf32, #tpu.memory_space<vmem>>, vector<16xf32>,
    %swap3A_203 = vector.shape_cast %swap3A_202 : vector<16xf32> to vector<16xf32>
    %swap3A_204 = vector.shape_cast %broadcast_in_dim3A_9 : vector<16xf32> to vector<16xf32>
    tpu.vector_store %arg12[%swap3A_201], %swap3A_204 {strides = array<i32>} : memref<4096xf32, #tpu.memory_space<vmem>>, vector<16xf32>,
    %swap3A_205 = arith.constant 784 : index
    %swap3A_206 = tpu.vector_load %arg12[%swap3A_205] {strides = array<i32>} : memref<4096xf32, #tpu.memory_space<vmem>>, vector<16xf32>,
    %swap3A_207 = vector.shape_cast %swap3A_206 : vector<16xf32> to vector<16xf32>
    %swap3A_208 = vector.shape_cast %broadcast_in_dim3A_9 : vector<16xf32> to vector<16xf32>
    tpu.vector_store %arg12[%swap3A_205], %swap3A_208 {strides = array<i32>} : memref<4096xf32, #tpu.memory_space<vmem>>, vector<16xf32>,
    %swap3A_209 = arith.constant 800 : index
    %swap3A_210 = tpu.vector_load %arg12[%swap3A_209] {strides = array<i32>} : memref<4096xf32, #tpu.memory_space<vmem>>, vector<16xf32>,
    %swap3A_211 = vector.shape_cast %swap3A_210 : vector<16xf32> to vector<16xf32>
    %swap3A_212 = vector.shape_cast %broadcast_in_dim3A_9 : vector<16xf32> to vector<16xf32>
    tpu.vector_store %arg12[%swap3A_209], %swap3A_212 {strides = array<i32>} : memref<4096xf32, #tpu.memory_space<vmem>>, vector<16xf32>,
    %swap3A_213 = arith.constant 816 : index
    %swap3A_214 = tpu.vector_load %arg12[%swap3A_213] {strides = array<i32>} : memref<4096xf32, #tpu.memory_space<vmem>>, vector<16xf32>,
    %swap3A_215 = vector.shape_cast %swap3A_214 : vector<16xf32> to vector<16xf32>
    %swap3A_216 = vector.shape_cast %broadcast_in_dim3A_9 : vector<16xf32> to vector<16xf32>
    tpu.vector_store %arg12[%swap3A_213], %swap3A_216 {strides = array<i32>} : memref<4096xf32, #tpu.memory_space<vmem>>, vector<16xf32>,
    %swap3A_217 = arith.constant 832 : index
    %swap3A_218 = tpu.vector_load %arg12[%swap3A_217] {strides = array<i32>} : memref<4096xf32, #tpu.memory_space<vmem>>, vector<16xf32>,
    %swap3A_219 = vector.shape_cast %swap3A_218 : vector<16xf32> to vector<16xf32>
    %swap3A_220 = vector.shape_cast %broadcast_in_dim3A_9 : vector<16xf32> to vector<16xf32>
    tpu.vector_store %arg12[%swap3A_217], %swap3A_220 {strides = array<i32>} : memref<4096xf32, #tpu.memory_space<vmem>>, vector<16xf32>,
    %swap3A_221 = arith.constant 848 : index
    %swap3A_222 = tpu.vector_load %arg12[%swap3A_221] {strides = array<i32>} : memref<4096xf32, #tpu.memory_space<vmem>>, vector<16xf32>,
    %swap3A_223 = vector.shape_cast %swap3A_222 : vector<16xf32> to vector<16xf32>
    %swap3A_224 = vector.shape_cast %broadcast_in_dim3A_9 : vector<16xf32> to vector<16xf32>
    tpu.vector_store %arg12[%swap3A_221], %swap3A_224 {strides = array<i32>} : memref<4096xf32, #tpu.memory_space<vmem>>, vector<16xf32>,
    %swap3A_225 = arith.constant 864 : index
    %swap3A_226 = tpu.vector_load %arg12[%swap3A_225] {strides = array<i32>} : memref<4096xf32, #tpu.memory_space<vmem>>, vector<16xf32>,
    %swap3A_227 = vector.shape_cast %swap3A_226 : vector<16xf32> to vector<16xf32>
    %swap3A_228 = vector.shape_cast %broadcast_in_dim3A_9 : vector<16xf32> to vector<16xf32>
    tpu.vector_store %arg12[%swap3A_225], %swap3A_228 {strides = array<i32>} : memref<4096xf32, #tpu.memory_space<vmem>>, vector<16xf32>,
    %swap3A_229 = arith.constant 880 : index
    %swap3A_230 = tpu.vector_load %arg12[%swap3A_229] {strides = array<i32>} : memref<4096xf32, #tpu.memory_space<vmem>>, vector<16xf32>,
    %swap3A_231 = vector.shape_cast %swap3A_230 : vector<16xf32> to vector<16xf32>
    %swap3A_232 = vector.shape_cast %broadcast_in_dim3A_9 : vector<16xf32> to vector<16xf32>
    tpu.vector_store %arg12[%swap3A_229], %swap3A_232 {strides = array<i32>} : memref<4096xf32, #tpu.memory_space<vmem>>, vector<16xf32>,
    %swap3A_233 = arith.constant 896 : index
    %swap3A_234 = tpu.vector_load %arg12[%swap3A_233] {strides = array<i32>} : memref<4096xf32, #tpu.memory_space<vmem>>, vector<16xf32>,
    %swap3A_235 = vector.shape_cast %swap3A_234 : vector<16xf32> to vector<16xf32>
    %swap3A_236 = vector.shape_cast %broadcast_in_dim3A_9 : vector<16xf32> to vector<16xf32>
    tpu.vector_store %arg12[%swap3A_233], %swap3A_236 {strides = array<i32>} : memref<4096xf32, #tpu.memory_space<vmem>>, vector<16xf32>,
    %swap3A_237 = arith.constant 912 : index
    %swap3A_238 = tpu.vector_load %arg12[%swap3A_237] {strides = array<i32>} : memref<4096xf32, #tpu.memory_space<vmem>>, vector<16xf32>,
    %swap3A_239 = vector.shape_cast %swap3A_238 : vector<16xf32> to vector<16xf32>
    %swap3A_240 = vector.shape_cast %broadcast_in_dim3A_9 : vector<16xf32> to vector<16xf32>
    tpu.vector_store %arg12[%swap3A_237], %swap3A_240 {strides = array<i32>} : memref<4096xf32, #tpu.memory_space<vmem>>, vector<16xf32>,
    %swap3A_241 = arith.constant 928 : index
    %swap3A_242 = tpu.vector_load %arg12[%swap3A_241] {strides = array<i32>} : memref<4096xf32, #tpu.memory_space<vmem>>, vector<16xf32>,
    %swap3A_243 = vector.shape_cast %swap3A_242 : vector<16xf32> to vector<16xf32>
    %swap3A_244 = vector.shape_cast %broadcast_in_dim3A_9 : vector<16xf32> to vector<16xf32>
    tpu.vector_store %arg12[%swap3A_241], %swap3A_244 {strides = array<i32>} : memref<4096xf32, #tpu.memory_space<vmem>>, vector<16xf32>,
    %swap3A_245 = arith.constant 944 : index
    %swap3A_246 = tpu.vector_load %arg12[%swap3A_245] {strides = array<i32>} : memref<4096xf32, #tpu.memory_space<vmem>>, vector<16xf32>,
    %swap3A_247 = vector.shape_cast %swap3A_246 : vector<16xf32> to vector<16xf32>
    %swap3A_248 = vector.shape_cast %broadcast_in_dim3A_9 : vector<16xf32> to vector<16xf32>
    tpu.vector_store %arg12[%swap3A_245], %swap3A_248 {strides = array<i32>} : memref<4096xf32, #tpu.memory_space<vmem>>, vector<16xf32>,
    %swap3A_249 = arith.constant 960 : index
    %swap3A_250 = tpu.vector_load %arg12[%swap3A_249] {strides = array<i32>} : memref<4096xf32, #tpu.memory_space<vmem>>, vector<16xf32>,
    %swap3A_251 = vector.shape_cast %swap3A_250 : vector<16xf32> to vector<16xf32>
    %swap3A_252 = vector.shape_cast %broadcast_in_dim3A_9 : vector<16xf32> to vector<16xf32>
    tpu.vector_store %arg12[%swap3A_249], %swap3A_252 {strides = array<i32>} : memref<4096xf32, #tpu.memory_space<vmem>>, vector<16xf32>,
    %swap3A_253 = arith.constant 976 : index
    %swap3A_254 = tpu.vector_load %arg12[%swap3A_253] {strides = array<i32>} : memref<4096xf32, #tpu.memory_space<vmem>>, vector<16xf32>,
    %swap3A_255 = vector.shape_cast %swap3A_254 : vector<16xf32> to vector<16xf32>
    %swap3A_256 = vector.shape_cast %broadcast_in_dim3A_9 : vector<16xf32> to vector<16xf32>
    tpu.vector_store %arg12[%swap3A_253], %swap3A_256 {strides = array<i32>} : memref<4096xf32, #tpu.memory_space<vmem>>, vector<16xf32>,
    %swap3A_257 = arith.constant 992 : index
    %swap3A_258 = tpu.vector_load %arg12[%swap3A_257] {strides = array<i32>} : memref<4096xf32, #tpu.memory_space<vmem>>, vector<16xf32>,
    %swap3A_259 = vector.shape_cast %swap3A_258 : vector<16xf32> to vector<16xf32>
    %swap3A_260 = vector.shape_cast %broadcast_in_dim3A_9 : vector<16xf32> to vector<16xf32>
    tpu.vector_store %arg12[%swap3A_257], %swap3A_260 {strides = array<i32>} : memref<4096xf32, #tpu.memory_space<vmem>>, vector<16xf32>,
    %swap3A_261 = arith.constant 1008 : index
    %swap3A_262 = tpu.vector_load %arg12[%swap3A_261] {strides = array<i32>} : memref<4096xf32, #tpu.memory_space<vmem>>, vector<16xf32>,
    %swap3A_263 = vector.shape_cast %swap3A_262 : vector<16xf32> to vector<16xf32>
    %swap3A_264 = vector.shape_cast %broadcast_in_dim3A_9 : vector<16xf32> to vector<16xf32>
    tpu.vector_store %arg12[%swap3A_261], %swap3A_264 {strides = array<i32>} : memref<4096xf32, #tpu.memory_space<vmem>>, vector<16xf32>,
    %swap3A_265 = arith.constant 1024 : index
    %swap3A_266 = tpu.vector_load %arg12[%swap3A_265] {strides = array<i32>} : memref<4096xf32, #tpu.memory_space<vmem>>, vector<16xf32>,
    %swap3A_267 = vector.shape_cast %swap3A_266 : vector<16xf32> to vector<16xf32>
    %swap3A_268 = vector.shape_cast %broadcast_in_dim3A_9 : vector<16xf32> to vector<16xf32>
    tpu.vector_store %arg12[%swap3A_265], %swap3A_268 {strides = array<i32>} : memref<4096xf32, #tpu.memory_space<vmem>>, vector<16xf32>,
    %swap3A_269 = arith.constant 1040 : index
    %swap3A_270 = tpu.vector_load %arg12[%swap3A_269] {strides = array<i32>} : memref<4096xf32, #tpu.memory_space<vmem>>, vector<16xf32>,
    %swap3A_271 = vector.shape_cast %swap3A_270 : vector<16xf32> to vector<16xf32>
    %swap3A_272 = vector.shape_cast %broadcast_in_dim3A_9 : vector<16xf32> to vector<16xf32>
    tpu.vector_store %arg12[%swap3A_269], %swap3A_272 {strides = array<i32>} : memref<4096xf32, #tpu.memory_space<vmem>>, vector<16xf32>,
    %swap3A_273 = arith.constant 1056 : index
    %swap3A_274 = tpu.vector_load %arg12[%swap3A_273] {strides = array<i32>} : memref<4096xf32, #tpu.memory_space<vmem>>, vector<16xf32>,
    %swap3A_275 = vector.shape_cast %swap3A_274 : vector<16xf32> to vector<16xf32>
    %swap3A_276 = vector.shape_cast %broadcast_in_dim3A_9 : vector<16xf32> to vector<16xf32>
    tpu.vector_store %arg12[%swap3A_273], %swap3A_276 {strides = array<i32>} : memref<4096xf32, #tpu.memory_space<vmem>>, vector<16xf32>,
    %swap3A_277 = arith.constant 1072 : index
    %swap3A_278 = tpu.vector_load %arg12[%swap3A_277] {strides = array<i32>} : memref<4096xf32, #tpu.memory_space<vmem>>, vector<16xf32>,
    %swap3A_279 = vector.shape_cast %swap3A_278 : vector<16xf32> to vector<16xf32>
    %swap3A_280 = vector.shape_cast %broadcast_in_dim3A_9 : vector<16xf32> to vector<16xf32>
    tpu.vector_store %arg12[%swap3A_277], %swap3A_280 {strides = array<i32>} : memref<4096xf32, #tpu.memory_space<vmem>>, vector<16xf32>,
    %swap3A_281 = arith.constant 1088 : index
    %swap3A_282 = tpu.vector_load %arg12[%swap3A_281] {strides = array<i32>} : memref<4096xf32, #tpu.memory_space<vmem>>, vector<16xf32>,
    %swap3A_283 = vector.shape_cast %swap3A_282 : vector<16xf32> to vector<16xf32>
    %swap3A_284 = vector.shape_cast %broadcast_in_dim3A_9 : vector<16xf32> to vector<16xf32>
    tpu.vector_store %arg12[%swap3A_281], %swap3A_284 {strides = array<i32>} : memref<4096xf32, #tpu.memory_space<vmem>>, vector<16xf32>,
    %swap3A_285 = arith.constant 1104 : index
    %swap3A_286 = tpu.vector_load %arg12[%swap3A_285] {strides = array<i32>} : memref<4096xf32, #tpu.memory_space<vmem>>, vector<16xf32>,
    %swap3A_287 = vector.shape_cast %swap3A_286 : vector<16xf32> to vector<16xf32>
    %swap3A_288 = vector.shape_cast %broadcast_in_dim3A_9 : vector<16xf32> to vector<16xf32>
    tpu.vector_store %arg12[%swap3A_285], %swap3A_288 {strides = array<i32>} : memref<4096xf32, #tpu.memory_space<vmem>>, vector<16xf32>,
    %swap3A_289 = arith.constant 1120 : index
    %swap3A_290 = tpu.vector_load %arg12[%swap3A_289] {strides = array<i32>} : memref<4096xf32, #tpu.memory_space<vmem>>, vector<16xf32>,
    %swap3A_291 = vector.shape_cast %swap3A_290 : vector<16xf32> to vector<16xf32>
    %swap3A_292 = vector.shape_cast %broadcast_in_dim3A_9 : vector<16xf32> to vector<16xf32>
    tpu.vector_store %arg12[%swap3A_289], %swap3A_292 {strides = array<i32>} : memref<4096xf32, #tpu.memory_space<vmem>>, vector<16xf32>,
    %swap3A_293 = arith.constant 1136 : index
    %swap3A_294 = tpu.vector_load %arg12[%swap3A_293] {strides = array<i32>} : memref<4096xf32, #tpu.memory_space<vmem>>, vector<16xf32>,
    %swap3A_295 = vector.shape_cast %swap3A_294 : vector<16xf32> to vector<16xf32>
    %swap3A_296 = vector.shape_cast %broadcast_in_dim3A_9 : vector<16xf32> to vector<16xf32>
    tpu.vector_store %arg12[%swap3A_293], %swap3A_296 {strides = array<i32>} : memref<4096xf32, #tpu.memory_space<vmem>>, vector<16xf32>,
    %swap3A_297 = arith.constant 1152 : index
    %swap3A_298 = tpu.vector_load %arg12[%swap3A_297] {strides = array<i32>} : memref<4096xf32, #tpu.memory_space<vmem>>, vector<16xf32>,
    %swap3A_299 = vector.shape_cast %swap3A_298 : vector<16xf32> to vector<16xf32>
    %swap3A_300 = vector.shape_cast %broadcast_in_dim3A_9 : vector<16xf32> to vector<16xf32>
    tpu.vector_store %arg12[%swap3A_297], %swap3A_300 {strides = array<i32>} : memref<4096xf32, #tpu.memory_space<vmem>>, vector<16xf32>,
    %swap3A_301 = arith.constant 1168 : index
    %swap3A_302 = tpu.vector_load %arg12[%swap3A_301] {strides = array<i32>} : memref<4096xf32, #tpu.memory_space<vmem>>, vector<16xf32>,
    %swap3A_303 = vector.shape_cast %swap3A_302 : vector<16xf32> to vector<16xf32>
    %swap3A_304 = vector.shape_cast %broadcast_in_dim3A_9 : vector<16xf32> to vector<16xf32>
    tpu.vector_store %arg12[%swap3A_301], %swap3A_304 {strides = array<i32>} : memref<4096xf32, #tpu.memory_space<vmem>>, vector<16xf32>,
    %swap3A_305 = arith.constant 1184 : index
    %swap3A_306 = tpu.vector_load %arg12[%swap3A_305] {strides = array<i32>} : memref<4096xf32, #tpu.memory_space<vmem>>, vector<16xf32>,
    %swap3A_307 = vector.shape_cast %swap3A_306 : vector<16xf32> to vector<16xf32>
    %swap3A_308 = vector.shape_cast %broadcast_in_dim3A_9 : vector<16xf32> to vector<16xf32>
    tpu.vector_store %arg12[%swap3A_305], %swap3A_308 {strides = array<i32>} : memref<4096xf32, #tpu.memory_space<vmem>>, vector<16xf32>,
    %swap3A_309 = arith.constant 1200 : index
    %swap3A_310 = tpu.vector_load %arg12[%swap3A_309] {strides = array<i32>} : memref<4096xf32, #tpu.memory_space<vmem>>, vector<16xf32>,
    %swap3A_311 = vector.shape_cast %swap3A_310 : vector<16xf32> to vector<16xf32>
    %swap3A_312 = vector.shape_cast %broadcast_in_dim3A_9 : vector<16xf32> to vector<16xf32>
    tpu.vector_store %arg12[%swap3A_309], %swap3A_312 {strides = array<i32>} : memref<4096xf32, #tpu.memory_space<vmem>>, vector<16xf32>,
    %swap3A_313 = arith.constant 1216 : index
    %swap3A_314 = tpu.vector_load %arg12[%swap3A_313] {strides = array<i32>} : memref<4096xf32, #tpu.memory_space<vmem>>, vector<16xf32>,
    %swap3A_315 = vector.shape_cast %swap3A_314 : vector<16xf32> to vector<16xf32>
    %swap3A_316 = vector.shape_cast %broadcast_in_dim3A_9 : vector<16xf32> to vector<16xf32>
    tpu.vector_store %arg12[%swap3A_313], %swap3A_316 {strides = array<i32>} : memref<4096xf32, #tpu.memory_space<vmem>>, vector<16xf32>,
    %swap3A_317 = arith.constant 1232 : index
    %swap3A_318 = tpu.vector_load %arg12[%swap3A_317] {strides = array<i32>} : memref<4096xf32, #tpu.memory_space<vmem>>, vector<16xf32>,
    %swap3A_319 = vector.shape_cast %swap3A_318 : vector<16xf32> to vector<16xf32>
    %swap3A_320 = vector.shape_cast %broadcast_in_dim3A_9 : vector<16xf32> to vector<16xf32>
    tpu.vector_store %arg12[%swap3A_317], %swap3A_320 {strides = array<i32>} : memref<4096xf32, #tpu.memory_space<vmem>>, vector<16xf32>,
    %swap3A_321 = arith.constant 1248 : index
    %swap3A_322 = tpu.vector_load %arg12[%swap3A_321] {strides = array<i32>} : memref<4096xf32, #tpu.memory_space<vmem>>, vector<16xf32>,
    %swap3A_323 = vector.shape_cast %swap3A_322 : vector<16xf32> to vector<16xf32>
    %swap3A_324 = vector.shape_cast %broadcast_in_dim3A_9 : vector<16xf32> to vector<16xf32>
    tpu.vector_store %arg12[%swap3A_321], %swap3A_324 {strides = array<i32>} : memref<4096xf32, #tpu.memory_space<vmem>>, vector<16xf32>,
    %swap3A_325 = arith.constant 1264 : index
    %swap3A_326 = tpu.vector_load %arg12[%swap3A_325] {strides = array<i32>} : memref<4096xf32, #tpu.memory_space<vmem>>, vector<16xf32>,
    %swap3A_327 = vector.shape_cast %swap3A_326 : vector<16xf32> to vector<16xf32>
    %swap3A_328 = vector.shape_cast %broadcast_in_dim3A_9 : vector<16xf32> to vector<16xf32>
    tpu.vector_store %arg12[%swap3A_325], %swap3A_328 {strides = array<i32>} : memref<4096xf32, #tpu.memory_space<vmem>>, vector<16xf32>,
    %swap3A_329 = arith.constant 1280 : index
    %swap3A_330 = tpu.vector_load %arg12[%swap3A_329] {strides = array<i32>} : memref<4096xf32, #tpu.memory_space<vmem>>, vector<16xf32>,
    %swap3A_331 = vector.shape_cast %swap3A_330 : vector<16xf32> to vector<16xf32>
    %swap3A_332 = vector.shape_cast %broadcast_in_dim3A_9 : vector<16xf32> to vector<16xf32>
    tpu.vector_store %arg12[%swap3A_329], %swap3A_332 {strides = array<i32>} : memref<4096xf32, #tpu.memory_space<vmem>>, vector<16xf32>,
    %swap3A_333 = arith.constant 1296 : index
    %swap3A_334 = tpu.vector_load %arg12[%swap3A_333] {strides = array<i32>} : memref<4096xf32, #tpu.memory_space<vmem>>, vector<16xf32>,
    %swap3A_335 = vector.shape_cast %swap3A_334 : vector<16xf32> to vector<16xf32>
    %swap3A_336 = vector.shape_cast %broadcast_in_dim3A_9 : vector<16xf32> to vector<16xf32>
    tpu.vector_store %arg12[%swap3A_333], %swap3A_336 {strides = array<i32>} : memref<4096xf32, #tpu.memory_space<vmem>>, vector<16xf32>,
    %swap3A_337 = arith.constant 1312 : index
    %swap3A_338 = tpu.vector_load %arg12[%swap3A_337] {strides = array<i32>} : memref<4096xf32, #tpu.memory_space<vmem>>, vector<16xf32>,
    %swap3A_339 = vector.shape_cast %swap3A_338 : vector<16xf32> to vector<16xf32>
    %swap3A_340 = vector.shape_cast %broadcast_in_dim3A_9 : vector<16xf32> to vector<16xf32>
    tpu.vector_store %arg12[%swap3A_337], %swap3A_340 {strides = array<i32>} : memref<4096xf32, #tpu.memory_space<vmem>>, vector<16xf32>,
    %swap3A_341 = arith.constant 1328 : index
    %swap3A_342 = tpu.vector_load %arg12[%swap3A_341] {strides = array<i32>} : memref<4096xf32, #tpu.memory_space<vmem>>, vector<16xf32>,
    %swap3A_343 = vector.shape_cast %swap3A_342 : vector<16xf32> to vector<16xf32>
    %swap3A_344 = vector.shape_cast %broadcast_in_dim3A_9 : vector<16xf32> to vector<16xf32>
    tpu.vector_store %arg12[%swap3A_341], %swap3A_344 {strides = array<i32>} : memref<4096xf32, #tpu.memory_space<vmem>>, vector<16xf32>,
    %swap3A_345 = arith.constant 1344 : index
    %swap3A_346 = tpu.vector_load %arg12[%swap3A_345] {strides = array<i32>} : memref<4096xf32, #tpu.memory_space<vmem>>, vector<16xf32>,
    %swap3A_347 = vector.shape_cast %swap3A_346 : vector<16xf32> to vector<16xf32>
    %swap3A_348 = vector.shape_cast %broadcast_in_dim3A_9 : vector<16xf32> to vector<16xf32>
    tpu.vector_store %arg12[%swap3A_345], %swap3A_348 {strides = array<i32>} : memref<4096xf32, #tpu.memory_space<vmem>>, vector<16xf32>,
    %swap3A_349 = arith.constant 1360 : index
    %swap3A_350 = tpu.vector_load %arg12[%swap3A_349] {strides = array<i32>} : memref<4096xf32, #tpu.memory_space<vmem>>, vector<16xf32>,
    %swap3A_351 = vector.shape_cast %swap3A_350 : vector<16xf32> to vector<16xf32>
    %swap3A_352 = vector.shape_cast %broadcast_in_dim3A_9 : vector<16xf32> to vector<16xf32>
    tpu.vector_store %arg12[%swap3A_349], %swap3A_352 {strides = array<i32>} : memref<4096xf32, #tpu.memory_space<vmem>>, vector<16xf32>,
    %swap3A_353 = arith.constant 1376 : index
    %swap3A_354 = tpu.vector_load %arg12[%swap3A_353] {strides = array<i32>} : memref<4096xf32, #tpu.memory_space<vmem>>, vector<16xf32>,
    %swap3A_355 = vector.shape_cast %swap3A_354 : vector<16xf32> to vector<16xf32>
    %swap3A_356 = vector.shape_cast %broadcast_in_dim3A_9 : vector<16xf32> to vector<16xf32>
    tpu.vector_store %arg12[%swap3A_353], %swap3A_356 {strides = array<i32>} : memref<4096xf32, #tpu.memory_space<vmem>>, vector<16xf32>,
    %swap3A_357 = arith.constant 1392 : index
    %swap3A_358 = tpu.vector_load %arg12[%swap3A_357] {strides = array<i32>} : memref<4096xf32, #tpu.memory_space<vmem>>, vector<16xf32>,
    %swap3A_359 = vector.shape_cast %swap3A_358 : vector<16xf32> to vector<16xf32>
    %swap3A_360 = vector.shape_cast %broadcast_in_dim3A_9 : vector<16xf32> to vector<16xf32>
    tpu.vector_store %arg12[%swap3A_357], %swap3A_360 {strides = array<i32>} : memref<4096xf32, #tpu.memory_space<vmem>>, vector<16xf32>,
    %swap3A_361 = arith.constant 1408 : index
    %swap3A_362 = tpu.vector_load %arg12[%swap3A_361] {strides = array<i32>} : memref<4096xf32, #tpu.memory_space<vmem>>, vector<16xf32>,
    %swap3A_363 = vector.shape_cast %swap3A_362 : vector<16xf32> to vector<16xf32>
    %swap3A_364 = vector.shape_cast %broadcast_in_dim3A_9 : vector<16xf32> to vector<16xf32>
    tpu.vector_store %arg12[%swap3A_361], %swap3A_364 {strides = array<i32>} : memref<4096xf32, #tpu.memory_space<vmem>>, vector<16xf32>,
    %swap3A_365 = arith.constant 1424 : index
    %swap3A_366 = tpu.vector_load %arg12[%swap3A_365] {strides = array<i32>} : memref<4096xf32, #tpu.memory_space<vmem>>, vector<16xf32>,
    %swap3A_367 = vector.shape_cast %swap3A_366 : vector<16xf32> to vector<16xf32>
    %swap3A_368 = vector.shape_cast %broadcast_in_dim3A_9 : vector<16xf32> to vector<16xf32>
    tpu.vector_store %arg12[%swap3A_365], %swap3A_368 {strides = array<i32>} : memref<4096xf32, #tpu.memory_space<vmem>>, vector<16xf32>,
    %swap3A_369 = arith.constant 1440 : index
    %swap3A_370 = tpu.vector_load %arg12[%swap3A_369] {strides = array<i32>} : memref<4096xf32, #tpu.memory_space<vmem>>, vector<16xf32>,
    %swap3A_371 = vector.shape_cast %swap3A_370 : vector<16xf32> to vector<16xf32>
    %swap3A_372 = vector.shape_cast %broadcast_in_dim3A_9 : vector<16xf32> to vector<16xf32>
    tpu.vector_store %arg12[%swap3A_369], %swap3A_372 {strides = array<i32>} : memref<4096xf32, #tpu.memory_space<vmem>>, vector<16xf32>,
    %swap3A_373 = arith.constant 1456 : index
    %swap3A_374 = tpu.vector_load %arg12[%swap3A_373] {strides = array<i32>} : memref<4096xf32, #tpu.memory_space<vmem>>, vector<16xf32>,
    %swap3A_375 = vector.shape_cast %swap3A_374 : vector<16xf32> to vector<16xf32>
    %swap3A_376 = vector.shape_cast %broadcast_in_dim3A_9 : vector<16xf32> to vector<16xf32>
    tpu.vector_store %arg12[%swap3A_373], %swap3A_376 {strides = array<i32>} : memref<4096xf32, #tpu.memory_space<vmem>>, vector<16xf32>,
    %swap3A_377 = arith.constant 1472 : index
    %swap3A_378 = tpu.vector_load %arg12[%swap3A_377] {strides = array<i32>} : memref<4096xf32, #tpu.memory_space<vmem>>, vector<16xf32>,
    %swap3A_379 = vector.shape_cast %swap3A_378 : vector<16xf32> to vector<16xf32>
    %swap3A_380 = vector.shape_cast %broadcast_in_dim3A_9 : vector<16xf32> to vector<16xf32>
    tpu.vector_store %arg12[%swap3A_377], %swap3A_380 {strides = array<i32>} : memref<4096xf32, #tpu.memory_space<vmem>>, vector<16xf32>,
    %swap3A_381 = arith.constant 1488 : index
    %swap3A_382 = tpu.vector_load %arg12[%swap3A_381] {strides = array<i32>} : memref<4096xf32, #tpu.memory_space<vmem>>, vector<16xf32>,
    %swap3A_383 = vector.shape_cast %swap3A_382 : vector<16xf32> to vector<16xf32>
    %swap3A_384 = vector.shape_cast %broadcast_in_dim3A_9 : vector<16xf32> to vector<16xf32>
    tpu.vector_store %arg12[%swap3A_381], %swap3A_384 {strides = array<i32>} : memref<4096xf32, #tpu.memory_space<vmem>>, vector<16xf32>,
    %swap3A_385 = arith.constant 1504 : index
    %swap3A_386 = tpu.vector_load %arg12[%swap3A_385] {strides = array<i32>} : memref<4096xf32, #tpu.memory_space<vmem>>, vector<16xf32>,
    %swap3A_387 = vector.shape_cast %swap3A_386 : vector<16xf32> to vector<16xf32>
    %swap3A_388 = vector.shape_cast %broadcast_in_dim3A_9 : vector<16xf32> to vector<16xf32>
    tpu.vector_store %arg12[%swap3A_385], %swap3A_388 {strides = array<i32>} : memref<4096xf32, #tpu.memory_space<vmem>>, vector<16xf32>,
    %swap3A_389 = arith.constant 1520 : index
    %swap3A_390 = tpu.vector_load %arg12[%swap3A_389] {strides = array<i32>} : memref<4096xf32, #tpu.memory_space<vmem>>, vector<16xf32>,
    %swap3A_391 = vector.shape_cast %swap3A_390 : vector<16xf32> to vector<16xf32>
    %swap3A_392 = vector.shape_cast %broadcast_in_dim3A_9 : vector<16xf32> to vector<16xf32>
    tpu.vector_store %arg12[%swap3A_389], %swap3A_392 {strides = array<i32>} : memref<4096xf32, #tpu.memory_space<vmem>>, vector<16xf32>,
    %swap3A_393 = arith.constant 1536 : index
    %swap3A_394 = tpu.vector_load %arg12[%swap3A_393] {strides = array<i32>} : memref<4096xf32, #tpu.memory_space<vmem>>, vector<16xf32>,
    %swap3A_395 = vector.shape_cast %swap3A_394 : vector<16xf32> to vector<16xf32>
    %swap3A_396 = vector.shape_cast %broadcast_in_dim3A_9 : vector<16xf32> to vector<16xf32>
    tpu.vector_store %arg12[%swap3A_393], %swap3A_396 {strides = array<i32>} : memref<4096xf32, #tpu.memory_space<vmem>>, vector<16xf32>,
    %swap3A_397 = arith.constant 1552 : index
    %swap3A_398 = tpu.vector_load %arg12[%swap3A_397] {strides = array<i32>} : memref<4096xf32, #tpu.memory_space<vmem>>, vector<16xf32>,
    %swap3A_399 = vector.shape_cast %swap3A_398 : vector<16xf32> to vector<16xf32>
    %swap3A_400 = vector.shape_cast %broadcast_in_dim3A_9 : vector<16xf32> to vector<16xf32>
    tpu.vector_store %arg12[%swap3A_397], %swap3A_400 {strides = array<i32>} : memref<4096xf32, #tpu.memory_space<vmem>>, vector<16xf32>,
    %swap3A_401 = arith.constant 1568 : index
    %swap3A_402 = tpu.vector_load %arg12[%swap3A_401] {strides = array<i32>} : memref<4096xf32, #tpu.memory_space<vmem>>, vector<16xf32>,
    %swap3A_403 = vector.shape_cast %swap3A_402 : vector<16xf32> to vector<16xf32>
    %swap3A_404 = vector.shape_cast %broadcast_in_dim3A_9 : vector<16xf32> to vector<16xf32>
    tpu.vector_store %arg12[%swap3A_401], %swap3A_404 {strides = array<i32>} : memref<4096xf32, #tpu.memory_space<vmem>>, vector<16xf32>,
    %swap3A_405 = arith.constant 1584 : index
    %swap3A_406 = tpu.vector_load %arg12[%swap3A_405] {strides = array<i32>} : memref<4096xf32, #tpu.memory_space<vmem>>, vector<16xf32>,
    %swap3A_407 = vector.shape_cast %swap3A_406 : vector<16xf32> to vector<16xf32>
    %swap3A_408 = vector.shape_cast %broadcast_in_dim3A_9 : vector<16xf32> to vector<16xf32>
    tpu.vector_store %arg12[%swap3A_405], %swap3A_408 {strides = array<i32>} : memref<4096xf32, #tpu.memory_space<vmem>>, vector<16xf32>,
    %swap3A_409 = arith.constant 1600 : index
    %swap3A_410 = tpu.vector_load %arg12[%swap3A_409] {strides = array<i32>} : memref<4096xf32, #tpu.memory_space<vmem>>, vector<16xf32>,
    %swap3A_411 = vector.shape_cast %swap3A_410 : vector<16xf32> to vector<16xf32>
    %swap3A_412 = vector.shape_cast %broadcast_in_dim3A_9 : vector<16xf32> to vector<16xf32>
    tpu.vector_store %arg12[%swap3A_409], %swap3A_412 {strides = array<i32>} : memref<4096xf32, #tpu.memory_space<vmem>>, vector<16xf32>,
    %swap3A_413 = arith.constant 1616 : index
    %swap3A_414 = tpu.vector_load %arg12[%swap3A_413] {strides = array<i32>} : memref<4096xf32, #tpu.memory_space<vmem>>, vector<16xf32>,
    %swap3A_415 = vector.shape_cast %swap3A_414 : vector<16xf32> to vector<16xf32>
    %swap3A_416 = vector.shape_cast %broadcast_in_dim3A_9 : vector<16xf32> to vector<16xf32>
    tpu.vector_store %arg12[%swap3A_413], %swap3A_416 {strides = array<i32>} : memref<4096xf32, #tpu.memory_space<vmem>>, vector<16xf32>,
    %swap3A_417 = arith.constant 1632 : index
    %swap3A_418 = tpu.vector_load %arg12[%swap3A_417] {strides = array<i32>} : memref<4096xf32, #tpu.memory_space<vmem>>, vector<16xf32>,
    %swap3A_419 = vector.shape_cast %swap3A_418 : vector<16xf32> to vector<16xf32>
    %swap3A_420 = vector.shape_cast %broadcast_in_dim3A_9 : vector<16xf32> to vector<16xf32>
    tpu.vector_store %arg12[%swap3A_417], %swap3A_420 {strides = array<i32>} : memref<4096xf32, #tpu.memory_space<vmem>>, vector<16xf32>,
    %swap3A_421 = arith.constant 1648 : index
    %swap3A_422 = tpu.vector_load %arg12[%swap3A_421] {strides = array<i32>} : memref<4096xf32, #tpu.memory_space<vmem>>, vector<16xf32>,
    %swap3A_423 = vector.shape_cast %swap3A_422 : vector<16xf32> to vector<16xf32>
    %swap3A_424 = vector.shape_cast %broadcast_in_dim3A_9 : vector<16xf32> to vector<16xf32>
    tpu.vector_store %arg12[%swap3A_421], %swap3A_424 {strides = array<i32>} : memref<4096xf32, #tpu.memory_space<vmem>>, vector<16xf32>,
    %swap3A_425 = arith.constant 1664 : index
    %swap3A_426 = tpu.vector_load %arg12[%swap3A_425] {strides = array<i32>} : memref<4096xf32, #tpu.memory_space<vmem>>, vector<16xf32>,
    %swap3A_427 = vector.shape_cast %swap3A_426 : vector<16xf32> to vector<16xf32>
    %swap3A_428 = vector.shape_cast %broadcast_in_dim3A_9 : vector<16xf32> to vector<16xf32>
    tpu.vector_store %arg12[%swap3A_425], %swap3A_428 {strides = array<i32>} : memref<4096xf32, #tpu.memory_space<vmem>>, vector<16xf32>,
    %swap3A_429 = arith.constant 1680 : index
    %swap3A_430 = tpu.vector_load %arg12[%swap3A_429] {strides = array<i32>} : memref<4096xf32, #tpu.memory_space<vmem>>, vector<16xf32>,
    %swap3A_431 = vector.shape_cast %swap3A_430 : vector<16xf32> to vector<16xf32>
    %swap3A_432 = vector.shape_cast %broadcast_in_dim3A_9 : vector<16xf32> to vector<16xf32>
    tpu.vector_store %arg12[%swap3A_429], %swap3A_432 {strides = array<i32>} : memref<4096xf32, #tpu.memory_space<vmem>>, vector<16xf32>,
    %swap3A_433 = arith.constant 1696 : index
    %swap3A_434 = tpu.vector_load %arg12[%swap3A_433] {strides = array<i32>} : memref<4096xf32, #tpu.memory_space<vmem>>, vector<16xf32>,
    %swap3A_435 = vector.shape_cast %swap3A_434 : vector<16xf32> to vector<16xf32>
    %swap3A_436 = vector.shape_cast %broadcast_in_dim3A_9 : vector<16xf32> to vector<16xf32>
    tpu.vector_store %arg12[%swap3A_433], %swap3A_436 {strides = array<i32>} : memref<4096xf32, #tpu.memory_space<vmem>>, vector<16xf32>,
    %swap3A_437 = arith.constant 1712 : index
    %swap3A_438 = tpu.vector_load %arg12[%swap3A_437] {strides = array<i32>} : memref<4096xf32, #tpu.memory_space<vmem>>, vector<16xf32>,
    %swap3A_439 = vector.shape_cast %swap3A_438 : vector<16xf32> to vector<16xf32>
    %swap3A_440 = vector.shape_cast %broadcast_in_dim3A_9 : vector<16xf32> to vector<16xf32>
    tpu.vector_store %arg12[%swap3A_437], %swap3A_440 {strides = array<i32>} : memref<4096xf32, #tpu.memory_space<vmem>>, vector<16xf32>,
    %swap3A_441 = arith.constant 1728 : index
    %swap3A_442 = tpu.vector_load %arg12[%swap3A_441] {strides = array<i32>} : memref<4096xf32, #tpu.memory_space<vmem>>, vector<16xf32>,
    %swap3A_443 = vector.shape_cast %swap3A_442 : vector<16xf32> to vector<16xf32>
    %swap3A_444 = vector.shape_cast %broadcast_in_dim3A_9 : vector<16xf32> to vector<16xf32>
    tpu.vector_store %arg12[%swap3A_441], %swap3A_444 {strides = array<i32>} : memref<4096xf32, #tpu.memory_space<vmem>>, vector<16xf32>,
    %swap3A_445 = arith.constant 1744 : index
    %swap3A_446 = tpu.vector_load %arg12[%swap3A_445] {strides = array<i32>} : memref<4096xf32, #tpu.memory_space<vmem>>, vector<16xf32>,
    %swap3A_447 = vector.shape_cast %swap3A_446 : vector<16xf32> to vector<16xf32>
    %swap3A_448 = vector.shape_cast %broadcast_in_dim3A_9 : vector<16xf32> to vector<16xf32>
    tpu.vector_store %arg12[%swap3A_445], %swap3A_448 {strides = array<i32>} : memref<4096xf32, #tpu.memory_space<vmem>>, vector<16xf32>,
    %swap3A_449 = arith.constant 1760 : index
    %swap3A_450 = tpu.vector_load %arg12[%swap3A_449] {strides = array<i32>} : memref<4096xf32, #tpu.memory_space<vmem>>, vector<16xf32>,
    %swap3A_451 = vector.shape_cast %swap3A_450 : vector<16xf32> to vector<16xf32>
    %swap3A_452 = vector.shape_cast %broadcast_in_dim3A_9 : vector<16xf32> to vector<16xf32>
    tpu.vector_store %arg12[%swap3A_449], %swap3A_452 {strides = array<i32>} : memref<4096xf32, #tpu.memory_space<vmem>>, vector<16xf32>,
    %swap3A_453 = arith.constant 1776 : index
    %swap3A_454 = tpu.vector_load %arg12[%swap3A_453] {strides = array<i32>} : memref<4096xf32, #tpu.memory_space<vmem>>, vector<16xf32>,
    %swap3A_455 = vector.shape_cast %swap3A_454 : vector<16xf32> to vector<16xf32>
    %swap3A_456 = vector.shape_cast %broadcast_in_dim3A_9 : vector<16xf32> to vector<16xf32>
    tpu.vector_store %arg12[%swap3A_453], %swap3A_456 {strides = array<i32>} : memref<4096xf32, #tpu.memory_space<vmem>>, vector<16xf32>,
    %swap3A_457 = arith.constant 1792 : index
    %swap3A_458 = tpu.vector_load %arg12[%swap3A_457] {strides = array<i32>} : memref<4096xf32, #tpu.memory_space<vmem>>, vector<16xf32>,
    %swap3A_459 = vector.shape_cast %swap3A_458 : vector<16xf32> to vector<16xf32>
    %swap3A_460 = vector.shape_cast %broadcast_in_dim3A_9 : vector<16xf32> to vector<16xf32>
    tpu.vector_store %arg12[%swap3A_457], %swap3A_460 {strides = array<i32>} : memref<4096xf32, #tpu.memory_space<vmem>>, vector<16xf32>,
    %swap3A_461 = arith.constant 1808 : index
    %swap3A_462 = tpu.vector_load %arg12[%swap3A_461] {strides = array<i32>} : memref<4096xf32, #tpu.memory_space<vmem>>, vector<16xf32>,
    %swap3A_463 = vector.shape_cast %swap3A_462 : vector<16xf32> to vector<16xf32>
    %swap3A_464 = vector.shape_cast %broadcast_in_dim3A_9 : vector<16xf32> to vector<16xf32>
    tpu.vector_store %arg12[%swap3A_461], %swap3A_464 {strides = array<i32>} : memref<4096xf32, #tpu.memory_space<vmem>>, vector<16xf32>,
    %swap3A_465 = arith.constant 1824 : index
    %swap3A_466 = tpu.vector_load %arg12[%swap3A_465] {strides = array<i32>} : memref<4096xf32, #tpu.memory_space<vmem>>, vector<16xf32>,
    %swap3A_467 = vector.shape_cast %swap3A_466 : vector<16xf32> to vector<16xf32>
    %swap3A_468 = vector.shape_cast %broadcast_in_dim3A_9 : vector<16xf32> to vector<16xf32>
    tpu.vector_store %arg12[%swap3A_465], %swap3A_468 {strides = array<i32>} : memref<4096xf32, #tpu.memory_space<vmem>>, vector<16xf32>,
    %swap3A_469 = arith.constant 1840 : index
    %swap3A_470 = tpu.vector_load %arg12[%swap3A_469] {strides = array<i32>} : memref<4096xf32, #tpu.memory_space<vmem>>, vector<16xf32>,
    %swap3A_471 = vector.shape_cast %swap3A_470 : vector<16xf32> to vector<16xf32>
    %swap3A_472 = vector.shape_cast %broadcast_in_dim3A_9 : vector<16xf32> to vector<16xf32>
    tpu.vector_store %arg12[%swap3A_469], %swap3A_472 {strides = array<i32>} : memref<4096xf32, #tpu.memory_space<vmem>>, vector<16xf32>,
    %swap3A_473 = arith.constant 1856 : index
    %swap3A_474 = tpu.vector_load %arg12[%swap3A_473] {strides = array<i32>} : memref<4096xf32, #tpu.memory_space<vmem>>, vector<16xf32>,
    %swap3A_475 = vector.shape_cast %swap3A_474 : vector<16xf32> to vector<16xf32>
    %swap3A_476 = vector.shape_cast %broadcast_in_dim3A_9 : vector<16xf32> to vector<16xf32>
    tpu.vector_store %arg12[%swap3A_473], %swap3A_476 {strides = array<i32>} : memref<4096xf32, #tpu.memory_space<vmem>>, vector<16xf32>,
    %swap3A_477 = arith.constant 1872 : index
    %swap3A_478 = tpu.vector_load %arg12[%swap3A_477] {strides = array<i32>} : memref<4096xf32, #tpu.memory_space<vmem>>, vector<16xf32>,
    %swap3A_479 = vector.shape_cast %swap3A_478 : vector<16xf32> to vector<16xf32>
    %swap3A_480 = vector.shape_cast %broadcast_in_dim3A_9 : vector<16xf32> to vector<16xf32>
    tpu.vector_store %arg12[%swap3A_477], %swap3A_480 {strides = array<i32>} : memref<4096xf32, #tpu.memory_space<vmem>>, vector<16xf32>,
    %swap3A_481 = arith.constant 1888 : index
    %swap3A_482 = tpu.vector_load %arg12[%swap3A_481] {strides = array<i32>} : memref<4096xf32, #tpu.memory_space<vmem>>, vector<16xf32>,
    %swap3A_483 = vector.shape_cast %swap3A_482 : vector<16xf32> to vector<16xf32>
    %swap3A_484 = vector.shape_cast %broadcast_in_dim3A_9 : vector<16xf32> to vector<16xf32>
    tpu.vector_store %arg12[%swap3A_481], %swap3A_484 {strides = array<i32>} : memref<4096xf32, #tpu.memory_space<vmem>>, vector<16xf32>,
    %swap3A_485 = arith.constant 1904 : index
    %swap3A_486 = tpu.vector_load %arg12[%swap3A_485] {strides = array<i32>} : memref<4096xf32, #tpu.memory_space<vmem>>, vector<16xf32>,
    %swap3A_487 = vector.shape_cast %swap3A_486 : vector<16xf32> to vector<16xf32>
    %swap3A_488 = vector.shape_cast %broadcast_in_dim3A_9 : vector<16xf32> to vector<16xf32>
    tpu.vector_store %arg12[%swap3A_485], %swap3A_488 {strides = array<i32>} : memref<4096xf32, #tpu.memory_space<vmem>>, vector<16xf32>,
    %swap3A_489 = arith.constant 1920 : index
    %swap3A_490 = tpu.vector_load %arg12[%swap3A_489] {strides = array<i32>} : memref<4096xf32, #tpu.memory_space<vmem>>, vector<16xf32>,
    %swap3A_491 = vector.shape_cast %swap3A_490 : vector<16xf32> to vector<16xf32>
    %swap3A_492 = vector.shape_cast %broadcast_in_dim3A_9 : vector<16xf32> to vector<16xf32>
    tpu.vector_store %arg12[%swap3A_489], %swap3A_492 {strides = array<i32>} : memref<4096xf32, #tpu.memory_space<vmem>>, vector<16xf32>,
    %swap3A_493 = arith.constant 1936 : index
    %swap3A_494 = tpu.vector_load %arg12[%swap3A_493] {strides = array<i32>} : memref<4096xf32, #tpu.memory_space<vmem>>, vector<16xf32>,
    %swap3A_495 = vector.shape_cast %swap3A_494 : vector<16xf32> to vector<16xf32>
    %swap3A_496 = vector.shape_cast %broadcast_in_dim3A_9 : vector<16xf32> to vector<16xf32>
    tpu.vector_store %arg12[%swap3A_493], %swap3A_496 {strides = array<i32>} : memref<4096xf32, #tpu.memory_space<vmem>>, vector<16xf32>,
    %swap3A_497 = arith.constant 1952 : index
    %swap3A_498 = tpu.vector_load %arg12[%swap3A_497] {strides = array<i32>} : memref<4096xf32, #tpu.memory_space<vmem>>, vector<16xf32>,
    %swap3A_499 = vector.shape_cast %swap3A_498 : vector<16xf32> to vector<16xf32>
    %swap3A_500 = vector.shape_cast %broadcast_in_dim3A_9 : vector<16xf32> to vector<16xf32>
    tpu.vector_store %arg12[%swap3A_497], %swap3A_500 {strides = array<i32>} : memref<4096xf32, #tpu.memory_space<vmem>>, vector<16xf32>,
    %swap3A_501 = arith.constant 1968 : index
    %swap3A_502 = tpu.vector_load %arg12[%swap3A_501] {strides = array<i32>} : memref<4096xf32, #tpu.memory_space<vmem>>, vector<16xf32>,
    %swap3A_503 = vector.shape_cast %swap3A_502 : vector<16xf32> to vector<16xf32>
    %swap3A_504 = vector.shape_cast %broadcast_in_dim3A_9 : vector<16xf32> to vector<16xf32>
    tpu.vector_store %arg12[%swap3A_501], %swap3A_504 {strides = array<i32>} : memref<4096xf32, #tpu.memory_space<vmem>>, vector<16xf32>,
    %swap3A_505 = arith.constant 1984 : index
    %swap3A_506 = tpu.vector_load %arg12[%swap3A_505] {strides = array<i32>} : memref<4096xf32, #tpu.memory_space<vmem>>, vector<16xf32>,
    %swap3A_507 = vector.shape_cast %swap3A_506 : vector<16xf32> to vector<16xf32>
    %swap3A_508 = vector.shape_cast %broadcast_in_dim3A_9 : vector<16xf32> to vector<16xf32>
    tpu.vector_store %arg12[%swap3A_505], %swap3A_508 {strides = array<i32>} : memref<4096xf32, #tpu.memory_space<vmem>>, vector<16xf32>,
    %swap3A_509 = arith.constant 2000 : index
    %swap3A_510 = tpu.vector_load %arg12[%swap3A_509] {strides = array<i32>} : memref<4096xf32, #tpu.memory_space<vmem>>, vector<16xf32>,
    %swap3A_511 = vector.shape_cast %swap3A_510 : vector<16xf32> to vector<16xf32>
    %swap3A_512 = vector.shape_cast %broadcast_in_dim3A_9 : vector<16xf32> to vector<16xf32>
    tpu.vector_store %arg12[%swap3A_509], %swap3A_512 {strides = array<i32>} : memref<4096xf32, #tpu.memory_space<vmem>>, vector<16xf32>,
    %swap3A_513 = arith.constant 2016 : index
    %swap3A_514 = tpu.vector_load %arg12[%swap3A_513] {strides = array<i32>} : memref<4096xf32, #tpu.memory_space<vmem>>, vector<16xf32>,
    %swap3A_515 = vector.shape_cast %swap3A_514 : vector<16xf32> to vector<16xf32>
    %swap3A_516 = vector.shape_cast %broadcast_in_dim3A_9 : vector<16xf32> to vector<16xf32>
    tpu.vector_store %arg12[%swap3A_513], %swap3A_516 {strides = array<i32>} : memref<4096xf32, #tpu.memory_space<vmem>>, vector<16xf32>,
    %swap3A_517 = arith.constant 2032 : index
    %swap3A_518 = tpu.vector_load %arg12[%swap3A_517] {strides = array<i32>} : memref<4096xf32, #tpu.memory_space<vmem>>, vector<16xf32>,
    %swap3A_519 = vector.shape_cast %swap3A_518 : vector<16xf32> to vector<16xf32>
    %swap3A_520 = vector.shape_cast %broadcast_in_dim3A_9 : vector<16xf32> to vector<16xf32>
    tpu.vector_store %arg12[%swap3A_517], %swap3A_520 {strides = array<i32>} : memref<4096xf32, #tpu.memory_space<vmem>>, vector<16xf32>,
    %swap3A_521 = arith.constant 2048 : index
    %swap3A_522 = tpu.vector_load %arg12[%swap3A_521] {strides = array<i32>} : memref<4096xf32, #tpu.memory_space<vmem>>, vector<16xf32>,
    %swap3A_523 = vector.shape_cast %swap3A_522 : vector<16xf32> to vector<16xf32>
    %swap3A_524 = vector.shape_cast %broadcast_in_dim3A_9 : vector<16xf32> to vector<16xf32>
    tpu.vector_store %arg12[%swap3A_521], %swap3A_524 {strides = array<i32>} : memref<4096xf32, #tpu.memory_space<vmem>>, vector<16xf32>,
    %swap3A_525 = arith.constant 2064 : index
    %swap3A_526 = tpu.vector_load %arg12[%swap3A_525] {strides = array<i32>} : memref<4096xf32, #tpu.memory_space<vmem>>, vector<16xf32>,
    %swap3A_527 = vector.shape_cast %swap3A_526 : vector<16xf32> to vector<16xf32>
    %swap3A_528 = vector.shape_cast %broadcast_in_dim3A_9 : vector<16xf32> to vector<16xf32>
    tpu.vector_store %arg12[%swap3A_525], %swap3A_528 {strides = array<i32>} : memref<4096xf32, #tpu.memory_space<vmem>>, vector<16xf32>,
    %swap3A_529 = arith.constant 2080 : index
    %swap3A_530 = tpu.vector_load %arg12[%swap3A_529] {strides = array<i32>} : memref<4096xf32, #tpu.memory_space<vmem>>, vector<16xf32>,
    %swap3A_531 = vector.shape_cast %swap3A_530 : vector<16xf32> to vector<16xf32>
    %swap3A_532 = vector.shape_cast %broadcast_in_dim3A_9 : vector<16xf32> to vector<16xf32>
    tpu.vector_store %arg12[%swap3A_529], %swap3A_532 {strides = array<i32>} : memref<4096xf32, #tpu.memory_space<vmem>>, vector<16xf32>,
    %swap3A_533 = arith.constant 2096 : index
    %swap3A_534 = tpu.vector_load %arg12[%swap3A_533] {strides = array<i32>} : memref<4096xf32, #tpu.memory_space<vmem>>, vector<16xf32>,
    %swap3A_535 = vector.shape_cast %swap3A_534 : vector<16xf32> to vector<16xf32>
    %swap3A_536 = vector.shape_cast %broadcast_in_dim3A_9 : vector<16xf32> to vector<16xf32>
    tpu.vector_store %arg12[%swap3A_533], %swap3A_536 {strides = array<i32>} : memref<4096xf32, #tpu.memory_space<vmem>>, vector<16xf32>,
    %swap3A_537 = arith.constant 2112 : index
    %swap3A_538 = tpu.vector_load %arg12[%swap3A_537] {strides = array<i32>} : memref<4096xf32, #tpu.memory_space<vmem>>, vector<16xf32>,
    %swap3A_539 = vector.shape_cast %swap3A_538 : vector<16xf32> to vector<16xf32>
    %swap3A_540 = vector.shape_cast %broadcast_in_dim3A_9 : vector<16xf32> to vector<16xf32>
    tpu.vector_store %arg12[%swap3A_537], %swap3A_540 {strides = array<i32>} : memref<4096xf32, #tpu.memory_space<vmem>>, vector<16xf32>,
    %swap3A_541 = arith.constant 2128 : index
    %swap3A_542 = tpu.vector_load %arg12[%swap3A_541] {strides = array<i32>} : memref<4096xf32, #tpu.memory_space<vmem>>, vector<16xf32>,
    %swap3A_543 = vector.shape_cast %swap3A_542 : vector<16xf32> to vector<16xf32>
    %swap3A_544 = vector.shape_cast %broadcast_in_dim3A_9 : vector<16xf32> to vector<16xf32>
    tpu.vector_store %arg12[%swap3A_541], %swap3A_544 {strides = array<i32>} : memref<4096xf32, #tpu.memory_space<vmem>>, vector<16xf32>,
    %swap3A_545 = arith.constant 2144 : index
    %swap3A_546 = tpu.vector_load %arg12[%swap3A_545] {strides = array<i32>} : memref<4096xf32, #tpu.memory_space<vmem>>, vector<16xf32>,
    %swap3A_547 = vector.shape_cast %swap3A_546 : vector<16xf32> to vector<16xf32>
    %swap3A_548 = vector.shape_cast %broadcast_in_dim3A_9 : vector<16xf32> to vector<16xf32>
    tpu.vector_store %arg12[%swap3A_545], %swap3A_548 {strides = array<i32>} : memref<4096xf32, #tpu.memory_space<vmem>>, vector<16xf32>,
    %swap3A_549 = arith.constant 2160 : index
    %swap3A_550 = tpu.vector_load %arg12[%swap3A_549] {strides = array<i32>} : memref<4096xf32, #tpu.memory_space<vmem>>, vector<16xf32>,
    %swap3A_551 = vector.shape_cast %swap3A_550 : vector<16xf32> to vector<16xf32>
    %swap3A_552 = vector.shape_cast %broadcast_in_dim3A_9 : vector<16xf32> to vector<16xf32>
    tpu.vector_store %arg12[%swap3A_549], %swap3A_552 {strides = array<i32>} : memref<4096xf32, #tpu.memory_space<vmem>>, vector<16xf32>,
    %swap3A_553 = arith.constant 2176 : index
    %swap3A_554 = tpu.vector_load %arg12[%swap3A_553] {strides = array<i32>} : memref<4096xf32, #tpu.memory_space<vmem>>, vector<16xf32>,
    %swap3A_555 = vector.shape_cast %swap3A_554 : vector<16xf32> to vector<16xf32>
    %swap3A_556 = vector.shape_cast %broadcast_in_dim3A_9 : vector<16xf32> to vector<16xf32>
    tpu.vector_store %arg12[%swap3A_553], %swap3A_556 {strides = array<i32>} : memref<4096xf32, #tpu.memory_space<vmem>>, vector<16xf32>,
    %swap3A_557 = arith.constant 2192 : index
    %swap3A_558 = tpu.vector_load %arg12[%swap3A_557] {strides = array<i32>} : memref<4096xf32, #tpu.memory_space<vmem>>, vector<16xf32>,
    %swap3A_559 = vector.shape_cast %swap3A_558 : vector<16xf32> to vector<16xf32>
    %swap3A_560 = vector.shape_cast %broadcast_in_dim3A_9 : vector<16xf32> to vector<16xf32>
    tpu.vector_store %arg12[%swap3A_557], %swap3A_560 {strides = array<i32>} : memref<4096xf32, #tpu.memory_space<vmem>>, vector<16xf32>,
    %swap3A_561 = arith.constant 2208 : index
    %swap3A_562 = tpu.vector_load %arg12[%swap3A_561] {strides = array<i32>} : memref<4096xf32, #tpu.memory_space<vmem>>, vector<16xf32>,
    %swap3A_563 = vector.shape_cast %swap3A_562 : vector<16xf32> to vector<16xf32>
    %swap3A_564 = vector.shape_cast %broadcast_in_dim3A_9 : vector<16xf32> to vector<16xf32>
    tpu.vector_store %arg12[%swap3A_561], %swap3A_564 {strides = array<i32>} : memref<4096xf32, #tpu.memory_space<vmem>>, vector<16xf32>,
    %swap3A_565 = arith.constant 2224 : index
    %swap3A_566 = tpu.vector_load %arg12[%swap3A_565] {strides = array<i32>} : memref<4096xf32, #tpu.memory_space<vmem>>, vector<16xf32>,
    %swap3A_567 = vector.shape_cast %swap3A_566 : vector<16xf32> to vector<16xf32>
    %swap3A_568 = vector.shape_cast %broadcast_in_dim3A_9 : vector<16xf32> to vector<16xf32>
    tpu.vector_store %arg12[%swap3A_565], %swap3A_568 {strides = array<i32>} : memref<4096xf32, #tpu.memory_space<vmem>>, vector<16xf32>,
    %swap3A_569 = arith.constant 2240 : index
    %swap3A_570 = tpu.vector_load %arg12[%swap3A_569] {strides = array<i32>} : memref<4096xf32, #tpu.memory_space<vmem>>, vector<16xf32>,
    %swap3A_571 = vector.shape_cast %swap3A_570 : vector<16xf32> to vector<16xf32>
    %swap3A_572 = vector.shape_cast %broadcast_in_dim3A_9 : vector<16xf32> to vector<16xf32>
    tpu.vector_store %arg12[%swap3A_569], %swap3A_572 {strides = array<i32>} : memref<4096xf32, #tpu.memory_space<vmem>>, vector<16xf32>,
    %swap3A_573 = arith.constant 2256 : index
    %swap3A_574 = tpu.vector_load %arg12[%swap3A_573] {strides = array<i32>} : memref<4096xf32, #tpu.memory_space<vmem>>, vector<16xf32>,
    %swap3A_575 = vector.shape_cast %swap3A_574 : vector<16xf32> to vector<16xf32>
    %swap3A_576 = vector.shape_cast %broadcast_in_dim3A_9 : vector<16xf32> to vector<16xf32>
    tpu.vector_store %arg12[%swap3A_573], %swap3A_576 {strides = array<i32>} : memref<4096xf32, #tpu.memory_space<vmem>>, vector<16xf32>,
    %swap3A_577 = arith.constant 2272 : index
    %swap3A_578 = tpu.vector_load %arg12[%swap3A_577] {strides = array<i32>} : memref<4096xf32, #tpu.memory_space<vmem>>, vector<16xf32>,
    %swap3A_579 = vector.shape_cast %swap3A_578 : vector<16xf32> to vector<16xf32>
    %swap3A_580 = vector.shape_cast %broadcast_in_dim3A_9 : vector<16xf32> to vector<16xf32>
    tpu.vector_store %arg12[%swap3A_577], %swap3A_580 {strides = array<i32>} : memref<4096xf32, #tpu.memory_space<vmem>>, vector<16xf32>,
    %swap3A_581 = arith.constant 2288 : index
    %swap3A_582 = tpu.vector_load %arg12[%swap3A_581] {strides = array<i32>} : memref<4096xf32, #tpu.memory_space<vmem>>, vector<16xf32>,
    %swap3A_583 = vector.shape_cast %swap3A_582 : vector<16xf32> to vector<16xf32>
    %swap3A_584 = vector.shape_cast %broadcast_in_dim3A_9 : vector<16xf32> to vector<16xf32>
    tpu.vector_store %arg12[%swap3A_581], %swap3A_584 {strides = array<i32>} : memref<4096xf32, #tpu.memory_space<vmem>>, vector<16xf32>,
    %swap3A_585 = arith.constant 2304 : index
    %swap3A_586 = tpu.vector_load %arg12[%swap3A_585] {strides = array<i32>} : memref<4096xf32, #tpu.memory_space<vmem>>, vector<16xf32>,
    %swap3A_587 = vector.shape_cast %swap3A_586 : vector<16xf32> to vector<16xf32>
    %swap3A_588 = vector.shape_cast %broadcast_in_dim3A_9 : vector<16xf32> to vector<16xf32>
    tpu.vector_store %arg12[%swap3A_585], %swap3A_588 {strides = array<i32>} : memref<4096xf32, #tpu.memory_space<vmem>>, vector<16xf32>,
    %swap3A_589 = arith.constant 2320 : index
    %swap3A_590 = tpu.vector_load %arg12[%swap3A_589] {strides = array<i32>} : memref<4096xf32, #tpu.memory_space<vmem>>, vector<16xf32>,
    %swap3A_591 = vector.shape_cast %swap3A_590 : vector<16xf32> to vector<16xf32>
    %swap3A_592 = vector.shape_cast %broadcast_in_dim3A_9 : vector<16xf32> to vector<16xf32>
    tpu.vector_store %arg12[%swap3A_589], %swap3A_592 {strides = array<i32>} : memref<4096xf32, #tpu.memory_space<vmem>>, vector<16xf32>,
    %swap3A_593 = arith.constant 2336 : index
    %swap3A_594 = tpu.vector_load %arg12[%swap3A_593] {strides = array<i32>} : memref<4096xf32, #tpu.memory_space<vmem>>, vector<16xf32>,
    %swap3A_595 = vector.shape_cast %swap3A_594 : vector<16xf32> to vector<16xf32>
    %swap3A_596 = vector.shape_cast %broadcast_in_dim3A_9 : vector<16xf32> to vector<16xf32>
    tpu.vector_store %arg12[%swap3A_593], %swap3A_596 {strides = array<i32>} : memref<4096xf32, #tpu.memory_space<vmem>>, vector<16xf32>,
    %swap3A_597 = arith.constant 2352 : index
    %swap3A_598 = tpu.vector_load %arg12[%swap3A_597] {strides = array<i32>} : memref<4096xf32, #tpu.memory_space<vmem>>, vector<16xf32>,
    %swap3A_599 = vector.shape_cast %swap3A_598 : vector<16xf32> to vector<16xf32>
    %swap3A_600 = vector.shape_cast %broadcast_in_dim3A_9 : vector<16xf32> to vector<16xf32>
    tpu.vector_store %arg12[%swap3A_597], %swap3A_600 {strides = array<i32>} : memref<4096xf32, #tpu.memory_space<vmem>>, vector<16xf32>,
    %swap3A_601 = arith.constant 2368 : index
    %swap3A_602 = tpu.vector_load %arg12[%swap3A_601] {strides = array<i32>} : memref<4096xf32, #tpu.memory_space<vmem>>, vector<16xf32>,
    %swap3A_603 = vector.shape_cast %swap3A_602 : vector<16xf32> to vector<16xf32>
    %swap3A_604 = vector.shape_cast %broadcast_in_dim3A_9 : vector<16xf32> to vector<16xf32>
    tpu.vector_store %arg12[%swap3A_601], %swap3A_604 {strides = array<i32>} : memref<4096xf32, #tpu.memory_space<vmem>>, vector<16xf32>,
    %swap3A_605 = arith.constant 2384 : index
    %swap3A_606 = tpu.vector_load %arg12[%swap3A_605] {strides = array<i32>} : memref<4096xf32, #tpu.memory_space<vmem>>, vector<16xf32>,
    %swap3A_607 = vector.shape_cast %swap3A_606 : vector<16xf32> to vector<16xf32>
    %swap3A_608 = vector.shape_cast %broadcast_in_dim3A_9 : vector<16xf32> to vector<16xf32>
    tpu.vector_store %arg12[%swap3A_605], %swap3A_608 {strides = array<i32>} : memref<4096xf32, #tpu.memory_space<vmem>>, vector<16xf32>,
    %swap3A_609 = arith.constant 2400 : index
    %swap3A_610 = tpu.vector_load %arg12[%swap3A_609] {strides = array<i32>} : memref<4096xf32, #tpu.memory_space<vmem>>, vector<16xf32>,
    %swap3A_611 = vector.shape_cast %swap3A_610 : vector<16xf32> to vector<16xf32>
    %swap3A_612 = vector.shape_cast %broadcast_in_dim3A_9 : vector<16xf32> to vector<16xf32>
    tpu.vector_store %arg12[%swap3A_609], %swap3A_612 {strides = array<i32>} : memref<4096xf32, #tpu.memory_space<vmem>>, vector<16xf32>,
    %swap3A_613 = arith.constant 2416 : index
    %swap3A_614 = tpu.vector_load %arg12[%swap3A_613] {strides = array<i32>} : memref<4096xf32, #tpu.memory_space<vmem>>, vector<16xf32>,
    %swap3A_615 = vector.shape_cast %swap3A_614 : vector<16xf32> to vector<16xf32>
    %swap3A_616 = vector.shape_cast %broadcast_in_dim3A_9 : vector<16xf32> to vector<16xf32>
    tpu.vector_store %arg12[%swap3A_613], %swap3A_616 {strides = array<i32>} : memref<4096xf32, #tpu.memory_space<vmem>>, vector<16xf32>,
    %swap3A_617 = arith.constant 2432 : index
    %swap3A_618 = tpu.vector_load %arg12[%swap3A_617] {strides = array<i32>} : memref<4096xf32, #tpu.memory_space<vmem>>, vector<16xf32>,
    %swap3A_619 = vector.shape_cast %swap3A_618 : vector<16xf32> to vector<16xf32>
    %swap3A_620 = vector.shape_cast %broadcast_in_dim3A_9 : vector<16xf32> to vector<16xf32>
    tpu.vector_store %arg12[%swap3A_617], %swap3A_620 {strides = array<i32>} : memref<4096xf32, #tpu.memory_space<vmem>>, vector<16xf32>,
    %swap3A_621 = arith.constant 2448 : index
    %swap3A_622 = tpu.vector_load %arg12[%swap3A_621] {strides = array<i32>} : memref<4096xf32, #tpu.memory_space<vmem>>, vector<16xf32>,
    %swap3A_623 = vector.shape_cast %swap3A_622 : vector<16xf32> to vector<16xf32>
    %swap3A_624 = vector.shape_cast %broadcast_in_dim3A_9 : vector<16xf32> to vector<16xf32>
    tpu.vector_store %arg12[%swap3A_621], %swap3A_624 {strides = array<i32>} : memref<4096xf32, #tpu.memory_space<vmem>>, vector<16xf32>,
    %swap3A_625 = arith.constant 2464 : index
    %swap3A_626 = tpu.vector_load %arg12[%swap3A_625] {strides = array<i32>} : memref<4096xf32, #tpu.memory_space<vmem>>, vector<16xf32>,
    %swap3A_627 = vector.shape_cast %swap3A_626 : vector<16xf32> to vector<16xf32>
    %swap3A_628 = vector.shape_cast %broadcast_in_dim3A_9 : vector<16xf32> to vector<16xf32>
    tpu.vector_store %arg12[%swap3A_625], %swap3A_628 {strides = array<i32>} : memref<4096xf32, #tpu.memory_space<vmem>>, vector<16xf32>,
    %swap3A_629 = arith.constant 2480 : index
    %swap3A_630 = tpu.vector_load %arg12[%swap3A_629] {strides = array<i32>} : memref<4096xf32, #tpu.memory_space<vmem>>, vector<16xf32>,
    %swap3A_631 = vector.shape_cast %swap3A_630 : vector<16xf32> to vector<16xf32>
    %swap3A_632 = vector.shape_cast %broadcast_in_dim3A_9 : vector<16xf32> to vector<16xf32>
    tpu.vector_store %arg12[%swap3A_629], %swap3A_632 {strides = array<i32>} : memref<4096xf32, #tpu.memory_space<vmem>>, vector<16xf32>,
    %swap3A_633 = arith.constant 2496 : index
    %swap3A_634 = tpu.vector_load %arg12[%swap3A_633] {strides = array<i32>} : memref<4096xf32, #tpu.memory_space<vmem>>, vector<16xf32>,
    %swap3A_635 = vector.shape_cast %swap3A_634 : vector<16xf32> to vector<16xf32>
    %swap3A_636 = vector.shape_cast %broadcast_in_dim3A_9 : vector<16xf32> to vector<16xf32>
    tpu.vector_store %arg12[%swap3A_633], %swap3A_636 {strides = array<i32>} : memref<4096xf32, #tpu.memory_space<vmem>>, vector<16xf32>,
    %swap3A_637 = arith.constant 2512 : index
    %swap3A_638 = tpu.vector_load %arg12[%swap3A_637] {strides = array<i32>} : memref<4096xf32, #tpu.memory_space<vmem>>, vector<16xf32>,
    %swap3A_639 = vector.shape_cast %swap3A_638 : vector<16xf32> to vector<16xf32>
    %swap3A_640 = vector.shape_cast %broadcast_in_dim3A_9 : vector<16xf32> to vector<16xf32>
    tpu.vector_store %arg12[%swap3A_637], %swap3A_640 {strides = array<i32>} : memref<4096xf32, #tpu.memory_space<vmem>>, vector<16xf32>,
    %swap3A_641 = arith.constant 2528 : index
    %swap3A_642 = tpu.vector_load %arg12[%swap3A_641] {strides = array<i32>} : memref<4096xf32, #tpu.memory_space<vmem>>, vector<16xf32>,
    %swap3A_643 = vector.shape_cast %swap3A_642 : vector<16xf32> to vector<16xf32>
    %swap3A_644 = vector.shape_cast %broadcast_in_dim3A_9 : vector<16xf32> to vector<16xf32>
    tpu.vector_store %arg12[%swap3A_641], %swap3A_644 {strides = array<i32>} : memref<4096xf32, #tpu.memory_space<vmem>>, vector<16xf32>,
    %swap3A_645 = arith.constant 2544 : index
    %swap3A_646 = tpu.vector_load %arg12[%swap3A_645] {strides = array<i32>} : memref<4096xf32, #tpu.memory_space<vmem>>, vector<16xf32>,
    %swap3A_647 = vector.shape_cast %swap3A_646 : vector<16xf32> to vector<16xf32>
    %swap3A_648 = vector.shape_cast %broadcast_in_dim3A_9 : vector<16xf32> to vector<16xf32>
    tpu.vector_store %arg12[%swap3A_645], %swap3A_648 {strides = array<i32>} : memref<4096xf32, #tpu.memory_space<vmem>>, vector<16xf32>,
    %swap3A_649 = arith.constant 2560 : index
    %swap3A_650 = tpu.vector_load %arg12[%swap3A_649] {strides = array<i32>} : memref<4096xf32, #tpu.memory_space<vmem>>, vector<16xf32>,
    %swap3A_651 = vector.shape_cast %swap3A_650 : vector<16xf32> to vector<16xf32>
    %swap3A_652 = vector.shape_cast %broadcast_in_dim3A_9 : vector<16xf32> to vector<16xf32>
    tpu.vector_store %arg12[%swap3A_649], %swap3A_652 {strides = array<i32>} : memref<4096xf32, #tpu.memory_space<vmem>>, vector<16xf32>,
    %swap3A_653 = arith.constant 2576 : index
    %swap3A_654 = tpu.vector_load %arg12[%swap3A_653] {strides = array<i32>} : memref<4096xf32, #tpu.memory_space<vmem>>, vector<16xf32>,
    %swap3A_655 = vector.shape_cast %swap3A_654 : vector<16xf32> to vector<16xf32>
    %swap3A_656 = vector.shape_cast %broadcast_in_dim3A_9 : vector<16xf32> to vector<16xf32>
    tpu.vector_store %arg12[%swap3A_653], %swap3A_656 {strides = array<i32>} : memref<4096xf32, #tpu.memory_space<vmem>>, vector<16xf32>,
    %swap3A_657 = arith.constant 2592 : index
    %swap3A_658 = tpu.vector_load %arg12[%swap3A_657] {strides = array<i32>} : memref<4096xf32, #tpu.memory_space<vmem>>, vector<16xf32>,
    %swap3A_659 = vector.shape_cast %swap3A_658 : vector<16xf32> to vector<16xf32>
    %swap3A_660 = vector.shape_cast %broadcast_in_dim3A_9 : vector<16xf32> to vector<16xf32>
    tpu.vector_store %arg12[%swap3A_657], %swap3A_660 {strides = array<i32>} : memref<4096xf32, #tpu.memory_space<vmem>>, vector<16xf32>,
    %swap3A_661 = arith.constant 2608 : index
    %swap3A_662 = tpu.vector_load %arg12[%swap3A_661] {strides = array<i32>} : memref<4096xf32, #tpu.memory_space<vmem>>, vector<16xf32>,
    %swap3A_663 = vector.shape_cast %swap3A_662 : vector<16xf32> to vector<16xf32>
    %swap3A_664 = vector.shape_cast %broadcast_in_dim3A_9 : vector<16xf32> to vector<16xf32>
    tpu.vector_store %arg12[%swap3A_661], %swap3A_664 {strides = array<i32>} : memref<4096xf32, #tpu.memory_space<vmem>>, vector<16xf32>,
    %swap3A_665 = arith.constant 2624 : index
    %swap3A_666 = tpu.vector_load %arg12[%swap3A_665] {strides = array<i32>} : memref<4096xf32, #tpu.memory_space<vmem>>, vector<16xf32>,
    %swap3A_667 = vector.shape_cast %swap3A_666 : vector<16xf32> to vector<16xf32>
    %swap3A_668 = vector.shape_cast %broadcast_in_dim3A_9 : vector<16xf32> to vector<16xf32>
    tpu.vector_store %arg12[%swap3A_665], %swap3A_668 {strides = array<i32>} : memref<4096xf32, #tpu.memory_space<vmem>>, vector<16xf32>,
    %swap3A_669 = arith.constant 2640 : index
    %swap3A_670 = tpu.vector_load %arg12[%swap3A_669] {strides = array<i32>} : memref<4096xf32, #tpu.memory_space<vmem>>, vector<16xf32>,
    %swap3A_671 = vector.shape_cast %swap3A_670 : vector<16xf32> to vector<16xf32>
    %swap3A_672 = vector.shape_cast %broadcast_in_dim3A_9 : vector<16xf32> to vector<16xf32>
    tpu.vector_store %arg12[%swap3A_669], %swap3A_672 {strides = array<i32>} : memref<4096xf32, #tpu.memory_space<vmem>>, vector<16xf32>,
    %swap3A_673 = arith.constant 2656 : index
    %swap3A_674 = tpu.vector_load %arg12[%swap3A_673] {strides = array<i32>} : memref<4096xf32, #tpu.memory_space<vmem>>, vector<16xf32>,
    %swap3A_675 = vector.shape_cast %swap3A_674 : vector<16xf32> to vector<16xf32>
    %swap3A_676 = vector.shape_cast %broadcast_in_dim3A_9 : vector<16xf32> to vector<16xf32>
    tpu.vector_store %arg12[%swap3A_673], %swap3A_676 {strides = array<i32>} : memref<4096xf32, #tpu.memory_space<vmem>>, vector<16xf32>,
    %swap3A_677 = arith.constant 2672 : index
    %swap3A_678 = tpu.vector_load %arg12[%swap3A_677] {strides = array<i32>} : memref<4096xf32, #tpu.memory_space<vmem>>, vector<16xf32>,
    %swap3A_679 = vector.shape_cast %swap3A_678 : vector<16xf32> to vector<16xf32>
    %swap3A_680 = vector.shape_cast %broadcast_in_dim3A_9 : vector<16xf32> to vector<16xf32>
    tpu.vector_store %arg12[%swap3A_677], %swap3A_680 {strides = array<i32>} : memref<4096xf32, #tpu.memory_space<vmem>>, vector<16xf32>,
    %swap3A_681 = arith.constant 2688 : index
    %swap3A_682 = tpu.vector_load %arg12[%swap3A_681] {strides = array<i32>} : memref<4096xf32, #tpu.memory_space<vmem>>, vector<16xf32>,
    %swap3A_683 = vector.shape_cast %swap3A_682 : vector<16xf32> to vector<16xf32>
    %swap3A_684 = vector.shape_cast %broadcast_in_dim3A_9 : vector<16xf32> to vector<16xf32>
    tpu.vector_store %arg12[%swap3A_681], %swap3A_684 {strides = array<i32>} : memref<4096xf32, #tpu.memory_space<vmem>>, vector<16xf32>,
    %swap3A_685 = arith.constant 2704 : index
    %swap3A_686 = tpu.vector_load %arg12[%swap3A_685] {strides = array<i32>} : memref<4096xf32, #tpu.memory_space<vmem>>, vector<16xf32>,
    %swap3A_687 = vector.shape_cast %swap3A_686 : vector<16xf32> to vector<16xf32>
    %swap3A_688 = vector.shape_cast %broadcast_in_dim3A_9 : vector<16xf32> to vector<16xf32>
    tpu.vector_store %arg12[%swap3A_685], %swap3A_688 {strides = array<i32>} : memref<4096xf32, #tpu.memory_space<vmem>>, vector<16xf32>,
    %swap3A_689 = arith.constant 2720 : index
    %swap3A_690 = tpu.vector_load %arg12[%swap3A_689] {strides = array<i32>} : memref<4096xf32, #tpu.memory_space<vmem>>, vector<16xf32>,
    %swap3A_691 = vector.shape_cast %swap3A_690 : vector<16xf32> to vector<16xf32>
    %swap3A_692 = vector.shape_cast %broadcast_in_dim3A_9 : vector<16xf32> to vector<16xf32>
    tpu.vector_store %arg12[%swap3A_689], %swap3A_692 {strides = array<i32>} : memref<4096xf32, #tpu.memory_space<vmem>>, vector<16xf32>,
    %swap3A_693 = arith.constant 2736 : index
    %swap3A_694 = tpu.vector_load %arg12[%swap3A_693] {strides = array<i32>} : memref<4096xf32, #tpu.memory_space<vmem>>, vector<16xf32>,
    %swap3A_695 = vector.shape_cast %swap3A_694 : vector<16xf32> to vector<16xf32>
    %swap3A_696 = vector.shape_cast %broadcast_in_dim3A_9 : vector<16xf32> to vector<16xf32>
    tpu.vector_store %arg12[%swap3A_693], %swap3A_696 {strides = array<i32>} : memref<4096xf32, #tpu.memory_space<vmem>>, vector<16xf32>,
    %swap3A_697 = arith.constant 2752 : index
    %swap3A_698 = tpu.vector_load %arg12[%swap3A_697] {strides = array<i32>} : memref<4096xf32, #tpu.memory_space<vmem>>, vector<16xf32>,
    %swap3A_699 = vector.shape_cast %swap3A_698 : vector<16xf32> to vector<16xf32>
    %swap3A_700 = vector.shape_cast %broadcast_in_dim3A_9 : vector<16xf32> to vector<16xf32>
    tpu.vector_store %arg12[%swap3A_697], %swap3A_700 {strides = array<i32>} : memref<4096xf32, #tpu.memory_space<vmem>>, vector<16xf32>,
    %swap3A_701 = arith.constant 2768 : index
    %swap3A_702 = tpu.vector_load %arg12[%swap3A_701] {strides = array<i32>} : memref<4096xf32, #tpu.memory_space<vmem>>, vector<16xf32>,
    %swap3A_703 = vector.shape_cast %swap3A_702 : vector<16xf32> to vector<16xf32>
    %swap3A_704 = vector.shape_cast %broadcast_in_dim3A_9 : vector<16xf32> to vector<16xf32>
    tpu.vector_store %arg12[%swap3A_701], %swap3A_704 {strides = array<i32>} : memref<4096xf32, #tpu.memory_space<vmem>>, vector<16xf32>,
    %swap3A_705 = arith.constant 2784 : index
    %swap3A_706 = tpu.vector_load %arg12[%swap3A_705] {strides = array<i32>} : memref<4096xf32, #tpu.memory_space<vmem>>, vector<16xf32>,
    %swap3A_707 = vector.shape_cast %swap3A_706 : vector<16xf32> to vector<16xf32>
    %swap3A_708 = vector.shape_cast %broadcast_in_dim3A_9 : vector<16xf32> to vector<16xf32>
    tpu.vector_store %arg12[%swap3A_705], %swap3A_708 {strides = array<i32>} : memref<4096xf32, #tpu.memory_space<vmem>>, vector<16xf32>,
    %swap3A_709 = arith.constant 2800 : index
    %swap3A_710 = tpu.vector_load %arg12[%swap3A_709] {strides = array<i32>} : memref<4096xf32, #tpu.memory_space<vmem>>, vector<16xf32>,
    %swap3A_711 = vector.shape_cast %swap3A_710 : vector<16xf32> to vector<16xf32>
    %swap3A_712 = vector.shape_cast %broadcast_in_dim3A_9 : vector<16xf32> to vector<16xf32>
    tpu.vector_store %arg12[%swap3A_709], %swap3A_712 {strides = array<i32>} : memref<4096xf32, #tpu.memory_space<vmem>>, vector<16xf32>,
    %swap3A_713 = arith.constant 2816 : index
    %swap3A_714 = tpu.vector_load %arg12[%swap3A_713] {strides = array<i32>} : memref<4096xf32, #tpu.memory_space<vmem>>, vector<16xf32>,
    %swap3A_715 = vector.shape_cast %swap3A_714 : vector<16xf32> to vector<16xf32>
    %swap3A_716 = vector.shape_cast %broadcast_in_dim3A_9 : vector<16xf32> to vector<16xf32>
    tpu.vector_store %arg12[%swap3A_713], %swap3A_716 {strides = array<i32>} : memref<4096xf32, #tpu.memory_space<vmem>>, vector<16xf32>,
    %swap3A_717 = arith.constant 2832 : index
    %swap3A_718 = tpu.vector_load %arg12[%swap3A_717] {strides = array<i32>} : memref<4096xf32, #tpu.memory_space<vmem>>, vector<16xf32>,
    %swap3A_719 = vector.shape_cast %swap3A_718 : vector<16xf32> to vector<16xf32>
    %swap3A_720 = vector.shape_cast %broadcast_in_dim3A_9 : vector<16xf32> to vector<16xf32>
    tpu.vector_store %arg12[%swap3A_717], %swap3A_720 {strides = array<i32>} : memref<4096xf32, #tpu.memory_space<vmem>>, vector<16xf32>,
    %swap3A_721 = arith.constant 2848 : index
    %swap3A_722 = tpu.vector_load %arg12[%swap3A_721] {strides = array<i32>} : memref<4096xf32, #tpu.memory_space<vmem>>, vector<16xf32>,
    %swap3A_723 = vector.shape_cast %swap3A_722 : vector<16xf32> to vector<16xf32>
    %swap3A_724 = vector.shape_cast %broadcast_in_dim3A_9 : vector<16xf32> to vector<16xf32>
    tpu.vector_store %arg12[%swap3A_721], %swap3A_724 {strides = array<i32>} : memref<4096xf32, #tpu.memory_space<vmem>>, vector<16xf32>,
    %swap3A_725 = arith.constant 2864 : index
    %swap3A_726 = tpu.vector_load %arg12[%swap3A_725] {strides = array<i32>} : memref<4096xf32, #tpu.memory_space<vmem>>, vector<16xf32>,
    %swap3A_727 = vector.shape_cast %swap3A_726 : vector<16xf32> to vector<16xf32>
    %swap3A_728 = vector.shape_cast %broadcast_in_dim3A_9 : vector<16xf32> to vector<16xf32>
    tpu.vector_store %arg12[%swap3A_725], %swap3A_728 {strides = array<i32>} : memref<4096xf32, #tpu.memory_space<vmem>>, vector<16xf32>,
    %swap3A_729 = arith.constant 2880 : index
    %swap3A_730 = tpu.vector_load %arg12[%swap3A_729] {strides = array<i32>} : memref<4096xf32, #tpu.memory_space<vmem>>, vector<16xf32>,
    %swap3A_731 = vector.shape_cast %swap3A_730 : vector<16xf32> to vector<16xf32>
    %swap3A_732 = vector.shape_cast %broadcast_in_dim3A_9 : vector<16xf32> to vector<16xf32>
    tpu.vector_store %arg12[%swap3A_729], %swap3A_732 {strides = array<i32>} : memref<4096xf32, #tpu.memory_space<vmem>>, vector<16xf32>,
    %swap3A_733 = arith.constant 2896 : index
    %swap3A_734 = tpu.vector_load %arg12[%swap3A_733] {strides = array<i32>} : memref<4096xf32, #tpu.memory_space<vmem>>, vector<16xf32>,
    %swap3A_735 = vector.shape_cast %swap3A_734 : vector<16xf32> to vector<16xf32>
    %swap3A_736 = vector.shape_cast %broadcast_in_dim3A_9 : vector<16xf32> to vector<16xf32>
    tpu.vector_store %arg12[%swap3A_733], %swap3A_736 {strides = array<i32>} : memref<4096xf32, #tpu.memory_space<vmem>>, vector<16xf32>,
    %swap3A_737 = arith.constant 2912 : index
    %swap3A_738 = tpu.vector_load %arg12[%swap3A_737] {strides = array<i32>} : memref<4096xf32, #tpu.memory_space<vmem>>, vector<16xf32>,
    %swap3A_739 = vector.shape_cast %swap3A_738 : vector<16xf32> to vector<16xf32>
    %swap3A_740 = vector.shape_cast %broadcast_in_dim3A_9 : vector<16xf32> to vector<16xf32>
    tpu.vector_store %arg12[%swap3A_737], %swap3A_740 {strides = array<i32>} : memref<4096xf32, #tpu.memory_space<vmem>>, vector<16xf32>,
    %swap3A_741 = arith.constant 2928 : index
    %swap3A_742 = tpu.vector_load %arg12[%swap3A_741] {strides = array<i32>} : memref<4096xf32, #tpu.memory_space<vmem>>, vector<16xf32>,
    %swap3A_743 = vector.shape_cast %swap3A_742 : vector<16xf32> to vector<16xf32>
    %swap3A_744 = vector.shape_cast %broadcast_in_dim3A_9 : vector<16xf32> to vector<16xf32>
    tpu.vector_store %arg12[%swap3A_741], %swap3A_744 {strides = array<i32>} : memref<4096xf32, #tpu.memory_space<vmem>>, vector<16xf32>,
    %swap3A_745 = arith.constant 2944 : index
    %swap3A_746 = tpu.vector_load %arg12[%swap3A_745] {strides = array<i32>} : memref<4096xf32, #tpu.memory_space<vmem>>, vector<16xf32>,
    %swap3A_747 = vector.shape_cast %swap3A_746 : vector<16xf32> to vector<16xf32>
    %swap3A_748 = vector.shape_cast %broadcast_in_dim3A_9 : vector<16xf32> to vector<16xf32>
    tpu.vector_store %arg12[%swap3A_745], %swap3A_748 {strides = array<i32>} : memref<4096xf32, #tpu.memory_space<vmem>>, vector<16xf32>,
    %swap3A_749 = arith.constant 2960 : index
    %swap3A_750 = tpu.vector_load %arg12[%swap3A_749] {strides = array<i32>} : memref<4096xf32, #tpu.memory_space<vmem>>, vector<16xf32>,
    %swap3A_751 = vector.shape_cast %swap3A_750 : vector<16xf32> to vector<16xf32>
    %swap3A_752 = vector.shape_cast %broadcast_in_dim3A_9 : vector<16xf32> to vector<16xf32>
    tpu.vector_store %arg12[%swap3A_749], %swap3A_752 {strides = array<i32>} : memref<4096xf32, #tpu.memory_space<vmem>>, vector<16xf32>,
    %swap3A_753 = arith.constant 2976 : index
    %swap3A_754 = tpu.vector_load %arg12[%swap3A_753] {strides = array<i32>} : memref<4096xf32, #tpu.memory_space<vmem>>, vector<16xf32>,
    %swap3A_755 = vector.shape_cast %swap3A_754 : vector<16xf32> to vector<16xf32>
    %swap3A_756 = vector.shape_cast %broadcast_in_dim3A_9 : vector<16xf32> to vector<16xf32>
    tpu.vector_store %arg12[%swap3A_753], %swap3A_756 {strides = array<i32>} : memref<4096xf32, #tpu.memory_space<vmem>>, vector<16xf32>,
    %swap3A_757 = arith.constant 2992 : index
    %swap3A_758 = tpu.vector_load %arg12[%swap3A_757] {strides = array<i32>} : memref<4096xf32, #tpu.memory_space<vmem>>, vector<16xf32>,
    %swap3A_759 = vector.shape_cast %swap3A_758 : vector<16xf32> to vector<16xf32>
    %swap3A_760 = vector.shape_cast %broadcast_in_dim3A_9 : vector<16xf32> to vector<16xf32>
    tpu.vector_store %arg12[%swap3A_757], %swap3A_760 {strides = array<i32>} : memref<4096xf32, #tpu.memory_space<vmem>>, vector<16xf32>,
    %swap3A_761 = arith.constant 3008 : index
    %swap3A_762 = tpu.vector_load %arg12[%swap3A_761] {strides = array<i32>} : memref<4096xf32, #tpu.memory_space<vmem>>, vector<16xf32>,
    %swap3A_763 = vector.shape_cast %swap3A_762 : vector<16xf32> to vector<16xf32>
    %swap3A_764 = vector.shape_cast %broadcast_in_dim3A_9 : vector<16xf32> to vector<16xf32>
    tpu.vector_store %arg12[%swap3A_761], %swap3A_764 {strides = array<i32>} : memref<4096xf32, #tpu.memory_space<vmem>>, vector<16xf32>,
    %swap3A_765 = arith.constant 3024 : index
    %swap3A_766 = tpu.vector_load %arg12[%swap3A_765] {strides = array<i32>} : memref<4096xf32, #tpu.memory_space<vmem>>, vector<16xf32>,
    %swap3A_767 = vector.shape_cast %swap3A_766 : vector<16xf32> to vector<16xf32>
    %swap3A_768 = vector.shape_cast %broadcast_in_dim3A_9 : vector<16xf32> to vector<16xf32>
    tpu.vector_store %arg12[%swap3A_765], %swap3A_768 {strides = array<i32>} : memref<4096xf32, #tpu.memory_space<vmem>>, vector<16xf32>,
    %swap3A_769 = arith.constant 3040 : index
    %swap3A_770 = tpu.vector_load %arg12[%swap3A_769] {strides = array<i32>} : memref<4096xf32, #tpu.memory_space<vmem>>, vector<16xf32>,
    %swap3A_771 = vector.shape_cast %swap3A_770 : vector<16xf32> to vector<16xf32>
    %swap3A_772 = vector.shape_cast %broadcast_in_dim3A_9 : vector<16xf32> to vector<16xf32>
    tpu.vector_store %arg12[%swap3A_769], %swap3A_772 {strides = array<i32>} : memref<4096xf32, #tpu.memory_space<vmem>>, vector<16xf32>,
    %swap3A_773 = arith.constant 3056 : index
    %swap3A_774 = tpu.vector_load %arg12[%swap3A_773] {strides = array<i32>} : memref<4096xf32, #tpu.memory_space<vmem>>, vector<16xf32>,
    %swap3A_775 = vector.shape_cast %swap3A_774 : vector<16xf32> to vector<16xf32>
    %swap3A_776 = vector.shape_cast %broadcast_in_dim3A_9 : vector<16xf32> to vector<16xf32>
    tpu.vector_store %arg12[%swap3A_773], %swap3A_776 {strides = array<i32>} : memref<4096xf32, #tpu.memory_space<vmem>>, vector<16xf32>,
    %swap3A_777 = arith.constant 3072 : index
    %swap3A_778 = tpu.vector_load %arg12[%swap3A_777] {strides = array<i32>} : memref<4096xf32, #tpu.memory_space<vmem>>, vector<16xf32>,
    %swap3A_779 = vector.shape_cast %swap3A_778 : vector<16xf32> to vector<16xf32>
    %swap3A_780 = vector.shape_cast %broadcast_in_dim3A_9 : vector<16xf32> to vector<16xf32>
    tpu.vector_store %arg12[%swap3A_777], %swap3A_780 {strides = array<i32>} : memref<4096xf32, #tpu.memory_space<vmem>>, vector<16xf32>,
    %swap3A_781 = arith.constant 3088 : index
    %swap3A_782 = tpu.vector_load %arg12[%swap3A_781] {strides = array<i32>} : memref<4096xf32, #tpu.memory_space<vmem>>, vector<16xf32>,
    %swap3A_783 = vector.shape_cast %swap3A_782 : vector<16xf32> to vector<16xf32>
    %swap3A_784 = vector.shape_cast %broadcast_in_dim3A_9 : vector<16xf32> to vector<16xf32>
    tpu.vector_store %arg12[%swap3A_781], %swap3A_784 {strides = array<i32>} : memref<4096xf32, #tpu.memory_space<vmem>>, vector<16xf32>,
    %swap3A_785 = arith.constant 3104 : index
    %swap3A_786 = tpu.vector_load %arg12[%swap3A_785] {strides = array<i32>} : memref<4096xf32, #tpu.memory_space<vmem>>, vector<16xf32>,
    %swap3A_787 = vector.shape_cast %swap3A_786 : vector<16xf32> to vector<16xf32>
    %swap3A_788 = vector.shape_cast %broadcast_in_dim3A_9 : vector<16xf32> to vector<16xf32>
    tpu.vector_store %arg12[%swap3A_785], %swap3A_788 {strides = array<i32>} : memref<4096xf32, #tpu.memory_space<vmem>>, vector<16xf32>,
    %swap3A_789 = arith.constant 3120 : index
    %swap3A_790 = tpu.vector_load %arg12[%swap3A_789] {strides = array<i32>} : memref<4096xf32, #tpu.memory_space<vmem>>, vector<16xf32>,
    %swap3A_791 = vector.shape_cast %swap3A_790 : vector<16xf32> to vector<16xf32>
    %swap3A_792 = vector.shape_cast %broadcast_in_dim3A_9 : vector<16xf32> to vector<16xf32>
    tpu.vector_store %arg12[%swap3A_789], %swap3A_792 {strides = array<i32>} : memref<4096xf32, #tpu.memory_space<vmem>>, vector<16xf32>,
    %swap3A_793 = arith.constant 3136 : index
    %swap3A_794 = tpu.vector_load %arg12[%swap3A_793] {strides = array<i32>} : memref<4096xf32, #tpu.memory_space<vmem>>, vector<16xf32>,
    %swap3A_795 = vector.shape_cast %swap3A_794 : vector<16xf32> to vector<16xf32>
    %swap3A_796 = vector.shape_cast %broadcast_in_dim3A_9 : vector<16xf32> to vector<16xf32>
    tpu.vector_store %arg12[%swap3A_793], %swap3A_796 {strides = array<i32>} : memref<4096xf32, #tpu.memory_space<vmem>>, vector<16xf32>,
    %swap3A_797 = arith.constant 3152 : index
    %swap3A_798 = tpu.vector_load %arg12[%swap3A_797] {strides = array<i32>} : memref<4096xf32, #tpu.memory_space<vmem>>, vector<16xf32>,
    %swap3A_799 = vector.shape_cast %swap3A_798 : vector<16xf32> to vector<16xf32>
    %swap3A_800 = vector.shape_cast %broadcast_in_dim3A_9 : vector<16xf32> to vector<16xf32>
    tpu.vector_store %arg12[%swap3A_797], %swap3A_800 {strides = array<i32>} : memref<4096xf32, #tpu.memory_space<vmem>>, vector<16xf32>,
    %swap3A_801 = arith.constant 3168 : index
    %swap3A_802 = tpu.vector_load %arg12[%swap3A_801] {strides = array<i32>} : memref<4096xf32, #tpu.memory_space<vmem>>, vector<16xf32>,
    %swap3A_803 = vector.shape_cast %swap3A_802 : vector<16xf32> to vector<16xf32>
    %swap3A_804 = vector.shape_cast %broadcast_in_dim3A_9 : vector<16xf32> to vector<16xf32>
    tpu.vector_store %arg12[%swap3A_801], %swap3A_804 {strides = array<i32>} : memref<4096xf32, #tpu.memory_space<vmem>>, vector<16xf32>,
    %swap3A_805 = arith.constant 3184 : index
    %swap3A_806 = tpu.vector_load %arg12[%swap3A_805] {strides = array<i32>} : memref<4096xf32, #tpu.memory_space<vmem>>, vector<16xf32>,
    %swap3A_807 = vector.shape_cast %swap3A_806 : vector<16xf32> to vector<16xf32>
    %swap3A_808 = vector.shape_cast %broadcast_in_dim3A_9 : vector<16xf32> to vector<16xf32>
    tpu.vector_store %arg12[%swap3A_805], %swap3A_808 {strides = array<i32>} : memref<4096xf32, #tpu.memory_space<vmem>>, vector<16xf32>,
    %swap3A_809 = arith.constant 3200 : index
    %swap3A_810 = tpu.vector_load %arg12[%swap3A_809] {strides = array<i32>} : memref<4096xf32, #tpu.memory_space<vmem>>, vector<16xf32>,
    %swap3A_811 = vector.shape_cast %swap3A_810 : vector<16xf32> to vector<16xf32>
    %swap3A_812 = vector.shape_cast %broadcast_in_dim3A_9 : vector<16xf32> to vector<16xf32>
    tpu.vector_store %arg12[%swap3A_809], %swap3A_812 {strides = array<i32>} : memref<4096xf32, #tpu.memory_space<vmem>>, vector<16xf32>,
    %swap3A_813 = arith.constant 3216 : index
    %swap3A_814 = tpu.vector_load %arg12[%swap3A_813] {strides = array<i32>} : memref<4096xf32, #tpu.memory_space<vmem>>, vector<16xf32>,
    %swap3A_815 = vector.shape_cast %swap3A_814 : vector<16xf32> to vector<16xf32>
    %swap3A_816 = vector.shape_cast %broadcast_in_dim3A_9 : vector<16xf32> to vector<16xf32>
    tpu.vector_store %arg12[%swap3A_813], %swap3A_816 {strides = array<i32>} : memref<4096xf32, #tpu.memory_space<vmem>>, vector<16xf32>,
    %swap3A_817 = arith.constant 3232 : index
    %swap3A_818 = tpu.vector_load %arg12[%swap3A_817] {strides = array<i32>} : memref<4096xf32, #tpu.memory_space<vmem>>, vector<16xf32>,
    %swap3A_819 = vector.shape_cast %swap3A_818 : vector<16xf32> to vector<16xf32>
    %swap3A_820 = vector.shape_cast %broadcast_in_dim3A_9 : vector<16xf32> to vector<16xf32>
    tpu.vector_store %arg12[%swap3A_817], %swap3A_820 {strides = array<i32>} : memref<4096xf32, #tpu.memory_space<vmem>>, vector<16xf32>,
    %swap3A_821 = arith.constant 3248 : index
    %swap3A_822 = tpu.vector_load %arg12[%swap3A_821] {strides = array<i32>} : memref<4096xf32, #tpu.memory_space<vmem>>, vector<16xf32>,
    %swap3A_823 = vector.shape_cast %swap3A_822 : vector<16xf32> to vector<16xf32>
    %swap3A_824 = vector.shape_cast %broadcast_in_dim3A_9 : vector<16xf32> to vector<16xf32>
    tpu.vector_store %arg12[%swap3A_821], %swap3A_824 {strides = array<i32>} : memref<4096xf32, #tpu.memory_space<vmem>>, vector<16xf32>,
    %swap3A_825 = arith.constant 3264 : index
    %swap3A_826 = tpu.vector_load %arg12[%swap3A_825] {strides = array<i32>} : memref<4096xf32, #tpu.memory_space<vmem>>, vector<16xf32>,
    %swap3A_827 = vector.shape_cast %swap3A_826 : vector<16xf32> to vector<16xf32>
    %swap3A_828 = vector.shape_cast %broadcast_in_dim3A_9 : vector<16xf32> to vector<16xf32>
    tpu.vector_store %arg12[%swap3A_825], %swap3A_828 {strides = array<i32>} : memref<4096xf32, #tpu.memory_space<vmem>>, vector<16xf32>,
    %swap3A_829 = arith.constant 3280 : index
    %swap3A_830 = tpu.vector_load %arg12[%swap3A_829] {strides = array<i32>} : memref<4096xf32, #tpu.memory_space<vmem>>, vector<16xf32>,
    %swap3A_831 = vector.shape_cast %swap3A_830 : vector<16xf32> to vector<16xf32>
    %swap3A_832 = vector.shape_cast %broadcast_in_dim3A_9 : vector<16xf32> to vector<16xf32>
    tpu.vector_store %arg12[%swap3A_829], %swap3A_832 {strides = array<i32>} : memref<4096xf32, #tpu.memory_space<vmem>>, vector<16xf32>,
    %swap3A_833 = arith.constant 3296 : index
    %swap3A_834 = tpu.vector_load %arg12[%swap3A_833] {strides = array<i32>} : memref<4096xf32, #tpu.memory_space<vmem>>, vector<16xf32>,
    %swap3A_835 = vector.shape_cast %swap3A_834 : vector<16xf32> to vector<16xf32>
    %swap3A_836 = vector.shape_cast %broadcast_in_dim3A_9 : vector<16xf32> to vector<16xf32>
    tpu.vector_store %arg12[%swap3A_833], %swap3A_836 {strides = array<i32>} : memref<4096xf32, #tpu.memory_space<vmem>>, vector<16xf32>,
    %swap3A_837 = arith.constant 3312 : index
    %swap3A_838 = tpu.vector_load %arg12[%swap3A_837] {strides = array<i32>} : memref<4096xf32, #tpu.memory_space<vmem>>, vector<16xf32>,
    %swap3A_839 = vector.shape_cast %swap3A_838 : vector<16xf32> to vector<16xf32>
    %swap3A_840 = vector.shape_cast %broadcast_in_dim3A_9 : vector<16xf32> to vector<16xf32>
    tpu.vector_store %arg12[%swap3A_837], %swap3A_840 {strides = array<i32>} : memref<4096xf32, #tpu.memory_space<vmem>>, vector<16xf32>,
    %swap3A_841 = arith.constant 3328 : index
    %swap3A_842 = tpu.vector_load %arg12[%swap3A_841] {strides = array<i32>} : memref<4096xf32, #tpu.memory_space<vmem>>, vector<16xf32>,
    %swap3A_843 = vector.shape_cast %swap3A_842 : vector<16xf32> to vector<16xf32>
    %swap3A_844 = vector.shape_cast %broadcast_in_dim3A_9 : vector<16xf32> to vector<16xf32>
    tpu.vector_store %arg12[%swap3A_841], %swap3A_844 {strides = array<i32>} : memref<4096xf32, #tpu.memory_space<vmem>>, vector<16xf32>,
    %swap3A_845 = arith.constant 3344 : index
    %swap3A_846 = tpu.vector_load %arg12[%swap3A_845] {strides = array<i32>} : memref<4096xf32, #tpu.memory_space<vmem>>, vector<16xf32>,
    %swap3A_847 = vector.shape_cast %swap3A_846 : vector<16xf32> to vector<16xf32>
    %swap3A_848 = vector.shape_cast %broadcast_in_dim3A_9 : vector<16xf32> to vector<16xf32>
    tpu.vector_store %arg12[%swap3A_845], %swap3A_848 {strides = array<i32>} : memref<4096xf32, #tpu.memory_space<vmem>>, vector<16xf32>,
    %swap3A_849 = arith.constant 3360 : index
    %swap3A_850 = tpu.vector_load %arg12[%swap3A_849] {strides = array<i32>} : memref<4096xf32, #tpu.memory_space<vmem>>, vector<16xf32>,
    %swap3A_851 = vector.shape_cast %swap3A_850 : vector<16xf32> to vector<16xf32>
    %swap3A_852 = vector.shape_cast %broadcast_in_dim3A_9 : vector<16xf32> to vector<16xf32>
    tpu.vector_store %arg12[%swap3A_849], %swap3A_852 {strides = array<i32>} : memref<4096xf32, #tpu.memory_space<vmem>>, vector<16xf32>,
    %swap3A_853 = arith.constant 3376 : index
    %swap3A_854 = tpu.vector_load %arg12[%swap3A_853] {strides = array<i32>} : memref<4096xf32, #tpu.memory_space<vmem>>, vector<16xf32>,
    %swap3A_855 = vector.shape_cast %swap3A_854 : vector<16xf32> to vector<16xf32>
    %swap3A_856 = vector.shape_cast %broadcast_in_dim3A_9 : vector<16xf32> to vector<16xf32>
    tpu.vector_store %arg12[%swap3A_853], %swap3A_856 {strides = array<i32>} : memref<4096xf32, #tpu.memory_space<vmem>>, vector<16xf32>,
    %swap3A_857 = arith.constant 3392 : index
    %swap3A_858 = tpu.vector_load %arg12[%swap3A_857] {strides = array<i32>} : memref<4096xf32, #tpu.memory_space<vmem>>, vector<16xf32>,
    %swap3A_859 = vector.shape_cast %swap3A_858 : vector<16xf32> to vector<16xf32>
    %swap3A_860 = vector.shape_cast %broadcast_in_dim3A_9 : vector<16xf32> to vector<16xf32>
    tpu.vector_store %arg12[%swap3A_857], %swap3A_860 {strides = array<i32>} : memref<4096xf32, #tpu.memory_space<vmem>>, vector<16xf32>,
    %swap3A_861 = arith.constant 3408 : index
    %swap3A_862 = tpu.vector_load %arg12[%swap3A_861] {strides = array<i32>} : memref<4096xf32, #tpu.memory_space<vmem>>, vector<16xf32>,
    %swap3A_863 = vector.shape_cast %swap3A_862 : vector<16xf32> to vector<16xf32>
    %swap3A_864 = vector.shape_cast %broadcast_in_dim3A_9 : vector<16xf32> to vector<16xf32>
    tpu.vector_store %arg12[%swap3A_861], %swap3A_864 {strides = array<i32>} : memref<4096xf32, #tpu.memory_space<vmem>>, vector<16xf32>,
    %swap3A_865 = arith.constant 3424 : index
    %swap3A_866 = tpu.vector_load %arg12[%swap3A_865] {strides = array<i32>} : memref<4096xf32, #tpu.memory_space<vmem>>, vector<16xf32>,
    %swap3A_867 = vector.shape_cast %swap3A_866 : vector<16xf32> to vector<16xf32>
    %swap3A_868 = vector.shape_cast %broadcast_in_dim3A_9 : vector<16xf32> to vector<16xf32>
    tpu.vector_store %arg12[%swap3A_865], %swap3A_868 {strides = array<i32>} : memref<4096xf32, #tpu.memory_space<vmem>>, vector<16xf32>,
    %swap3A_869 = arith.constant 3440 : index
    %swap3A_870 = tpu.vector_load %arg12[%swap3A_869] {strides = array<i32>} : memref<4096xf32, #tpu.memory_space<vmem>>, vector<16xf32>,
    %swap3A_871 = vector.shape_cast %swap3A_870 : vector<16xf32> to vector<16xf32>
    %swap3A_872 = vector.shape_cast %broadcast_in_dim3A_9 : vector<16xf32> to vector<16xf32>
    tpu.vector_store %arg12[%swap3A_869], %swap3A_872 {strides = array<i32>} : memref<4096xf32, #tpu.memory_space<vmem>>, vector<16xf32>,
    %swap3A_873 = arith.constant 3456 : index
    %swap3A_874 = tpu.vector_load %arg12[%swap3A_873] {strides = array<i32>} : memref<4096xf32, #tpu.memory_space<vmem>>, vector<16xf32>,
    %swap3A_875 = vector.shape_cast %swap3A_874 : vector<16xf32> to vector<16xf32>
    %swap3A_876 = vector.shape_cast %broadcast_in_dim3A_9 : vector<16xf32> to vector<16xf32>
    tpu.vector_store %arg12[%swap3A_873], %swap3A_876 {strides = array<i32>} : memref<4096xf32, #tpu.memory_space<vmem>>, vector<16xf32>,
    %swap3A_877 = arith.constant 3472 : index
    %swap3A_878 = tpu.vector_load %arg12[%swap3A_877] {strides = array<i32>} : memref<4096xf32, #tpu.memory_space<vmem>>, vector<16xf32>,
    %swap3A_879 = vector.shape_cast %swap3A_878 : vector<16xf32> to vector<16xf32>
    %swap3A_880 = vector.shape_cast %broadcast_in_dim3A_9 : vector<16xf32> to vector<16xf32>
    tpu.vector_store %arg12[%swap3A_877], %swap3A_880 {strides = array<i32>} : memref<4096xf32, #tpu.memory_space<vmem>>, vector<16xf32>,
    %swap3A_881 = arith.constant 3488 : index
    %swap3A_882 = tpu.vector_load %arg12[%swap3A_881] {strides = array<i32>} : memref<4096xf32, #tpu.memory_space<vmem>>, vector<16xf32>,
    %swap3A_883 = vector.shape_cast %swap3A_882 : vector<16xf32> to vector<16xf32>
    %swap3A_884 = vector.shape_cast %broadcast_in_dim3A_9 : vector<16xf32> to vector<16xf32>
    tpu.vector_store %arg12[%swap3A_881], %swap3A_884 {strides = array<i32>} : memref<4096xf32, #tpu.memory_space<vmem>>, vector<16xf32>,
    %swap3A_885 = arith.constant 3504 : index
    %swap3A_886 = tpu.vector_load %arg12[%swap3A_885] {strides = array<i32>} : memref<4096xf32, #tpu.memory_space<vmem>>, vector<16xf32>,
    %swap3A_887 = vector.shape_cast %swap3A_886 : vector<16xf32> to vector<16xf32>
    %swap3A_888 = vector.shape_cast %broadcast_in_dim3A_9 : vector<16xf32> to vector<16xf32>
    tpu.vector_store %arg12[%swap3A_885], %swap3A_888 {strides = array<i32>} : memref<4096xf32, #tpu.memory_space<vmem>>, vector<16xf32>,
    %swap3A_889 = arith.constant 3520 : index
    %swap3A_890 = tpu.vector_load %arg12[%swap3A_889] {strides = array<i32>} : memref<4096xf32, #tpu.memory_space<vmem>>, vector<16xf32>,
    %swap3A_891 = vector.shape_cast %swap3A_890 : vector<16xf32> to vector<16xf32>
    %swap3A_892 = vector.shape_cast %broadcast_in_dim3A_9 : vector<16xf32> to vector<16xf32>
    tpu.vector_store %arg12[%swap3A_889], %swap3A_892 {strides = array<i32>} : memref<4096xf32, #tpu.memory_space<vmem>>, vector<16xf32>,
    %swap3A_893 = arith.constant 3536 : index
    %swap3A_894 = tpu.vector_load %arg12[%swap3A_893] {strides = array<i32>} : memref<4096xf32, #tpu.memory_space<vmem>>, vector<16xf32>,
    %swap3A_895 = vector.shape_cast %swap3A_894 : vector<16xf32> to vector<16xf32>
    %swap3A_896 = vector.shape_cast %broadcast_in_dim3A_9 : vector<16xf32> to vector<16xf32>
    tpu.vector_store %arg12[%swap3A_893], %swap3A_896 {strides = array<i32>} : memref<4096xf32, #tpu.memory_space<vmem>>, vector<16xf32>,
    %swap3A_897 = arith.constant 3552 : index
    %swap3A_898 = tpu.vector_load %arg12[%swap3A_897] {strides = array<i32>} : memref<4096xf32, #tpu.memory_space<vmem>>, vector<16xf32>,
    %swap3A_899 = vector.shape_cast %swap3A_898 : vector<16xf32> to vector<16xf32>
    %swap3A_900 = vector.shape_cast %broadcast_in_dim3A_9 : vector<16xf32> to vector<16xf32>
    tpu.vector_store %arg12[%swap3A_897], %swap3A_900 {strides = array<i32>} : memref<4096xf32, #tpu.memory_space<vmem>>, vector<16xf32>,
    %swap3A_901 = arith.constant 3568 : index
    %swap3A_902 = tpu.vector_load %arg12[%swap3A_901] {strides = array<i32>} : memref<4096xf32, #tpu.memory_space<vmem>>, vector<16xf32>,
    %swap3A_903 = vector.shape_cast %swap3A_902 : vector<16xf32> to vector<16xf32>
    %swap3A_904 = vector.shape_cast %broadcast_in_dim3A_9 : vector<16xf32> to vector<16xf32>
    tpu.vector_store %arg12[%swap3A_901], %swap3A_904 {strides = array<i32>} : memref<4096xf32, #tpu.memory_space<vmem>>, vector<16xf32>,
    %swap3A_905 = arith.constant 3584 : index
    %swap3A_906 = tpu.vector_load %arg12[%swap3A_905] {strides = array<i32>} : memref<4096xf32, #tpu.memory_space<vmem>>, vector<16xf32>,
    %swap3A_907 = vector.shape_cast %swap3A_906 : vector<16xf32> to vector<16xf32>
    %swap3A_908 = vector.shape_cast %broadcast_in_dim3A_9 : vector<16xf32> to vector<16xf32>
    tpu.vector_store %arg12[%swap3A_905], %swap3A_908 {strides = array<i32>} : memref<4096xf32, #tpu.memory_space<vmem>>, vector<16xf32>,
    %swap3A_909 = arith.constant 3600 : index
    %swap3A_910 = tpu.vector_load %arg12[%swap3A_909] {strides = array<i32>} : memref<4096xf32, #tpu.memory_space<vmem>>, vector<16xf32>,
    %swap3A_911 = vector.shape_cast %swap3A_910 : vector<16xf32> to vector<16xf32>
    %swap3A_912 = vector.shape_cast %broadcast_in_dim3A_9 : vector<16xf32> to vector<16xf32>
    tpu.vector_store %arg12[%swap3A_909], %swap3A_912 {strides = array<i32>} : memref<4096xf32, #tpu.memory_space<vmem>>, vector<16xf32>,
    %swap3A_913 = arith.constant 3616 : index
    %swap3A_914 = tpu.vector_load %arg12[%swap3A_913] {strides = array<i32>} : memref<4096xf32, #tpu.memory_space<vmem>>, vector<16xf32>,
    %swap3A_915 = vector.shape_cast %swap3A_914 : vector<16xf32> to vector<16xf32>
    %swap3A_916 = vector.shape_cast %broadcast_in_dim3A_9 : vector<16xf32> to vector<16xf32>
    tpu.vector_store %arg12[%swap3A_913], %swap3A_916 {strides = array<i32>} : memref<4096xf32, #tpu.memory_space<vmem>>, vector<16xf32>,
    %swap3A_917 = arith.constant 3632 : index
    %swap3A_918 = tpu.vector_load %arg12[%swap3A_917] {strides = array<i32>} : memref<4096xf32, #tpu.memory_space<vmem>>, vector<16xf32>,
    %swap3A_919 = vector.shape_cast %swap3A_918 : vector<16xf32> to vector<16xf32>
    %swap3A_920 = vector.shape_cast %broadcast_in_dim3A_9 : vector<16xf32> to vector<16xf32>
    tpu.vector_store %arg12[%swap3A_917], %swap3A_920 {strides = array<i32>} : memref<4096xf32, #tpu.memory_space<vmem>>, vector<16xf32>,
    %swap3A_921 = arith.constant 3648 : index
    %swap3A_922 = tpu.vector_load %arg12[%swap3A_921] {strides = array<i32>} : memref<4096xf32, #tpu.memory_space<vmem>>, vector<16xf32>,
    %swap3A_923 = vector.shape_cast %swap3A_922 : vector<16xf32> to vector<16xf32>
    %swap3A_924 = vector.shape_cast %broadcast_in_dim3A_9 : vector<16xf32> to vector<16xf32>
    tpu.vector_store %arg12[%swap3A_921], %swap3A_924 {strides = array<i32>} : memref<4096xf32, #tpu.memory_space<vmem>>, vector<16xf32>,
    %swap3A_925 = arith.constant 3664 : index
    %swap3A_926 = tpu.vector_load %arg12[%swap3A_925] {strides = array<i32>} : memref<4096xf32, #tpu.memory_space<vmem>>, vector<16xf32>,
    %swap3A_927 = vector.shape_cast %swap3A_926 : vector<16xf32> to vector<16xf32>
    %swap3A_928 = vector.shape_cast %broadcast_in_dim3A_9 : vector<16xf32> to vector<16xf32>
    tpu.vector_store %arg12[%swap3A_925], %swap3A_928 {strides = array<i32>} : memref<4096xf32, #tpu.memory_space<vmem>>, vector<16xf32>,
    %swap3A_929 = arith.constant 3680 : index
    %swap3A_930 = tpu.vector_load %arg12[%swap3A_929] {strides = array<i32>} : memref<4096xf32, #tpu.memory_space<vmem>>, vector<16xf32>,
    %swap3A_931 = vector.shape_cast %swap3A_930 : vector<16xf32> to vector<16xf32>
    %swap3A_932 = vector.shape_cast %broadcast_in_dim3A_9 : vector<16xf32> to vector<16xf32>
    tpu.vector_store %arg12[%swap3A_929], %swap3A_932 {strides = array<i32>} : memref<4096xf32, #tpu.memory_space<vmem>>, vector<16xf32>,
    %swap3A_933 = arith.constant 3696 : index
    %swap3A_934 = tpu.vector_load %arg12[%swap3A_933] {strides = array<i32>} : memref<4096xf32, #tpu.memory_space<vmem>>, vector<16xf32>,
    %swap3A_935 = vector.shape_cast %swap3A_934 : vector<16xf32> to vector<16xf32>
    %swap3A_936 = vector.shape_cast %broadcast_in_dim3A_9 : vector<16xf32> to vector<16xf32>
    tpu.vector_store %arg12[%swap3A_933], %swap3A_936 {strides = array<i32>} : memref<4096xf32, #tpu.memory_space<vmem>>, vector<16xf32>,
    %swap3A_937 = arith.constant 3712 : index
    %swap3A_938 = tpu.vector_load %arg12[%swap3A_937] {strides = array<i32>} : memref<4096xf32, #tpu.memory_space<vmem>>, vector<16xf32>,
    %swap3A_939 = vector.shape_cast %swap3A_938 : vector<16xf32> to vector<16xf32>
    %swap3A_940 = vector.shape_cast %broadcast_in_dim3A_9 : vector<16xf32> to vector<16xf32>
    tpu.vector_store %arg12[%swap3A_937], %swap3A_940 {strides = array<i32>} : memref<4096xf32, #tpu.memory_space<vmem>>, vector<16xf32>,
    %swap3A_941 = arith.constant 3728 : index
    %swap3A_942 = tpu.vector_load %arg12[%swap3A_941] {strides = array<i32>} : memref<4096xf32, #tpu.memory_space<vmem>>, vector<16xf32>,
    %swap3A_943 = vector.shape_cast %swap3A_942 : vector<16xf32> to vector<16xf32>
    %swap3A_944 = vector.shape_cast %broadcast_in_dim3A_9 : vector<16xf32> to vector<16xf32>
    tpu.vector_store %arg12[%swap3A_941], %swap3A_944 {strides = array<i32>} : memref<4096xf32, #tpu.memory_space<vmem>>, vector<16xf32>,
    %swap3A_945 = arith.constant 3744 : index
    %swap3A_946 = tpu.vector_load %arg12[%swap3A_945] {strides = array<i32>} : memref<4096xf32, #tpu.memory_space<vmem>>, vector<16xf32>,
    %swap3A_947 = vector.shape_cast %swap3A_946 : vector<16xf32> to vector<16xf32>
    %swap3A_948 = vector.shape_cast %broadcast_in_dim3A_9 : vector<16xf32> to vector<16xf32>
    tpu.vector_store %arg12[%swap3A_945], %swap3A_948 {strides = array<i32>} : memref<4096xf32, #tpu.memory_space<vmem>>, vector<16xf32>,
    %swap3A_949 = arith.constant 3760 : index
    %swap3A_950 = tpu.vector_load %arg12[%swap3A_949] {strides = array<i32>} : memref<4096xf32, #tpu.memory_space<vmem>>, vector<16xf32>,
    %swap3A_951 = vector.shape_cast %swap3A_950 : vector<16xf32> to vector<16xf32>
    %swap3A_952 = vector.shape_cast %broadcast_in_dim3A_9 : vector<16xf32> to vector<16xf32>
    tpu.vector_store %arg12[%swap3A_949], %swap3A_952 {strides = array<i32>} : memref<4096xf32, #tpu.memory_space<vmem>>, vector<16xf32>,
    %swap3A_953 = arith.constant 3776 : index
    %swap3A_954 = tpu.vector_load %arg12[%swap3A_953] {strides = array<i32>} : memref<4096xf32, #tpu.memory_space<vmem>>, vector<16xf32>,
    %swap3A_955 = vector.shape_cast %swap3A_954 : vector<16xf32> to vector<16xf32>
    %swap3A_956 = vector.shape_cast %broadcast_in_dim3A_9 : vector<16xf32> to vector<16xf32>
    tpu.vector_store %arg12[%swap3A_953], %swap3A_956 {strides = array<i32>} : memref<4096xf32, #tpu.memory_space<vmem>>, vector<16xf32>,
    %swap3A_957 = arith.constant 3792 : index
    %swap3A_958 = tpu.vector_load %arg12[%swap3A_957] {strides = array<i32>} : memref<4096xf32, #tpu.memory_space<vmem>>, vector<16xf32>,
    %swap3A_959 = vector.shape_cast %swap3A_958 : vector<16xf32> to vector<16xf32>
    %swap3A_960 = vector.shape_cast %broadcast_in_dim3A_9 : vector<16xf32> to vector<16xf32>
    tpu.vector_store %arg12[%swap3A_957], %swap3A_960 {strides = array<i32>} : memref<4096xf32, #tpu.memory_space<vmem>>, vector<16xf32>,
    %swap3A_961 = arith.constant 3808 : index
    %swap3A_962 = tpu.vector_load %arg12[%swap3A_961] {strides = array<i32>} : memref<4096xf32, #tpu.memory_space<vmem>>, vector<16xf32>,
    %swap3A_963 = vector.shape_cast %swap3A_962 : vector<16xf32> to vector<16xf32>
    %swap3A_964 = vector.shape_cast %broadcast_in_dim3A_9 : vector<16xf32> to vector<16xf32>
    tpu.vector_store %arg12[%swap3A_961], %swap3A_964 {strides = array<i32>} : memref<4096xf32, #tpu.memory_space<vmem>>, vector<16xf32>,
    %swap3A_965 = arith.constant 3824 : index
    %swap3A_966 = tpu.vector_load %arg12[%swap3A_965] {strides = array<i32>} : memref<4096xf32, #tpu.memory_space<vmem>>, vector<16xf32>,
    %swap3A_967 = vector.shape_cast %swap3A_966 : vector<16xf32> to vector<16xf32>
    %swap3A_968 = vector.shape_cast %broadcast_in_dim3A_9 : vector<16xf32> to vector<16xf32>
    tpu.vector_store %arg12[%swap3A_965], %swap3A_968 {strides = array<i32>} : memref<4096xf32, #tpu.memory_space<vmem>>, vector<16xf32>,
    %swap3A_969 = arith.constant 3840 : index
    %swap3A_970 = tpu.vector_load %arg12[%swap3A_969] {strides = array<i32>} : memref<4096xf32, #tpu.memory_space<vmem>>, vector<16xf32>,
    %swap3A_971 = vector.shape_cast %swap3A_970 : vector<16xf32> to vector<16xf32>
    %swap3A_972 = vector.shape_cast %broadcast_in_dim3A_9 : vector<16xf32> to vector<16xf32>
    tpu.vector_store %arg12[%swap3A_969], %swap3A_972 {strides = array<i32>} : memref<4096xf32, #tpu.memory_space<vmem>>, vector<16xf32>,
    %swap3A_973 = arith.constant 3856 : index
    %swap3A_974 = tpu.vector_load %arg12[%swap3A_973] {strides = array<i32>} : memref<4096xf32, #tpu.memory_space<vmem>>, vector<16xf32>,
    %swap3A_975 = vector.shape_cast %swap3A_974 : vector<16xf32> to vector<16xf32>
    %swap3A_976 = vector.shape_cast %broadcast_in_dim3A_9 : vector<16xf32> to vector<16xf32>
    tpu.vector_store %arg12[%swap3A_973], %swap3A_976 {strides = array<i32>} : memref<4096xf32, #tpu.memory_space<vmem>>, vector<16xf32>,
    %swap3A_977 = arith.constant 3872 : index
    %swap3A_978 = tpu.vector_load %arg12[%swap3A_977] {strides = array<i32>} : memref<4096xf32, #tpu.memory_space<vmem>>, vector<16xf32>,
    %swap3A_979 = vector.shape_cast %swap3A_978 : vector<16xf32> to vector<16xf32>
    %swap3A_980 = vector.shape_cast %broadcast_in_dim3A_9 : vector<16xf32> to vector<16xf32>
    tpu.vector_store %arg12[%swap3A_977], %swap3A_980 {strides = array<i32>} : memref<4096xf32, #tpu.memory_space<vmem>>, vector<16xf32>,
    %swap3A_981 = arith.constant 3888 : index
    %swap3A_982 = tpu.vector_load %arg12[%swap3A_981] {strides = array<i32>} : memref<4096xf32, #tpu.memory_space<vmem>>, vector<16xf32>,
    %swap3A_983 = vector.shape_cast %swap3A_982 : vector<16xf32> to vector<16xf32>
    %swap3A_984 = vector.shape_cast %broadcast_in_dim3A_9 : vector<16xf32> to vector<16xf32>
    tpu.vector_store %arg12[%swap3A_981], %swap3A_984 {strides = array<i32>} : memref<4096xf32, #tpu.memory_space<vmem>>, vector<16xf32>,
    %swap3A_985 = arith.constant 3904 : index
    %swap3A_986 = tpu.vector_load %arg12[%swap3A_985] {strides = array<i32>} : memref<4096xf32, #tpu.memory_space<vmem>>, vector<16xf32>,
    %swap3A_987 = vector.shape_cast %swap3A_986 : vector<16xf32> to vector<16xf32>
    %swap3A_988 = vector.shape_cast %broadcast_in_dim3A_9 : vector<16xf32> to vector<16xf32>
    tpu.vector_store %arg12[%swap3A_985], %swap3A_988 {strides = array<i32>} : memref<4096xf32, #tpu.memory_space<vmem>>, vector<16xf32>,
    %swap3A_989 = arith.constant 3920 : index
    %swap3A_990 = tpu.vector_load %arg12[%swap3A_989] {strides = array<i32>} : memref<4096xf32, #tpu.memory_space<vmem>>, vector<16xf32>,
    %swap3A_991 = vector.shape_cast %swap3A_990 : vector<16xf32> to vector<16xf32>
    %swap3A_992 = vector.shape_cast %broadcast_in_dim3A_9 : vector<16xf32> to vector<16xf32>
    tpu.vector_store %arg12[%swap3A_989], %swap3A_992 {strides = array<i32>} : memref<4096xf32, #tpu.memory_space<vmem>>, vector<16xf32>,
    %swap3A_993 = arith.constant 3936 : index
    %swap3A_994 = tpu.vector_load %arg12[%swap3A_993] {strides = array<i32>} : memref<4096xf32, #tpu.memory_space<vmem>>, vector<16xf32>,
    %swap3A_995 = vector.shape_cast %swap3A_994 : vector<16xf32> to vector<16xf32>
    %swap3A_996 = vector.shape_cast %broadcast_in_dim3A_9 : vector<16xf32> to vector<16xf32>
    tpu.vector_store %arg12[%swap3A_993], %swap3A_996 {strides = array<i32>} : memref<4096xf32, #tpu.memory_space<vmem>>, vector<16xf32>,
    %swap3A_997 = arith.constant 3952 : index
    %swap3A_998 = tpu.vector_load %arg12[%swap3A_997] {strides = array<i32>} : memref<4096xf32, #tpu.memory_space<vmem>>, vector<16xf32>,
    %swap3A_999 = vector.shape_cast %swap3A_998 : vector<16xf32> to vector<16xf32>
    %swap3A_1000 = vector.shape_cast %broadcast_in_dim3A_9 : vector<16xf32> to vector<16xf32>
    tpu.vector_store %arg12[%swap3A_997], %swap3A_1000 {strides = array<i32>} : memref<4096xf32, #tpu.memory_space<vmem>>, vector<16xf32>,
    %swap3A_1001 = arith.constant 3968 : index
    %swap3A_1002 = tpu.vector_load %arg12[%swap3A_1001] {strides = array<i32>} : memref<4096xf32, #tpu.memory_space<vmem>>, vector<16xf32>,
    %swap3A_1003 = vector.shape_cast %swap3A_1002 : vector<16xf32> to vector<16xf32>
    %swap3A_1004 = vector.shape_cast %broadcast_in_dim3A_9 : vector<16xf32> to vector<16xf32>
    tpu.vector_store %arg12[%swap3A_1001], %swap3A_1004 {strides = array<i32>} : memref<4096xf32, #tpu.memory_space<vmem>>, vector<16xf32>,
    %swap3A_1005 = arith.constant 3984 : index
    %swap3A_1006 = tpu.vector_load %arg12[%swap3A_1005] {strides = array<i32>} : memref<4096xf32, #tpu.memory_space<vmem>>, vector<16xf32>,
    %swap3A_1007 = vector.shape_cast %swap3A_1006 : vector<16xf32> to vector<16xf32>
    %swap3A_1008 = vector.shape_cast %broadcast_in_dim3A_9 : vector<16xf32> to vector<16xf32>
    tpu.vector_store %arg12[%swap3A_1005], %swap3A_1008 {strides = array<i32>} : memref<4096xf32, #tpu.memory_space<vmem>>, vector<16xf32>,
    %swap3A_1009 = arith.constant 4000 : index
    %swap3A_1010 = tpu.vector_load %arg12[%swap3A_1009] {strides = array<i32>} : memref<4096xf32, #tpu.memory_space<vmem>>, vector<16xf32>,
    %swap3A_1011 = vector.shape_cast %swap3A_1010 : vector<16xf32> to vector<16xf32>
    %swap3A_1012 = vector.shape_cast %broadcast_in_dim3A_9 : vector<16xf32> to vector<16xf32>
    tpu.vector_store %arg12[%swap3A_1009], %swap3A_1012 {strides = array<i32>} : memref<4096xf32, #tpu.memory_space<vmem>>, vector<16xf32>,
    %swap3A_1013 = arith.constant 4016 : index
    %swap3A_1014 = tpu.vector_load %arg12[%swap3A_1013] {strides = array<i32>} : memref<4096xf32, #tpu.memory_space<vmem>>, vector<16xf32>,
    %swap3A_1015 = vector.shape_cast %swap3A_1014 : vector<16xf32> to vector<16xf32>
    %swap3A_1016 = vector.shape_cast %broadcast_in_dim3A_9 : vector<16xf32> to vector<16xf32>
    tpu.vector_store %arg12[%swap3A_1013], %swap3A_1016 {strides = array<i32>} : memref<4096xf32, #tpu.memory_space<vmem>>, vector<16xf32>,
    %swap3A_1017 = arith.constant 4032 : index
    %swap3A_1018 = tpu.vector_load %arg12[%swap3A_1017] {strides = array<i32>} : memref<4096xf32, #tpu.memory_space<vmem>>, vector<16xf32>,
    %swap3A_1019 = vector.shape_cast %swap3A_1018 : vector<16xf32> to vector<16xf32>
    %swap3A_1020 = vector.shape_cast %broadcast_in_dim3A_9 : vector<16xf32> to vector<16xf32>
    tpu.vector_store %arg12[%swap3A_1017], %swap3A_1020 {strides = array<i32>} : memref<4096xf32, #tpu.memory_space<vmem>>, vector<16xf32>,
    %swap3A_1021 = arith.constant 4048 : index
    %swap3A_1022 = tpu.vector_load %arg12[%swap3A_1021] {strides = array<i32>} : memref<4096xf32, #tpu.memory_space<vmem>>, vector<16xf32>,
    %swap3A_1023 = vector.shape_cast %swap3A_1022 : vector<16xf32> to vector<16xf32>
    %swap3A_1024 = vector.shape_cast %broadcast_in_dim3A_9 : vector<16xf32> to vector<16xf32>
    tpu.vector_store %arg12[%swap3A_1021], %swap3A_1024 {strides = array<i32>} : memref<4096xf32, #tpu.memory_space<vmem>>, vector<16xf32>,
    %swap3A_1025 = arith.constant 4064 : index
    %swap3A_1026 = tpu.vector_load %arg12[%swap3A_1025] {strides = array<i32>} : memref<4096xf32, #tpu.memory_space<vmem>>, vector<16xf32>,
    %swap3A_1027 = vector.shape_cast %swap3A_1026 : vector<16xf32> to vector<16xf32>
    %swap3A_1028 = vector.shape_cast %broadcast_in_dim3A_9 : vector<16xf32> to vector<16xf32>
    tpu.vector_store %arg12[%swap3A_1025], %swap3A_1028 {strides = array<i32>} : memref<4096xf32, #tpu.memory_space<vmem>>, vector<16xf32>,
    %swap3A_1029 = arith.constant 4080 : index
    %swap3A_1030 = tpu.vector_load %arg12[%swap3A_1029] {strides = array<i32>} : memref<4096xf32, #tpu.memory_space<vmem>>, vector<16xf32>,
    %swap3A_1031 = vector.shape_cast %swap3A_1030 : vector<16xf32> to vector<16xf32>
    %swap3A_1032 = vector.shape_cast %broadcast_in_dim3A_9 : vector<16xf32> to vector<16xf32>
    tpu.vector_store %arg12[%swap3A_1029], %swap3A_1032 {strides = array<i32>} : memref<4096xf32, #tpu.memory_space<vmem>>, vector<16xf32>,
    %scan3A = arith.constant 0 : i32
    %scan3A_1033 = arith.constant 0 : i32
    %scan3A_1034 = arith.constant 8 : i32
    %scan3A_1035 = arith.addi %scan3A_1033, %scan3A_1034 : i32
    %scan3A_1036 = arith.constant 1 : i32
    %scan3A_1037 = scf.for %scan3A_1043 = %scan3A_1033 to %scan3A_1035 step %scan3A_1036 iter_args(%scan3A_1044 = %scan3A) -> (i32)  : i32 {
      %mul3A_1045 = arith.constant 16 : i32
      %mul3A_1046 = arith.muli %scan3A_1043, %mul3A_1045 : i32
      %get3A = arith.index_cast %mul3A_1046 : i32 to index
      %get3A_1047 = tpu.vector_load %arg9[%get3A] {strides = array<i32>} : memref<128xf32, #tpu.memory_space<vmem>>, vector<16xf32>,
      %get3A_1048 = vector.shape_cast %get3A_1047 : vector<16xf32> to vector<16xf32>
      %get3A_1049 = arith.index_cast %mul3A_1046 : i32 to index
      %get3A_1050 = tpu.vector_load %arg10[%get3A_1049] {strides = array<i32>} : memref<128xf32, #tpu.memory_space<vmem>>, vector<16xf32>,
      %get3A_1051 = vector.shape_cast %get3A_1050 : vector<16xf32> to vector<16xf32>
      %get3A_1052 = arith.index_cast %mul3A_1046 : i32 to index
      %get3A_1053 = tpu.vector_load %arg11[%get3A_1052] {strides = array<i32>} : memref<128xf32, #tpu.memory_space<vmem>>, vector<16xf32>,
      %get3A_1054 = vector.shape_cast %get3A_1053 : vector<16xf32> to vector<16xf32>
      %slice3A = vector.extract_strided_slice %get3A_1048 {offsets = [0], sizes = [1], strides = [1]} : vector<16xf32> to vector<1xf32>
      %squeeze3A = vector.extract %slice3A[0] : f32 from vector<1xf32>
      %broadcast_in_dim3A_1055 = vector.broadcast %squeeze3A : f32 to vector<16xf32>
      %slice3A_1056 = vector.extract_strided_slice %get3A_1051 {offsets = [0], sizes = [1], strides = [1]} : vector<16xf32> to vector<1xf32>
      %squeeze3A_1057 = vector.extract %slice3A_1056[0] : f32 from vector<1xf32>
      %broadcast_in_dim3A_1058 = vector.broadcast %squeeze3A_1057 : f32 to vector<16xf32>
      %slice3A_1059 = vector.extract_strided_slice %get3A_1054 {offsets = [0], sizes = [1], strides = [1]} : vector<16xf32> to vector<1xf32>
      %squeeze3A_1060 = vector.extract %slice3A_1059[0] : f32 from vector<1xf32>
      %broadcast_in_dim3A_1061 = vector.broadcast %squeeze3A_1060 : f32 to vector<16xf32>
      %slice3A_1062 = vector.extract_strided_slice %get3A_1048 {offsets = [1], sizes = [1], strides = [1]} : vector<16xf32> to vector<1xf32>
      %squeeze3A_1063 = vector.extract %slice3A_1062[0] : f32 from vector<1xf32>
      %broadcast_in_dim3A_1064 = vector.broadcast %squeeze3A_1063 : f32 to vector<16xf32>
      %slice3A_1065 = vector.extract_strided_slice %get3A_1051 {offsets = [1], sizes = [1], strides = [1]} : vector<16xf32> to vector<1xf32>
      %squeeze3A_1066 = vector.extract %slice3A_1065[0] : f32 from vector<1xf32>
      %broadcast_in_dim3A_1067 = vector.broadcast %squeeze3A_1066 : f32 to vector<16xf32>
      %slice3A_1068 = vector.extract_strided_slice %get3A_1054 {offsets = [1], sizes = [1], strides = [1]} : vector<16xf32> to vector<1xf32>
      %squeeze3A_1069 = vector.extract %slice3A_1068[0] : f32 from vector<1xf32>
      %broadcast_in_dim3A_1070 = vector.broadcast %squeeze3A_1069 : f32 to vector<16xf32>
      %slice3A_1071 = vector.extract_strided_slice %get3A_1048 {offsets = [2], sizes = [1], strides = [1]} : vector<16xf32> to vector<1xf32>
      %squeeze3A_1072 = vector.extract %slice3A_1071[0] : f32 from vector<1xf32>
      %broadcast_in_dim3A_1073 = vector.broadcast %squeeze3A_1072 : f32 to vector<16xf32>
      %slice3A_1074 = vector.extract_strided_slice %get3A_1051 {offsets = [2], sizes = [1], strides = [1]} : vector<16xf32> to vector<1xf32>
      %squeeze3A_1075 = vector.extract %slice3A_1074[0] : f32 from vector<1xf32>
      %broadcast_in_dim3A_1076 = vector.broadcast %squeeze3A_1075 : f32 to vector<16xf32>
      %slice3A_1077 = vector.extract_strided_slice %get3A_1054 {offsets = [2], sizes = [1], strides = [1]} : vector<16xf32> to vector<1xf32>
      %squeeze3A_1078 = vector.extract %slice3A_1077[0] : f32 from vector<1xf32>
      %broadcast_in_dim3A_1079 = vector.broadcast %squeeze3A_1078 : f32 to vector<16xf32>
      %slice3A_1080 = vector.extract_strided_slice %get3A_1048 {offsets = [3], sizes = [1], strides = [1]} : vector<16xf32> to vector<1xf32>
      %squeeze3A_1081 = vector.extract %slice3A_1080[0] : f32 from vector<1xf32>
      %broadcast_in_dim3A_1082 = vector.broadcast %squeeze3A_1081 : f32 to vector<16xf32>
      %slice3A_1083 = vector.extract_strided_slice %get3A_1051 {offsets = [3], sizes = [1], strides = [1]} : vector<16xf32> to vector<1xf32>
      %squeeze3A_1084 = vector.extract %slice3A_1083[0] : f32 from vector<1xf32>
      %broadcast_in_dim3A_1085 = vector.broadcast %squeeze3A_1084 : f32 to vector<16xf32>
      %slice3A_1086 = vector.extract_strided_slice %get3A_1054 {offsets = [3], sizes = [1], strides = [1]} : vector<16xf32> to vector<1xf32>
      %squeeze3A_1087 = vector.extract %slice3A_1086[0] : f32 from vector<1xf32>
      %broadcast_in_dim3A_1088 = vector.broadcast %squeeze3A_1087 : f32 to vector<16xf32>
      %slice3A_1089 = vector.extract_strided_slice %get3A_1048 {offsets = [4], sizes = [1], strides = [1]} : vector<16xf32> to vector<1xf32>
      %squeeze3A_1090 = vector.extract %slice3A_1089[0] : f32 from vector<1xf32>
      %broadcast_in_dim3A_1091 = vector.broadcast %squeeze3A_1090 : f32 to vector<16xf32>
      %slice3A_1092 = vector.extract_strided_slice %get3A_1051 {offsets = [4], sizes = [1], strides = [1]} : vector<16xf32> to vector<1xf32>
      %squeeze3A_1093 = vector.extract %slice3A_1092[0] : f32 from vector<1xf32>
      %broadcast_in_dim3A_1094 = vector.broadcast %squeeze3A_1093 : f32 to vector<16xf32>
      %slice3A_1095 = vector.extract_strided_slice %get3A_1054 {offsets = [4], sizes = [1], strides = [1]} : vector<16xf32> to vector<1xf32>
      %squeeze3A_1096 = vector.extract %slice3A_1095[0] : f32 from vector<1xf32>
      %broadcast_in_dim3A_1097 = vector.broadcast %squeeze3A_1096 : f32 to vector<16xf32>
      %slice3A_1098 = vector.extract_strided_slice %get3A_1048 {offsets = [5], sizes = [1], strides = [1]} : vector<16xf32> to vector<1xf32>
      %squeeze3A_1099 = vector.extract %slice3A_1098[0] : f32 from vector<1xf32>
      %broadcast_in_dim3A_1100 = vector.broadcast %squeeze3A_1099 : f32 to vector<16xf32>
      %slice3A_1101 = vector.extract_strided_slice %get3A_1051 {offsets = [5], sizes = [1], strides = [1]} : vector<16xf32> to vector<1xf32>
      %squeeze3A_1102 = vector.extract %slice3A_1101[0] : f32 from vector<1xf32>
      %broadcast_in_dim3A_1103 = vector.broadcast %squeeze3A_1102 : f32 to vector<16xf32>
      %slice3A_1104 = vector.extract_strided_slice %get3A_1054 {offsets = [5], sizes = [1], strides = [1]} : vector<16xf32> to vector<1xf32>
      %squeeze3A_1105 = vector.extract %slice3A_1104[0] : f32 from vector<1xf32>
      %broadcast_in_dim3A_1106 = vector.broadcast %squeeze3A_1105 : f32 to vector<16xf32>
      %slice3A_1107 = vector.extract_strided_slice %get3A_1048 {offsets = [6], sizes = [1], strides = [1]} : vector<16xf32> to vector<1xf32>
      %squeeze3A_1108 = vector.extract %slice3A_1107[0] : f32 from vector<1xf32>
      %broadcast_in_dim3A_1109 = vector.broadcast %squeeze3A_1108 : f32 to vector<16xf32>
      %slice3A_1110 = vector.extract_strided_slice %get3A_1051 {offsets = [6], sizes = [1], strides = [1]} : vector<16xf32> to vector<1xf32>
      %squeeze3A_1111 = vector.extract %slice3A_1110[0] : f32 from vector<1xf32>
      %broadcast_in_dim3A_1112 = vector.broadcast %squeeze3A_1111 : f32 to vector<16xf32>
      %slice3A_1113 = vector.extract_strided_slice %get3A_1054 {offsets = [6], sizes = [1], strides = [1]} : vector<16xf32> to vector<1xf32>
      %squeeze3A_1114 = vector.extract %slice3A_1113[0] : f32 from vector<1xf32>
      %broadcast_in_dim3A_1115 = vector.broadcast %squeeze3A_1114 : f32 to vector<16xf32>
      %slice3A_1116 = vector.extract_strided_slice %get3A_1048 {offsets = [7], sizes = [1], strides = [1]} : vector<16xf32> to vector<1xf32>
      %squeeze3A_1117 = vector.extract %slice3A_1116[0] : f32 from vector<1xf32>
      %broadcast_in_dim3A_1118 = vector.broadcast %squeeze3A_1117 : f32 to vector<16xf32>
      %slice3A_1119 = vector.extract_strided_slice %get3A_1051 {offsets = [7], sizes = [1], strides = [1]} : vector<16xf32> to vector<1xf32>
      %squeeze3A_1120 = vector.extract %slice3A_1119[0] : f32 from vector<1xf32>
      %broadcast_in_dim3A_1121 = vector.broadcast %squeeze3A_1120 : f32 to vector<16xf32>
      %slice3A_1122 = vector.extract_strided_slice %get3A_1054 {offsets = [7], sizes = [1], strides = [1]} : vector<16xf32> to vector<1xf32>
      %squeeze3A_1123 = vector.extract %slice3A_1122[0] : f32 from vector<1xf32>
      %broadcast_in_dim3A_1124 = vector.broadcast %squeeze3A_1123 : f32 to vector<16xf32>
      %scan3A_1125 = arith.constant 0 : i32
      %scan3A_1126 = arith.constant 256 : i32
      %scan3A_1127 = arith.addi %scan3A_1125, %scan3A_1126 : i32
      %scan3A_1128 = arith.constant 4 : i32
      %scan3A_1129:8 = scf.for %scan3A_1370 = %scan3A_1125 to %scan3A_1127 step %scan3A_1128 iter_args(%scan3A_1371 = %broadcast_in_dim3A_9, %scan3A_1372 = %broadcast_in_dim3A_9, %scan3A_1373 = %broadcast_in_dim3A_9, %scan3A_1374 = %broadcast_in_dim3A_9, %scan3A_1375 = %broadcast_in_dim3A_9, %scan3A_1376 = %broadcast_in_dim3A_9, %scan3A_1377 = %broadcast_in_dim3A_9, %scan3A_1378 = %broadcast_in_dim3A_9) -> (vector<16xf32>, vector<16xf32>, vector<16xf32>, vector<16xf32>, vector<16xf32>, vector<16xf32>, vector<16xf32>, vector<16xf32>)  : i32 {
        %mul3A_1379 = arith.constant 16 : i32
        %mul3A_1380 = arith.muli %scan3A_1370, %mul3A_1379 : i32
        %get3A_1381 = arith.index_cast %mul3A_1380 : i32 to index
        %get3A_1382 = tpu.vector_load %arg6[%get3A_1381] {strides = array<i32>} : memref<4096xf32, #tpu.memory_space<vmem>>, vector<16xf32>,
        %get3A_1383 = vector.shape_cast %get3A_1382 : vector<16xf32> to vector<16xf32>
        %get3A_1384 = arith.index_cast %mul3A_1380 : i32 to index
        %get3A_1385 = tpu.vector_load %arg7[%get3A_1384] {strides = array<i32>} : memref<4096xf32, #tpu.memory_space<vmem>>, vector<16xf32>,
        %get3A_1386 = vector.shape_cast %get3A_1385 : vector<16xf32> to vector<16xf32>
        %get3A_1387 = arith.index_cast %mul3A_1380 : i32 to index
        %get3A_1388 = tpu.vector_load %arg8[%get3A_1387] {strides = array<i32>} : memref<4096xf32, #tpu.memory_space<vmem>>, vector<16xf32>,
        %get3A_1389 = vector.shape_cast %get3A_1388 : vector<16xf32> to vector<16xf32>
        %sub3A = arith.subf %broadcast_in_dim3A_1055, %get3A_1383 : vector<16xf32>
        %sub3A_1390 = arith.subf %broadcast_in_dim3A_1058, %get3A_1386 : vector<16xf32>
        %sub3A_1391 = arith.subf %broadcast_in_dim3A_1061, %get3A_1389 : vector<16xf32>
        %mul3A_1392 = arith.mulf %sub3A, %sub3A : vector<16xf32>
        %mul3A_1393 = arith.mulf %sub3A_1390, %sub3A_1390 : vector<16xf32>
        %add3A_1394 = arith.addf %mul3A_1392, %mul3A_1393 : vector<16xf32>
        %mul3A_1395 = arith.mulf %sub3A_1391, %sub3A_1391 : vector<16xf32>
        %add3A_1396 = arith.addf %add3A_1394, %mul3A_1395 : vector<16xf32>
        %sub3A_1397 = arith.subf %broadcast_in_dim3A_1064, %get3A_1383 : vector<16xf32>
        %sub3A_1398 = arith.subf %broadcast_in_dim3A_1067, %get3A_1386 : vector<16xf32>
        %sub3A_1399 = arith.subf %broadcast_in_dim3A_1070, %get3A_1389 : vector<16xf32>
        %mul3A_1400 = arith.mulf %sub3A_1397, %sub3A_1397 : vector<16xf32>
        %mul3A_1401 = arith.mulf %sub3A_1398, %sub3A_1398 : vector<16xf32>
        %add3A_1402 = arith.addf %mul3A_1400, %mul3A_1401 : vector<16xf32>
        %mul3A_1403 = arith.mulf %sub3A_1399, %sub3A_1399 : vector<16xf32>
        %add3A_1404 = arith.addf %add3A_1402, %mul3A_1403 : vector<16xf32>
        %sub3A_1405 = arith.subf %broadcast_in_dim3A_1073, %get3A_1383 : vector<16xf32>
        %sub3A_1406 = arith.subf %broadcast_in_dim3A_1076, %get3A_1386 : vector<16xf32>
        %sub3A_1407 = arith.subf %broadcast_in_dim3A_1079, %get3A_1389 : vector<16xf32>
        %mul3A_1408 = arith.mulf %sub3A_1405, %sub3A_1405 : vector<16xf32>
        %mul3A_1409 = arith.mulf %sub3A_1406, %sub3A_1406 : vector<16xf32>
        %add3A_1410 = arith.addf %mul3A_1408, %mul3A_1409 : vector<16xf32>
        %mul3A_1411 = arith.mulf %sub3A_1407, %sub3A_1407 : vector<16xf32>
        %add3A_1412 = arith.addf %add3A_1410, %mul3A_1411 : vector<16xf32>
        %sub3A_1413 = arith.subf %broadcast_in_dim3A_1082, %get3A_1383 : vector<16xf32>
        %sub3A_1414 = arith.subf %broadcast_in_dim3A_1085, %get3A_1386 : vector<16xf32>
        %sub3A_1415 = arith.subf %broadcast_in_dim3A_1088, %get3A_1389 : vector<16xf32>
        %mul3A_1416 = arith.mulf %sub3A_1413, %sub3A_1413 : vector<16xf32>
        %mul3A_1417 = arith.mulf %sub3A_1414, %sub3A_1414 : vector<16xf32>
        %add3A_1418 = arith.addf %mul3A_1416, %mul3A_1417 : vector<16xf32>
        %mul3A_1419 = arith.mulf %sub3A_1415, %sub3A_1415 : vector<16xf32>
        %add3A_1420 = arith.addf %add3A_1418, %mul3A_1419 : vector<16xf32>
        %sub3A_1421 = arith.subf %broadcast_in_dim3A_1091, %get3A_1383 : vector<16xf32>
        %sub3A_1422 = arith.subf %broadcast_in_dim3A_1094, %get3A_1386 : vector<16xf32>
        %sub3A_1423 = arith.subf %broadcast_in_dim3A_1097, %get3A_1389 : vector<16xf32>
        %mul3A_1424 = arith.mulf %sub3A_1421, %sub3A_1421 : vector<16xf32>
        %mul3A_1425 = arith.mulf %sub3A_1422, %sub3A_1422 : vector<16xf32>
        %add3A_1426 = arith.addf %mul3A_1424, %mul3A_1425 : vector<16xf32>
        %mul3A_1427 = arith.mulf %sub3A_1423, %sub3A_1423 : vector<16xf32>
        %add3A_1428 = arith.addf %add3A_1426, %mul3A_1427 : vector<16xf32>
        %sub3A_1429 = arith.subf %broadcast_in_dim3A_1100, %get3A_1383 : vector<16xf32>
        %sub3A_1430 = arith.subf %broadcast_in_dim3A_1103, %get3A_1386 : vector<16xf32>
        %sub3A_1431 = arith.subf %broadcast_in_dim3A_1106, %get3A_1389 : vector<16xf32>
        %mul3A_1432 = arith.mulf %sub3A_1429, %sub3A_1429 : vector<16xf32>
        %mul3A_1433 = arith.mulf %sub3A_1430, %sub3A_1430 : vector<16xf32>
        %add3A_1434 = arith.addf %mul3A_1432, %mul3A_1433 : vector<16xf32>
        %mul3A_1435 = arith.mulf %sub3A_1431, %sub3A_1431 : vector<16xf32>
        %add3A_1436 = arith.addf %add3A_1434, %mul3A_1435 : vector<16xf32>
        %sub3A_1437 = arith.subf %broadcast_in_dim3A_1109, %get3A_1383 : vector<16xf32>
        %sub3A_1438 = arith.subf %broadcast_in_dim3A_1112, %get3A_1386 : vector<16xf32>
        %sub3A_1439 = arith.subf %broadcast_in_dim3A_1115, %get3A_1389 : vector<16xf32>
        %mul3A_1440 = arith.mulf %sub3A_1437, %sub3A_1437 : vector<16xf32>
        %mul3A_1441 = arith.mulf %sub3A_1438, %sub3A_1438 : vector<16xf32>
        %add3A_1442 = arith.addf %mul3A_1440, %mul3A_1441 : vector<16xf32>
        %mul3A_1443 = arith.mulf %sub3A_1439, %sub3A_1439 : vector<16xf32>
        %add3A_1444 = arith.addf %add3A_1442, %mul3A_1443 : vector<16xf32>
        %sub3A_1445 = arith.subf %broadcast_in_dim3A_1118, %get3A_1383 : vector<16xf32>
        %sub3A_1446 = arith.subf %broadcast_in_dim3A_1121, %get3A_1386 : vector<16xf32>
        %sub3A_1447 = arith.subf %broadcast_in_dim3A_1124, %get3A_1389 : vector<16xf32>
        %mul3A_1448 = arith.mulf %sub3A_1445, %sub3A_1445 : vector<16xf32>
        %mul3A_1449 = arith.mulf %sub3A_1446, %sub3A_1446 : vector<16xf32>
        %add3A_1450 = arith.addf %mul3A_1448, %mul3A_1449 : vector<16xf32>
        %mul3A_1451 = arith.mulf %sub3A_1447, %sub3A_1447 : vector<16xf32>
        %add3A_1452 = arith.addf %add3A_1450, %mul3A_1451 : vector<16xf32>
        %min3A = arith.minimumf %add3A_1396, %add3A_1404 : vector<16xf32>
        %min3A_1453 = arith.minimumf %add3A_1412, %add3A_1420 : vector<16xf32>
        %min3A_1454 = arith.minimumf %add3A_1428, %add3A_1436 : vector<16xf32>
        %min3A_1455 = arith.minimumf %add3A_1444, %add3A_1452 : vector<16xf32>
        %min3A_1456 = arith.minimumf %min3A, %min3A_1453 : vector<16xf32>
        %min3A_1457 = arith.minimumf %min3A_1454, %min3A_1455 : vector<16xf32>
        %min3A_1458 = arith.minimumf %min3A_1456, %min3A_1457 : vector<16xf32>
        %get3A_1459 = arith.index_cast %mul3A_1380 : i32 to index
        %get3A_1460 = tpu.vector_load %arg12[%get3A_1459] {strides = array<i32>} : memref<4096xf32, #tpu.memory_space<vmem>>, vector<16xf32>,
        %get3A_1461 = vector.shape_cast %get3A_1460 : vector<16xf32> to vector<16xf32>
        %min3A_1462 = arith.minimumf %get3A_1461, %min3A_1458 : vector<16xf32>
        %swap3A_1463 = arith.index_cast %mul3A_1380 : i32 to index
        %swap3A_1464 = tpu.vector_load %arg12[%swap3A_1463] {strides = array<i32>} : memref<4096xf32, #tpu.memory_space<vmem>>, vector<16xf32>,
        %swap3A_1465 = vector.shape_cast %swap3A_1464 : vector<16xf32> to vector<16xf32>
        %swap3A_1466 = vector.shape_cast %min3A_1462 : vector<16xf32> to vector<16xf32>
        tpu.vector_store %arg12[%swap3A_1463], %swap3A_1466 {strides = array<i32>} : memref<4096xf32, #tpu.memory_space<vmem>>, vector<16xf32>,
        %min3A_1467 = arith.minimumf %scan3A_1371, %add3A_1396 : vector<16xf32>
        %min3A_1468 = arith.minimumf %scan3A_1372, %add3A_1404 : vector<16xf32>
        %min3A_1469 = arith.minimumf %scan3A_1373, %add3A_1412 : vector<16xf32>
        %min3A_1470 = arith.minimumf %scan3A_1374, %add3A_1420 : vector<16xf32>
        %min3A_1471 = arith.minimumf %scan3A_1375, %add3A_1428 : vector<16xf32>
        %min3A_1472 = arith.minimumf %scan3A_1376, %add3A_1436 : vector<16xf32>
        %min3A_1473 = arith.minimumf %scan3A_1377, %add3A_1444 : vector<16xf32>
        %min3A_1474 = arith.minimumf %scan3A_1378, %add3A_1452 : vector<16xf32>
        %scan3A_1475 = arith.constant 1 : i32
        %scan3A_1476 = arith.addi %scan3A_1370, %scan3A_1475 : i32
        %mul3A_1477 = arith.constant 16 : i32
        %mul3A_1478 = arith.muli %scan3A_1476, %mul3A_1477 : i32
        %get3A_1479 = arith.index_cast %mul3A_1478 : i32 to index
        %get3A_1480 = tpu.vector_load %arg6[%get3A_1479] {strides = array<i32>} : memref<4096xf32, #tpu.memory_space<vmem>>, vector<16xf32>,
        %get3A_1481 = vector.shape_cast %get3A_1480 : vector<16xf32> to vector<16xf32>
        %get3A_1482 = arith.index_cast %mul3A_1478 : i32 to index
        %get3A_1483 = tpu.vector_load %arg7[%get3A_1482] {strides = array<i32>} : memref<4096xf32, #tpu.memory_space<vmem>>, vector<16xf32>,
        %get3A_1484 = vector.shape_cast %get3A_1483 : vector<16xf32> to vector<16xf32>
        %get3A_1485 = arith.index_cast %mul3A_1478 : i32 to index
        %get3A_1486 = tpu.vector_load %arg8[%get3A_1485] {strides = array<i32>} : memref<4096xf32, #tpu.memory_space<vmem>>, vector<16xf32>,
        %get3A_1487 = vector.shape_cast %get3A_1486 : vector<16xf32> to vector<16xf32>
        %sub3A_1488 = arith.subf %broadcast_in_dim3A_1055, %get3A_1481 : vector<16xf32>
        %sub3A_1489 = arith.subf %broadcast_in_dim3A_1058, %get3A_1484 : vector<16xf32>
        %sub3A_1490 = arith.subf %broadcast_in_dim3A_1061, %get3A_1487 : vector<16xf32>
        %mul3A_1491 = arith.mulf %sub3A_1488, %sub3A_1488 : vector<16xf32>
        %mul3A_1492 = arith.mulf %sub3A_1489, %sub3A_1489 : vector<16xf32>
        %add3A_1493 = arith.addf %mul3A_1491, %mul3A_1492 : vector<16xf32>
        %mul3A_1494 = arith.mulf %sub3A_1490, %sub3A_1490 : vector<16xf32>
        %add3A_1495 = arith.addf %add3A_1493, %mul3A_1494 : vector<16xf32>
        %sub3A_1496 = arith.subf %broadcast_in_dim3A_1064, %get3A_1481 : vector<16xf32>
        %sub3A_1497 = arith.subf %broadcast_in_dim3A_1067, %get3A_1484 : vector<16xf32>
        %sub3A_1498 = arith.subf %broadcast_in_dim3A_1070, %get3A_1487 : vector<16xf32>
        %mul3A_1499 = arith.mulf %sub3A_1496, %sub3A_1496 : vector<16xf32>
        %mul3A_1500 = arith.mulf %sub3A_1497, %sub3A_1497 : vector<16xf32>
        %add3A_1501 = arith.addf %mul3A_1499, %mul3A_1500 : vector<16xf32>
        %mul3A_1502 = arith.mulf %sub3A_1498, %sub3A_1498 : vector<16xf32>
        %add3A_1503 = arith.addf %add3A_1501, %mul3A_1502 : vector<16xf32>
        %sub3A_1504 = arith.subf %broadcast_in_dim3A_1073, %get3A_1481 : vector<16xf32>
        %sub3A_1505 = arith.subf %broadcast_in_dim3A_1076, %get3A_1484 : vector<16xf32>
        %sub3A_1506 = arith.subf %broadcast_in_dim3A_1079, %get3A_1487 : vector<16xf32>
        %mul3A_1507 = arith.mulf %sub3A_1504, %sub3A_1504 : vector<16xf32>
        %mul3A_1508 = arith.mulf %sub3A_1505, %sub3A_1505 : vector<16xf32>
        %add3A_1509 = arith.addf %mul3A_1507, %mul3A_1508 : vector<16xf32>
        %mul3A_1510 = arith.mulf %sub3A_1506, %sub3A_1506 : vector<16xf32>
        %add3A_1511 = arith.addf %add3A_1509, %mul3A_1510 : vector<16xf32>
        %sub3A_1512 = arith.subf %broadcast_in_dim3A_1082, %get3A_1481 : vector<16xf32>
        %sub3A_1513 = arith.subf %broadcast_in_dim3A_1085, %get3A_1484 : vector<16xf32>
        %sub3A_1514 = arith.subf %broadcast_in_dim3A_1088, %get3A_1487 : vector<16xf32>
        %mul3A_1515 = arith.mulf %sub3A_1512, %sub3A_1512 : vector<16xf32>
        %mul3A_1516 = arith.mulf %sub3A_1513, %sub3A_1513 : vector<16xf32>
        %add3A_1517 = arith.addf %mul3A_1515, %mul3A_1516 : vector<16xf32>
        %mul3A_1518 = arith.mulf %sub3A_1514, %sub3A_1514 : vector<16xf32>
        %add3A_1519 = arith.addf %add3A_1517, %mul3A_1518 : vector<16xf32>
        %sub3A_1520 = arith.subf %broadcast_in_dim3A_1091, %get3A_1481 : vector<16xf32>
        %sub3A_1521 = arith.subf %broadcast_in_dim3A_1094, %get3A_1484 : vector<16xf32>
        %sub3A_1522 = arith.subf %broadcast_in_dim3A_1097, %get3A_1487 : vector<16xf32>
        %mul3A_1523 = arith.mulf %sub3A_1520, %sub3A_1520 : vector<16xf32>
        %mul3A_1524 = arith.mulf %sub3A_1521, %sub3A_1521 : vector<16xf32>
        %add3A_1525 = arith.addf %mul3A_1523, %mul3A_1524 : vector<16xf32>
        %mul3A_1526 = arith.mulf %sub3A_1522, %sub3A_1522 : vector<16xf32>
        %add3A_1527 = arith.addf %add3A_1525, %mul3A_1526 : vector<16xf32>
        %sub3A_1528 = arith.subf %broadcast_in_dim3A_1100, %get3A_1481 : vector<16xf32>
        %sub3A_1529 = arith.subf %broadcast_in_dim3A_1103, %get3A_1484 : vector<16xf32>
        %sub3A_1530 = arith.subf %broadcast_in_dim3A_1106, %get3A_1487 : vector<16xf32>
        %mul3A_1531 = arith.mulf %sub3A_1528, %sub3A_1528 : vector<16xf32>
        %mul3A_1532 = arith.mulf %sub3A_1529, %sub3A_1529 : vector<16xf32>
        %add3A_1533 = arith.addf %mul3A_1531, %mul3A_1532 : vector<16xf32>
        %mul3A_1534 = arith.mulf %sub3A_1530, %sub3A_1530 : vector<16xf32>
        %add3A_1535 = arith.addf %add3A_1533, %mul3A_1534 : vector<16xf32>
        %sub3A_1536 = arith.subf %broadcast_in_dim3A_1109, %get3A_1481 : vector<16xf32>
        %sub3A_1537 = arith.subf %broadcast_in_dim3A_1112, %get3A_1484 : vector<16xf32>
        %sub3A_1538 = arith.subf %broadcast_in_dim3A_1115, %get3A_1487 : vector<16xf32>
        %mul3A_1539 = arith.mulf %sub3A_1536, %sub3A_1536 : vector<16xf32>
        %mul3A_1540 = arith.mulf %sub3A_1537, %sub3A_1537 : vector<16xf32>
        %add3A_1541 = arith.addf %mul3A_1539, %mul3A_1540 : vector<16xf32>
        %mul3A_1542 = arith.mulf %sub3A_1538, %sub3A_1538 : vector<16xf32>
        %add3A_1543 = arith.addf %add3A_1541, %mul3A_1542 : vector<16xf32>
        %sub3A_1544 = arith.subf %broadcast_in_dim3A_1118, %get3A_1481 : vector<16xf32>
        %sub3A_1545 = arith.subf %broadcast_in_dim3A_1121, %get3A_1484 : vector<16xf32>
        %sub3A_1546 = arith.subf %broadcast_in_dim3A_1124, %get3A_1487 : vector<16xf32>
        %mul3A_1547 = arith.mulf %sub3A_1544, %sub3A_1544 : vector<16xf32>
        %mul3A_1548 = arith.mulf %sub3A_1545, %sub3A_1545 : vector<16xf32>
        %add3A_1549 = arith.addf %mul3A_1547, %mul3A_1548 : vector<16xf32>
        %mul3A_1550 = arith.mulf %sub3A_1546, %sub3A_1546 : vector<16xf32>
        %add3A_1551 = arith.addf %add3A_1549, %mul3A_1550 : vector<16xf32>
        %min3A_1552 = arith.minimumf %add3A_1495, %add3A_1503 : vector<16xf32>
        %min3A_1553 = arith.minimumf %add3A_1511, %add3A_1519 : vector<16xf32>
        %min3A_1554 = arith.minimumf %add3A_1527, %add3A_1535 : vector<16xf32>
        %min3A_1555 = arith.minimumf %add3A_1543, %add3A_1551 : vector<16xf32>
        %min3A_1556 = arith.minimumf %min3A_1552, %min3A_1553 : vector<16xf32>
        %min3A_1557 = arith.minimumf %min3A_1554, %min3A_1555 : vector<16xf32>
        %min3A_1558 = arith.minimumf %min3A_1556, %min3A_1557 : vector<16xf32>
        %get3A_1559 = arith.index_cast %mul3A_1478 : i32 to index
        %get3A_1560 = tpu.vector_load %arg12[%get3A_1559] {strides = array<i32>} : memref<4096xf32, #tpu.memory_space<vmem>>, vector<16xf32>,
        %get3A_1561 = vector.shape_cast %get3A_1560 : vector<16xf32> to vector<16xf32>
        %min3A_1562 = arith.minimumf %get3A_1561, %min3A_1558 : vector<16xf32>
        %swap3A_1563 = arith.index_cast %mul3A_1478 : i32 to index
        %swap3A_1564 = tpu.vector_load %arg12[%swap3A_1563] {strides = array<i32>} : memref<4096xf32, #tpu.memory_space<vmem>>, vector<16xf32>,
        %swap3A_1565 = vector.shape_cast %swap3A_1564 : vector<16xf32> to vector<16xf32>
        %swap3A_1566 = vector.shape_cast %min3A_1562 : vector<16xf32> to vector<16xf32>
        tpu.vector_store %arg12[%swap3A_1563], %swap3A_1566 {strides = array<i32>} : memref<4096xf32, #tpu.memory_space<vmem>>, vector<16xf32>,
        %min3A_1567 = arith.minimumf %min3A_1467, %add3A_1495 : vector<16xf32>
        %min3A_1568 = arith.minimumf %min3A_1468, %add3A_1503 : vector<16xf32>
        %min3A_1569 = arith.minimumf %min3A_1469, %add3A_1511 : vector<16xf32>
        %min3A_1570 = arith.minimumf %min3A_1470, %add3A_1519 : vector<16xf32>
        %min3A_1571 = arith.minimumf %min3A_1471, %add3A_1527 : vector<16xf32>
        %min3A_1572 = arith.minimumf %min3A_1472, %add3A_1535 : vector<16xf32>
        %min3A_1573 = arith.minimumf %min3A_1473, %add3A_1543 : vector<16xf32>
        %min3A_1574 = arith.minimumf %min3A_1474, %add3A_1551 : vector<16xf32>
        %scan3A_1575 = arith.constant 2 : i32
        %scan3A_1576 = arith.addi %scan3A_1370, %scan3A_1575 : i32
        %mul3A_1577 = arith.constant 16 : i32
        %mul3A_1578 = arith.muli %scan3A_1576, %mul3A_1577 : i32
        %get3A_1579 = arith.index_cast %mul3A_1578 : i32 to index
        %get3A_1580 = tpu.vector_load %arg6[%get3A_1579] {strides = array<i32>} : memref<4096xf32, #tpu.memory_space<vmem>>, vector<16xf32>,
        %get3A_1581 = vector.shape_cast %get3A_1580 : vector<16xf32> to vector<16xf32>
        %get3A_1582 = arith.index_cast %mul3A_1578 : i32 to index
        %get3A_1583 = tpu.vector_load %arg7[%get3A_1582] {strides = array<i32>} : memref<4096xf32, #tpu.memory_space<vmem>>, vector<16xf32>,
        %get3A_1584 = vector.shape_cast %get3A_1583 : vector<16xf32> to vector<16xf32>
        %get3A_1585 = arith.index_cast %mul3A_1578 : i32 to index
        %get3A_1586 = tpu.vector_load %arg8[%get3A_1585] {strides = array<i32>} : memref<4096xf32, #tpu.memory_space<vmem>>, vector<16xf32>,
        %get3A_1587 = vector.shape_cast %get3A_1586 : vector<16xf32> to vector<16xf32>
        %sub3A_1588 = arith.subf %broadcast_in_dim3A_1055, %get3A_1581 : vector<16xf32>
        %sub3A_1589 = arith.subf %broadcast_in_dim3A_1058, %get3A_1584 : vector<16xf32>
        %sub3A_1590 = arith.subf %broadcast_in_dim3A_1061, %get3A_1587 : vector<16xf32>
        %mul3A_1591 = arith.mulf %sub3A_1588, %sub3A_1588 : vector<16xf32>
        %mul3A_1592 = arith.mulf %sub3A_1589, %sub3A_1589 : vector<16xf32>
        %add3A_1593 = arith.addf %mul3A_1591, %mul3A_1592 : vector<16xf32>
        %mul3A_1594 = arith.mulf %sub3A_1590, %sub3A_1590 : vector<16xf32>
        %add3A_1595 = arith.addf %add3A_1593, %mul3A_1594 : vector<16xf32>
        %sub3A_1596 = arith.subf %broadcast_in_dim3A_1064, %get3A_1581 : vector<16xf32>
        %sub3A_1597 = arith.subf %broadcast_in_dim3A_1067, %get3A_1584 : vector<16xf32>
        %sub3A_1598 = arith.subf %broadcast_in_dim3A_1070, %get3A_1587 : vector<16xf32>
        %mul3A_1599 = arith.mulf %sub3A_1596, %sub3A_1596 : vector<16xf32>
        %mul3A_1600 = arith.mulf %sub3A_1597, %sub3A_1597 : vector<16xf32>
        %add3A_1601 = arith.addf %mul3A_1599, %mul3A_1600 : vector<16xf32>
        %mul3A_1602 = arith.mulf %sub3A_1598, %sub3A_1598 : vector<16xf32>
        %add3A_1603 = arith.addf %add3A_1601, %mul3A_1602 : vector<16xf32>
        %sub3A_1604 = arith.subf %broadcast_in_dim3A_1073, %get3A_1581 : vector<16xf32>
        %sub3A_1605 = arith.subf %broadcast_in_dim3A_1076, %get3A_1584 : vector<16xf32>
        %sub3A_1606 = arith.subf %broadcast_in_dim3A_1079, %get3A_1587 : vector<16xf32>
        %mul3A_1607 = arith.mulf %sub3A_1604, %sub3A_1604 : vector<16xf32>
        %mul3A_1608 = arith.mulf %sub3A_1605, %sub3A_1605 : vector<16xf32>
        %add3A_1609 = arith.addf %mul3A_1607, %mul3A_1608 : vector<16xf32>
        %mul3A_1610 = arith.mulf %sub3A_1606, %sub3A_1606 : vector<16xf32>
        %add3A_1611 = arith.addf %add3A_1609, %mul3A_1610 : vector<16xf32>
        %sub3A_1612 = arith.subf %broadcast_in_dim3A_1082, %get3A_1581 : vector<16xf32>
        %sub3A_1613 = arith.subf %broadcast_in_dim3A_1085, %get3A_1584 : vector<16xf32>
        %sub3A_1614 = arith.subf %broadcast_in_dim3A_1088, %get3A_1587 : vector<16xf32>
        %mul3A_1615 = arith.mulf %sub3A_1612, %sub3A_1612 : vector<16xf32>
        %mul3A_1616 = arith.mulf %sub3A_1613, %sub3A_1613 : vector<16xf32>
        %add3A_1617 = arith.addf %mul3A_1615, %mul3A_1616 : vector<16xf32>
        %mul3A_1618 = arith.mulf %sub3A_1614, %sub3A_1614 : vector<16xf32>
        %add3A_1619 = arith.addf %add3A_1617, %mul3A_1618 : vector<16xf32>
        %sub3A_1620 = arith.subf %broadcast_in_dim3A_1091, %get3A_1581 : vector<16xf32>
        %sub3A_1621 = arith.subf %broadcast_in_dim3A_1094, %get3A_1584 : vector<16xf32>
        %sub3A_1622 = arith.subf %broadcast_in_dim3A_1097, %get3A_1587 : vector<16xf32>
        %mul3A_1623 = arith.mulf %sub3A_1620, %sub3A_1620 : vector<16xf32>
        %mul3A_1624 = arith.mulf %sub3A_1621, %sub3A_1621 : vector<16xf32>
        %add3A_1625 = arith.addf %mul3A_1623, %mul3A_1624 : vector<16xf32>
        %mul3A_1626 = arith.mulf %sub3A_1622, %sub3A_1622 : vector<16xf32>
        %add3A_1627 = arith.addf %add3A_1625, %mul3A_1626 : vector<16xf32>
        %sub3A_1628 = arith.subf %broadcast_in_dim3A_1100, %get3A_1581 : vector<16xf32>
        %sub3A_1629 = arith.subf %broadcast_in_dim3A_1103, %get3A_1584 : vector<16xf32>
        %sub3A_1630 = arith.subf %broadcast_in_dim3A_1106, %get3A_1587 : vector<16xf32>
        %mul3A_1631 = arith.mulf %sub3A_1628, %sub3A_1628 : vector<16xf32>
        %mul3A_1632 = arith.mulf %sub3A_1629, %sub3A_1629 : vector<16xf32>
        %add3A_1633 = arith.addf %mul3A_1631, %mul3A_1632 : vector<16xf32>
        %mul3A_1634 = arith.mulf %sub3A_1630, %sub3A_1630 : vector<16xf32>
        %add3A_1635 = arith.addf %add3A_1633, %mul3A_1634 : vector<16xf32>
        %sub3A_1636 = arith.subf %broadcast_in_dim3A_1109, %get3A_1581 : vector<16xf32>
        %sub3A_1637 = arith.subf %broadcast_in_dim3A_1112, %get3A_1584 : vector<16xf32>
        %sub3A_1638 = arith.subf %broadcast_in_dim3A_1115, %get3A_1587 : vector<16xf32>
        %mul3A_1639 = arith.mulf %sub3A_1636, %sub3A_1636 : vector<16xf32>
        %mul3A_1640 = arith.mulf %sub3A_1637, %sub3A_1637 : vector<16xf32>
        %add3A_1641 = arith.addf %mul3A_1639, %mul3A_1640 : vector<16xf32>
        %mul3A_1642 = arith.mulf %sub3A_1638, %sub3A_1638 : vector<16xf32>
        %add3A_1643 = arith.addf %add3A_1641, %mul3A_1642 : vector<16xf32>
        %sub3A_1644 = arith.subf %broadcast_in_dim3A_1118, %get3A_1581 : vector<16xf32>
        %sub3A_1645 = arith.subf %broadcast_in_dim3A_1121, %get3A_1584 : vector<16xf32>
        %sub3A_1646 = arith.subf %broadcast_in_dim3A_1124, %get3A_1587 : vector<16xf32>
        %mul3A_1647 = arith.mulf %sub3A_1644, %sub3A_1644 : vector<16xf32>
        %mul3A_1648 = arith.mulf %sub3A_1645, %sub3A_1645 : vector<16xf32>
        %add3A_1649 = arith.addf %mul3A_1647, %mul3A_1648 : vector<16xf32>
        %mul3A_1650 = arith.mulf %sub3A_1646, %sub3A_1646 : vector<16xf32>
        %add3A_1651 = arith.addf %add3A_1649, %mul3A_1650 : vector<16xf32>
        %min3A_1652 = arith.minimumf %add3A_1595, %add3A_1603 : vector<16xf32>
        %min3A_1653 = arith.minimumf %add3A_1611, %add3A_1619 : vector<16xf32>
        %min3A_1654 = arith.minimumf %add3A_1627, %add3A_1635 : vector<16xf32>
        %min3A_1655 = arith.minimumf %add3A_1643, %add3A_1651 : vector<16xf32>
        %min3A_1656 = arith.minimumf %min3A_1652, %min3A_1653 : vector<16xf32>
        %min3A_1657 = arith.minimumf %min3A_1654, %min3A_1655 : vector<16xf32>
        %min3A_1658 = arith.minimumf %min3A_1656, %min3A_1657 : vector<16xf32>
        %get3A_1659 = arith.index_cast %mul3A_1578 : i32 to index
        %get3A_1660 = tpu.vector_load %arg12[%get3A_1659] {strides = array<i32>} : memref<4096xf32, #tpu.memory_space<vmem>>, vector<16xf32>,
        %get3A_1661 = vector.shape_cast %get3A_1660 : vector<16xf32> to vector<16xf32>
        %min3A_1662 = arith.minimumf %get3A_1661, %min3A_1658 : vector<16xf32>
        %swap3A_1663 = arith.index_cast %mul3A_1578 : i32 to index
        %swap3A_1664 = tpu.vector_load %arg12[%swap3A_1663] {strides = array<i32>} : memref<4096xf32, #tpu.memory_space<vmem>>, vector<16xf32>,
        %swap3A_1665 = vector.shape_cast %swap3A_1664 : vector<16xf32> to vector<16xf32>
        %swap3A_1666 = vector.shape_cast %min3A_1662 : vector<16xf32> to vector<16xf32>
        tpu.vector_store %arg12[%swap3A_1663], %swap3A_1666 {strides = array<i32>} : memref<4096xf32, #tpu.memory_space<vmem>>, vector<16xf32>,
        %min3A_1667 = arith.minimumf %min3A_1567, %add3A_1595 : vector<16xf32>
        %min3A_1668 = arith.minimumf %min3A_1568, %add3A_1603 : vector<16xf32>
        %min3A_1669 = arith.minimumf %min3A_1569, %add3A_1611 : vector<16xf32>
        %min3A_1670 = arith.minimumf %min3A_1570, %add3A_1619 : vector<16xf32>
        %min3A_1671 = arith.minimumf %min3A_1571, %add3A_1627 : vector<16xf32>
        %min3A_1672 = arith.minimumf %min3A_1572, %add3A_1635 : vector<16xf32>
        %min3A_1673 = arith.minimumf %min3A_1573, %add3A_1643 : vector<16xf32>
        %min3A_1674 = arith.minimumf %min3A_1574, %add3A_1651 : vector<16xf32>
        %scan3A_1675 = arith.constant 3 : i32
        %scan3A_1676 = arith.addi %scan3A_1370, %scan3A_1675 : i32
        %mul3A_1677 = arith.constant 16 : i32
        %mul3A_1678 = arith.muli %scan3A_1676, %mul3A_1677 : i32
        %get3A_1679 = arith.index_cast %mul3A_1678 : i32 to index
        %get3A_1680 = tpu.vector_load %arg6[%get3A_1679] {strides = array<i32>} : memref<4096xf32, #tpu.memory_space<vmem>>, vector<16xf32>,
        %get3A_1681 = vector.shape_cast %get3A_1680 : vector<16xf32> to vector<16xf32>
        %get3A_1682 = arith.index_cast %mul3A_1678 : i32 to index
        %get3A_1683 = tpu.vector_load %arg7[%get3A_1682] {strides = array<i32>} : memref<4096xf32, #tpu.memory_space<vmem>>, vector<16xf32>,
        %get3A_1684 = vector.shape_cast %get3A_1683 : vector<16xf32> to vector<16xf32>
        %get3A_1685 = arith.index_cast %mul3A_1678 : i32 to index
        %get3A_1686 = tpu.vector_load %arg8[%get3A_1685] {strides = array<i32>} : memref<4096xf32, #tpu.memory_space<vmem>>, vector<16xf32>,
        %get3A_1687 = vector.shape_cast %get3A_1686 : vector<16xf32> to vector<16xf32>
        %sub3A_1688 = arith.subf %broadcast_in_dim3A_1055, %get3A_1681 : vector<16xf32>
        %sub3A_1689 = arith.subf %broadcast_in_dim3A_1058, %get3A_1684 : vector<16xf32>
        %sub3A_1690 = arith.subf %broadcast_in_dim3A_1061, %get3A_1687 : vector<16xf32>
        %mul3A_1691 = arith.mulf %sub3A_1688, %sub3A_1688 : vector<16xf32>
        %mul3A_1692 = arith.mulf %sub3A_1689, %sub3A_1689 : vector<16xf32>
        %add3A_1693 = arith.addf %mul3A_1691, %mul3A_1692 : vector<16xf32>
        %mul3A_1694 = arith.mulf %sub3A_1690, %sub3A_1690 : vector<16xf32>
        %add3A_1695 = arith.addf %add3A_1693, %mul3A_1694 : vector<16xf32>
        %sub3A_1696 = arith.subf %broadcast_in_dim3A_1064, %get3A_1681 : vector<16xf32>
        %sub3A_1697 = arith.subf %broadcast_in_dim3A_1067, %get3A_1684 : vector<16xf32>
        %sub3A_1698 = arith.subf %broadcast_in_dim3A_1070, %get3A_1687 : vector<16xf32>
        %mul3A_1699 = arith.mulf %sub3A_1696, %sub3A_1696 : vector<16xf32>
        %mul3A_1700 = arith.mulf %sub3A_1697, %sub3A_1697 : vector<16xf32>
        %add3A_1701 = arith.addf %mul3A_1699, %mul3A_1700 : vector<16xf32>
        %mul3A_1702 = arith.mulf %sub3A_1698, %sub3A_1698 : vector<16xf32>
        %add3A_1703 = arith.addf %add3A_1701, %mul3A_1702 : vector<16xf32>
        %sub3A_1704 = arith.subf %broadcast_in_dim3A_1073, %get3A_1681 : vector<16xf32>
        %sub3A_1705 = arith.subf %broadcast_in_dim3A_1076, %get3A_1684 : vector<16xf32>
        %sub3A_1706 = arith.subf %broadcast_in_dim3A_1079, %get3A_1687 : vector<16xf32>
        %mul3A_1707 = arith.mulf %sub3A_1704, %sub3A_1704 : vector<16xf32>
        %mul3A_1708 = arith.mulf %sub3A_1705, %sub3A_1705 : vector<16xf32>
        %add3A_1709 = arith.addf %mul3A_1707, %mul3A_1708 : vector<16xf32>
        %mul3A_1710 = arith.mulf %sub3A_1706, %sub3A_1706 : vector<16xf32>
        %add3A_1711 = arith.addf %add3A_1709, %mul3A_1710 : vector<16xf32>
        %sub3A_1712 = arith.subf %broadcast_in_dim3A_1082, %get3A_1681 : vector<16xf32>
        %sub3A_1713 = arith.subf %broadcast_in_dim3A_1085, %get3A_1684 : vector<16xf32>
        %sub3A_1714 = arith.subf %broadcast_in_dim3A_1088, %get3A_1687 : vector<16xf32>
        %mul3A_1715 = arith.mulf %sub3A_1712, %sub3A_1712 : vector<16xf32>
        %mul3A_1716 = arith.mulf %sub3A_1713, %sub3A_1713 : vector<16xf32>
        %add3A_1717 = arith.addf %mul3A_1715, %mul3A_1716 : vector<16xf32>
        %mul3A_1718 = arith.mulf %sub3A_1714, %sub3A_1714 : vector<16xf32>
        %add3A_1719 = arith.addf %add3A_1717, %mul3A_1718 : vector<16xf32>
        %sub3A_1720 = arith.subf %broadcast_in_dim3A_1091, %get3A_1681 : vector<16xf32>
        %sub3A_1721 = arith.subf %broadcast_in_dim3A_1094, %get3A_1684 : vector<16xf32>
        %sub3A_1722 = arith.subf %broadcast_in_dim3A_1097, %get3A_1687 : vector<16xf32>
        %mul3A_1723 = arith.mulf %sub3A_1720, %sub3A_1720 : vector<16xf32>
        %mul3A_1724 = arith.mulf %sub3A_1721, %sub3A_1721 : vector<16xf32>
        %add3A_1725 = arith.addf %mul3A_1723, %mul3A_1724 : vector<16xf32>
        %mul3A_1726 = arith.mulf %sub3A_1722, %sub3A_1722 : vector<16xf32>
        %add3A_1727 = arith.addf %add3A_1725, %mul3A_1726 : vector<16xf32>
        %sub3A_1728 = arith.subf %broadcast_in_dim3A_1100, %get3A_1681 : vector<16xf32>
        %sub3A_1729 = arith.subf %broadcast_in_dim3A_1103, %get3A_1684 : vector<16xf32>
        %sub3A_1730 = arith.subf %broadcast_in_dim3A_1106, %get3A_1687 : vector<16xf32>
        %mul3A_1731 = arith.mulf %sub3A_1728, %sub3A_1728 : vector<16xf32>
        %mul3A_1732 = arith.mulf %sub3A_1729, %sub3A_1729 : vector<16xf32>
        %add3A_1733 = arith.addf %mul3A_1731, %mul3A_1732 : vector<16xf32>
        %mul3A_1734 = arith.mulf %sub3A_1730, %sub3A_1730 : vector<16xf32>
        %add3A_1735 = arith.addf %add3A_1733, %mul3A_1734 : vector<16xf32>
        %sub3A_1736 = arith.subf %broadcast_in_dim3A_1109, %get3A_1681 : vector<16xf32>
        %sub3A_1737 = arith.subf %broadcast_in_dim3A_1112, %get3A_1684 : vector<16xf32>
        %sub3A_1738 = arith.subf %broadcast_in_dim3A_1115, %get3A_1687 : vector<16xf32>
        %mul3A_1739 = arith.mulf %sub3A_1736, %sub3A_1736 : vector<16xf32>
        %mul3A_1740 = arith.mulf %sub3A_1737, %sub3A_1737 : vector<16xf32>
        %add3A_1741 = arith.addf %mul3A_1739, %mul3A_1740 : vector<16xf32>
        %mul3A_1742 = arith.mulf %sub3A_1738, %sub3A_1738 : vector<16xf32>
        %add3A_1743 = arith.addf %add3A_1741, %mul3A_1742 : vector<16xf32>
        %sub3A_1744 = arith.subf %broadcast_in_dim3A_1118, %get3A_1681 : vector<16xf32>
        %sub3A_1745 = arith.subf %broadcast_in_dim3A_1121, %get3A_1684 : vector<16xf32>
        %sub3A_1746 = arith.subf %broadcast_in_dim3A_1124, %get3A_1687 : vector<16xf32>
        %mul3A_1747 = arith.mulf %sub3A_1744, %sub3A_1744 : vector<16xf32>
        %mul3A_1748 = arith.mulf %sub3A_1745, %sub3A_1745 : vector<16xf32>
        %add3A_1749 = arith.addf %mul3A_1747, %mul3A_1748 : vector<16xf32>
        %mul3A_1750 = arith.mulf %sub3A_1746, %sub3A_1746 : vector<16xf32>
        %add3A_1751 = arith.addf %add3A_1749, %mul3A_1750 : vector<16xf32>
        %min3A_1752 = arith.minimumf %add3A_1695, %add3A_1703 : vector<16xf32>
        %min3A_1753 = arith.minimumf %add3A_1711, %add3A_1719 : vector<16xf32>
        %min3A_1754 = arith.minimumf %add3A_1727, %add3A_1735 : vector<16xf32>
        %min3A_1755 = arith.minimumf %add3A_1743, %add3A_1751 : vector<16xf32>
        %min3A_1756 = arith.minimumf %min3A_1752, %min3A_1753 : vector<16xf32>
        %min3A_1757 = arith.minimumf %min3A_1754, %min3A_1755 : vector<16xf32>
        %min3A_1758 = arith.minimumf %min3A_1756, %min3A_1757 : vector<16xf32>
        %get3A_1759 = arith.index_cast %mul3A_1678 : i32 to index
        %get3A_1760 = tpu.vector_load %arg12[%get3A_1759] {strides = array<i32>} : memref<4096xf32, #tpu.memory_space<vmem>>, vector<16xf32>,
        %get3A_1761 = vector.shape_cast %get3A_1760 : vector<16xf32> to vector<16xf32>
        %min3A_1762 = arith.minimumf %get3A_1761, %min3A_1758 : vector<16xf32>
        %swap3A_1763 = arith.index_cast %mul3A_1678 : i32 to index
        %swap3A_1764 = tpu.vector_load %arg12[%swap3A_1763] {strides = array<i32>} : memref<4096xf32, #tpu.memory_space<vmem>>, vector<16xf32>,
        %swap3A_1765 = vector.shape_cast %swap3A_1764 : vector<16xf32> to vector<16xf32>
        %swap3A_1766 = vector.shape_cast %min3A_1762 : vector<16xf32> to vector<16xf32>
        tpu.vector_store %arg12[%swap3A_1763], %swap3A_1766 {strides = array<i32>} : memref<4096xf32, #tpu.memory_space<vmem>>, vector<16xf32>,
        %min3A_1767 = arith.minimumf %min3A_1667, %add3A_1695 : vector<16xf32>
        %min3A_1768 = arith.minimumf %min3A_1668, %add3A_1703 : vector<16xf32>
        %min3A_1769 = arith.minimumf %min3A_1669, %add3A_1711 : vector<16xf32>
        %min3A_1770 = arith.minimumf %min3A_1670, %add3A_1719 : vector<16xf32>
        %min3A_1771 = arith.minimumf %min3A_1671, %add3A_1727 : vector<16xf32>
        %min3A_1772 = arith.minimumf %min3A_1672, %add3A_1735 : vector<16xf32>
        %min3A_1773 = arith.minimumf %min3A_1673, %add3A_1743 : vector<16xf32>
        %min3A_1774 = arith.minimumf %min3A_1674, %add3A_1751 : vector<16xf32>
        scf.yield %min3A_1767, %min3A_1768, %min3A_1769, %min3A_1770, %min3A_1771, %min3A_1772, %min3A_1773, %min3A_1774 : vector<16xf32>, vector<16xf32>, vector<16xf32>, vector<16xf32>, vector<16xf32>, vector<16xf32>, vector<16xf32>, vector<16xf32>
      }
      %scan3A_1130 = arith.constant 256 : i32
      %add3A_1131 = arith.constant 0 : i32
      %add3A_1132 = arith.addi %mul3A_1046, %add3A_1131 : i32
      %add3A_1133 = arith.constant 0 : i32
      %add3A_1134 = arith.addi %add3A_1132, %add3A_1133 : i32
      %mul3A_1135 = arith.constant 16 : i32
      %mul3A_1136 = arith.muli %add3A_1134, %mul3A_1135 : i32
      %swap3A_1137 = arith.index_cast %mul3A_1136 : i32 to index
      %swap3A_1138 = tpu.vector_load %arg13[%swap3A_1137] {strides = array<i32>} : memref<2048xf32, #tpu.memory_space<vmem>>, vector<16xf32>,
      %swap3A_1139 = vector.shape_cast %swap3A_1138 : vector<16xf32> to vector<16xf32>
      %swap3A_1140 = vector.shape_cast %scan3A_1129#0 : vector<16xf32> to vector<16xf32>
      tpu.vector_store %arg13[%swap3A_1137], %swap3A_1140 {strides = array<i32>} : memref<2048xf32, #tpu.memory_space<vmem>>, vector<16xf32>,
      %add3A_1141 = arith.constant 0 : i32
      %add3A_1142 = arith.addi %mul3A_1046, %add3A_1141 : i32
      %add3A_1143 = arith.constant 1 : i32
      %add3A_1144 = arith.addi %add3A_1142, %add3A_1143 : i32
      %mul3A_1145 = arith.constant 16 : i32
      %mul3A_1146 = arith.muli %add3A_1144, %mul3A_1145 : i32
      %swap3A_1147 = arith.index_cast %mul3A_1146 : i32 to index
      %swap3A_1148 = tpu.vector_load %arg13[%swap3A_1147] {strides = array<i32>} : memref<2048xf32, #tpu.memory_space<vmem>>, vector<16xf32>,
      %swap3A_1149 = vector.shape_cast %swap3A_1148 : vector<16xf32> to vector<16xf32>
      %swap3A_1150 = vector.shape_cast %scan3A_1129#1 : vector<16xf32> to vector<16xf32>
      tpu.vector_store %arg13[%swap3A_1147], %swap3A_1150 {strides = array<i32>} : memref<2048xf32, #tpu.memory_space<vmem>>, vector<16xf32>,
      %add3A_1151 = arith.constant 0 : i32
      %add3A_1152 = arith.addi %mul3A_1046, %add3A_1151 : i32
      %add3A_1153 = arith.constant 2 : i32
      %add3A_1154 = arith.addi %add3A_1152, %add3A_1153 : i32
      %mul3A_1155 = arith.constant 16 : i32
      %mul3A_1156 = arith.muli %add3A_1154, %mul3A_1155 : i32
      %swap3A_1157 = arith.index_cast %mul3A_1156 : i32 to index
      %swap3A_1158 = tpu.vector_load %arg13[%swap3A_1157] {strides = array<i32>} : memref<2048xf32, #tpu.memory_space<vmem>>, vector<16xf32>,
      %swap3A_1159 = vector.shape_cast %swap3A_1158 : vector<16xf32> to vector<16xf32>
      %swap3A_1160 = vector.shape_cast %scan3A_1129#2 : vector<16xf32> to vector<16xf32>
      tpu.vector_store %arg13[%swap3A_1157], %swap3A_1160 {strides = array<i32>} : memref<2048xf32, #tpu.memory_space<vmem>>, vector<16xf32>,
      %add3A_1161 = arith.constant 0 : i32
      %add3A_1162 = arith.addi %mul3A_1046, %add3A_1161 : i32
      %add3A_1163 = arith.constant 3 : i32
      %add3A_1164 = arith.addi %add3A_1162, %add3A_1163 : i32
      %mul3A_1165 = arith.constant 16 : i32
      %mul3A_1166 = arith.muli %add3A_1164, %mul3A_1165 : i32
      %swap3A_1167 = arith.index_cast %mul3A_1166 : i32 to index
      %swap3A_1168 = tpu.vector_load %arg13[%swap3A_1167] {strides = array<i32>} : memref<2048xf32, #tpu.memory_space<vmem>>, vector<16xf32>,
      %swap3A_1169 = vector.shape_cast %swap3A_1168 : vector<16xf32> to vector<16xf32>
      %swap3A_1170 = vector.shape_cast %scan3A_1129#3 : vector<16xf32> to vector<16xf32>
      tpu.vector_store %arg13[%swap3A_1167], %swap3A_1170 {strides = array<i32>} : memref<2048xf32, #tpu.memory_space<vmem>>, vector<16xf32>,
      %add3A_1171 = arith.constant 0 : i32
      %add3A_1172 = arith.addi %mul3A_1046, %add3A_1171 : i32
      %add3A_1173 = arith.constant 4 : i32
      %add3A_1174 = arith.addi %add3A_1172, %add3A_1173 : i32
      %mul3A_1175 = arith.constant 16 : i32
      %mul3A_1176 = arith.muli %add3A_1174, %mul3A_1175 : i32
      %swap3A_1177 = arith.index_cast %mul3A_1176 : i32 to index
      %swap3A_1178 = tpu.vector_load %arg13[%swap3A_1177] {strides = array<i32>} : memref<2048xf32, #tpu.memory_space<vmem>>, vector<16xf32>,
      %swap3A_1179 = vector.shape_cast %swap3A_1178 : vector<16xf32> to vector<16xf32>
      %swap3A_1180 = vector.shape_cast %scan3A_1129#4 : vector<16xf32> to vector<16xf32>
      tpu.vector_store %arg13[%swap3A_1177], %swap3A_1180 {strides = array<i32>} : memref<2048xf32, #tpu.memory_space<vmem>>, vector<16xf32>,
      %add3A_1181 = arith.constant 0 : i32
      %add3A_1182 = arith.addi %mul3A_1046, %add3A_1181 : i32
      %add3A_1183 = arith.constant 5 : i32
      %add3A_1184 = arith.addi %add3A_1182, %add3A_1183 : i32
      %mul3A_1185 = arith.constant 16 : i32
      %mul3A_1186 = arith.muli %add3A_1184, %mul3A_1185 : i32
      %swap3A_1187 = arith.index_cast %mul3A_1186 : i32 to index
      %swap3A_1188 = tpu.vector_load %arg13[%swap3A_1187] {strides = array<i32>} : memref<2048xf32, #tpu.memory_space<vmem>>, vector<16xf32>,
      %swap3A_1189 = vector.shape_cast %swap3A_1188 : vector<16xf32> to vector<16xf32>
      %swap3A_1190 = vector.shape_cast %scan3A_1129#5 : vector<16xf32> to vector<16xf32>
      tpu.vector_store %arg13[%swap3A_1187], %swap3A_1190 {strides = array<i32>} : memref<2048xf32, #tpu.memory_space<vmem>>, vector<16xf32>,
      %add3A_1191 = arith.constant 0 : i32
      %add3A_1192 = arith.addi %mul3A_1046, %add3A_1191 : i32
      %add3A_1193 = arith.constant 6 : i32
      %add3A_1194 = arith.addi %add3A_1192, %add3A_1193 : i32
      %mul3A_1195 = arith.constant 16 : i32
      %mul3A_1196 = arith.muli %add3A_1194, %mul3A_1195 : i32
      %swap3A_1197 = arith.index_cast %mul3A_1196 : i32 to index
      %swap3A_1198 = tpu.vector_load %arg13[%swap3A_1197] {strides = array<i32>} : memref<2048xf32, #tpu.memory_space<vmem>>, vector<16xf32>,
      %swap3A_1199 = vector.shape_cast %swap3A_1198 : vector<16xf32> to vector<16xf32>
      %swap3A_1200 = vector.shape_cast %scan3A_1129#6 : vector<16xf32> to vector<16xf32>
      tpu.vector_store %arg13[%swap3A_1197], %swap3A_1200 {strides = array<i32>} : memref<2048xf32, #tpu.memory_space<vmem>>, vector<16xf32>,
      %add3A_1201 = arith.constant 0 : i32
      %add3A_1202 = arith.addi %mul3A_1046, %add3A_1201 : i32
      %add3A_1203 = arith.constant 7 : i32
      %add3A_1204 = arith.addi %add3A_1202, %add3A_1203 : i32
      %mul3A_1205 = arith.constant 16 : i32
      %mul3A_1206 = arith.muli %add3A_1204, %mul3A_1205 : i32
      %swap3A_1207 = arith.index_cast %mul3A_1206 : i32 to index
      %swap3A_1208 = tpu.vector_load %arg13[%swap3A_1207] {strides = array<i32>} : memref<2048xf32, #tpu.memory_space<vmem>>, vector<16xf32>,
      %swap3A_1209 = vector.shape_cast %swap3A_1208 : vector<16xf32> to vector<16xf32>
      %swap3A_1210 = vector.shape_cast %scan3A_1129#7 : vector<16xf32> to vector<16xf32>
      tpu.vector_store %arg13[%swap3A_1207], %swap3A_1210 {strides = array<i32>} : memref<2048xf32, #tpu.memory_space<vmem>>, vector<16xf32>,
      %slice3A_1211 = vector.extract_strided_slice %get3A_1048 {offsets = [8], sizes = [1], strides = [1]} : vector<16xf32> to vector<1xf32>
      %squeeze3A_1212 = vector.extract %slice3A_1211[0] : f32 from vector<1xf32>
      %broadcast_in_dim3A_1213 = vector.broadcast %squeeze3A_1212 : f32 to vector<16xf32>
      %slice3A_1214 = vector.extract_strided_slice %get3A_1051 {offsets = [8], sizes = [1], strides = [1]} : vector<16xf32> to vector<1xf32>
      %squeeze3A_1215 = vector.extract %slice3A_1214[0] : f32 from vector<1xf32>
      %broadcast_in_dim3A_1216 = vector.broadcast %squeeze3A_1215 : f32 to vector<16xf32>
      %slice3A_1217 = vector.extract_strided_slice %get3A_1054 {offsets = [8], sizes = [1], strides = [1]} : vector<16xf32> to vector<1xf32>
      %squeeze3A_1218 = vector.extract %slice3A_1217[0] : f32 from vector<1xf32>
      %broadcast_in_dim3A_1219 = vector.broadcast %squeeze3A_1218 : f32 to vector<16xf32>
      %slice3A_1220 = vector.extract_strided_slice %get3A_1048 {offsets = [9], sizes = [1], strides = [1]} : vector<16xf32> to vector<1xf32>
      %squeeze3A_1221 = vector.extract %slice3A_1220[0] : f32 from vector<1xf32>
      %broadcast_in_dim3A_1222 = vector.broadcast %squeeze3A_1221 : f32 to vector<16xf32>
      %slice3A_1223 = vector.extract_strided_slice %get3A_1051 {offsets = [9], sizes = [1], strides = [1]} : vector<16xf32> to vector<1xf32>
      %squeeze3A_1224 = vector.extract %slice3A_1223[0] : f32 from vector<1xf32>
      %broadcast_in_dim3A_1225 = vector.broadcast %squeeze3A_1224 : f32 to vector<16xf32>
      %slice3A_1226 = vector.extract_strided_slice %get3A_1054 {offsets = [9], sizes = [1], strides = [1]} : vector<16xf32> to vector<1xf32>
      %squeeze3A_1227 = vector.extract %slice3A_1226[0] : f32 from vector<1xf32>
      %broadcast_in_dim3A_1228 = vector.broadcast %squeeze3A_1227 : f32 to vector<16xf32>
      %slice3A_1229 = vector.extract_strided_slice %get3A_1048 {offsets = [10], sizes = [1], strides = [1]} : vector<16xf32> to vector<1xf32>
      %squeeze3A_1230 = vector.extract %slice3A_1229[0] : f32 from vector<1xf32>
      %broadcast_in_dim3A_1231 = vector.broadcast %squeeze3A_1230 : f32 to vector<16xf32>
      %slice3A_1232 = vector.extract_strided_slice %get3A_1051 {offsets = [10], sizes = [1], strides = [1]} : vector<16xf32> to vector<1xf32>
      %squeeze3A_1233 = vector.extract %slice3A_1232[0] : f32 from vector<1xf32>
      %broadcast_in_dim3A_1234 = vector.broadcast %squeeze3A_1233 : f32 to vector<16xf32>
      %slice3A_1235 = vector.extract_strided_slice %get3A_1054 {offsets = [10], sizes = [1], strides = [1]} : vector<16xf32> to vector<1xf32>
      %squeeze3A_1236 = vector.extract %slice3A_1235[0] : f32 from vector<1xf32>
      %broadcast_in_dim3A_1237 = vector.broadcast %squeeze3A_1236 : f32 to vector<16xf32>
      %slice3A_1238 = vector.extract_strided_slice %get3A_1048 {offsets = [11], sizes = [1], strides = [1]} : vector<16xf32> to vector<1xf32>
      %squeeze3A_1239 = vector.extract %slice3A_1238[0] : f32 from vector<1xf32>
      %broadcast_in_dim3A_1240 = vector.broadcast %squeeze3A_1239 : f32 to vector<16xf32>
      %slice3A_1241 = vector.extract_strided_slice %get3A_1051 {offsets = [11], sizes = [1], strides = [1]} : vector<16xf32> to vector<1xf32>
      %squeeze3A_1242 = vector.extract %slice3A_1241[0] : f32 from vector<1xf32>
      %broadcast_in_dim3A_1243 = vector.broadcast %squeeze3A_1242 : f32 to vector<16xf32>
      %slice3A_1244 = vector.extract_strided_slice %get3A_1054 {offsets = [11], sizes = [1], strides = [1]} : vector<16xf32> to vector<1xf32>
      %squeeze3A_1245 = vector.extract %slice3A_1244[0] : f32 from vector<1xf32>
      %broadcast_in_dim3A_1246 = vector.broadcast %squeeze3A_1245 : f32 to vector<16xf32>
      %slice3A_1247 = vector.extract_strided_slice %get3A_1048 {offsets = [12], sizes = [1], strides = [1]} : vector<16xf32> to vector<1xf32>
      %squeeze3A_1248 = vector.extract %slice3A_1247[0] : f32 from vector<1xf32>
      %broadcast_in_dim3A_1249 = vector.broadcast %squeeze3A_1248 : f32 to vector<16xf32>
      %slice3A_1250 = vector.extract_strided_slice %get3A_1051 {offsets = [12], sizes = [1], strides = [1]} : vector<16xf32> to vector<1xf32>
      %squeeze3A_1251 = vector.extract %slice3A_1250[0] : f32 from vector<1xf32>
      %broadcast_in_dim3A_1252 = vector.broadcast %squeeze3A_1251 : f32 to vector<16xf32>
      %slice3A_1253 = vector.extract_strided_slice %get3A_1054 {offsets = [12], sizes = [1], strides = [1]} : vector<16xf32> to vector<1xf32>
      %squeeze3A_1254 = vector.extract %slice3A_1253[0] : f32 from vector<1xf32>
      %broadcast_in_dim3A_1255 = vector.broadcast %squeeze3A_1254 : f32 to vector<16xf32>
      %slice3A_1256 = vector.extract_strided_slice %get3A_1048 {offsets = [13], sizes = [1], strides = [1]} : vector<16xf32> to vector<1xf32>
      %squeeze3A_1257 = vector.extract %slice3A_1256[0] : f32 from vector<1xf32>
      %broadcast_in_dim3A_1258 = vector.broadcast %squeeze3A_1257 : f32 to vector<16xf32>
      %slice3A_1259 = vector.extract_strided_slice %get3A_1051 {offsets = [13], sizes = [1], strides = [1]} : vector<16xf32> to vector<1xf32>
      %squeeze3A_1260 = vector.extract %slice3A_1259[0] : f32 from vector<1xf32>
      %broadcast_in_dim3A_1261 = vector.broadcast %squeeze3A_1260 : f32 to vector<16xf32>
      %slice3A_1262 = vector.extract_strided_slice %get3A_1054 {offsets = [13], sizes = [1], strides = [1]} : vector<16xf32> to vector<1xf32>
      %squeeze3A_1263 = vector.extract %slice3A_1262[0] : f32 from vector<1xf32>
      %broadcast_in_dim3A_1264 = vector.broadcast %squeeze3A_1263 : f32 to vector<16xf32>
      %slice3A_1265 = vector.extract_strided_slice %get3A_1048 {offsets = [14], sizes = [1], strides = [1]} : vector<16xf32> to vector<1xf32>
      %squeeze3A_1266 = vector.extract %slice3A_1265[0] : f32 from vector<1xf32>
      %broadcast_in_dim3A_1267 = vector.broadcast %squeeze3A_1266 : f32 to vector<16xf32>
      %slice3A_1268 = vector.extract_strided_slice %get3A_1051 {offsets = [14], sizes = [1], strides = [1]} : vector<16xf32> to vector<1xf32>
      %squeeze3A_1269 = vector.extract %slice3A_1268[0] : f32 from vector<1xf32>
      %broadcast_in_dim3A_1270 = vector.broadcast %squeeze3A_1269 : f32 to vector<16xf32>
      %slice3A_1271 = vector.extract_strided_slice %get3A_1054 {offsets = [14], sizes = [1], strides = [1]} : vector<16xf32> to vector<1xf32>
      %squeeze3A_1272 = vector.extract %slice3A_1271[0] : f32 from vector<1xf32>
      %broadcast_in_dim3A_1273 = vector.broadcast %squeeze3A_1272 : f32 to vector<16xf32>
      %slice3A_1274 = vector.extract_strided_slice %get3A_1048 {offsets = [15], sizes = [1], strides = [1]} : vector<16xf32> to vector<1xf32>
      %squeeze3A_1275 = vector.extract %slice3A_1274[0] : f32 from vector<1xf32>
      %broadcast_in_dim3A_1276 = vector.broadcast %squeeze3A_1275 : f32 to vector<16xf32>
      %slice3A_1277 = vector.extract_strided_slice %get3A_1051 {offsets = [15], sizes = [1], strides = [1]} : vector<16xf32> to vector<1xf32>
      %squeeze3A_1278 = vector.extract %slice3A_1277[0] : f32 from vector<1xf32>
      %broadcast_in_dim3A_1279 = vector.broadcast %squeeze3A_1278 : f32 to vector<16xf32>
      %slice3A_1280 = vector.extract_strided_slice %get3A_1054 {offsets = [15], sizes = [1], strides = [1]} : vector<16xf32> to vector<1xf32>
      %squeeze3A_1281 = vector.extract %slice3A_1280[0] : f32 from vector<1xf32>
      %broadcast_in_dim3A_1282 = vector.broadcast %squeeze3A_1281 : f32 to vector<16xf32>
      %scan3A_1283 = arith.constant 0 : i32
      %scan3A_1284 = arith.constant 256 : i32
      %scan3A_1285 = arith.addi %scan3A_1283, %scan3A_1284 : i32
      %scan3A_1286 = arith.constant 4 : i32
      %scan3A_1287:8 = scf.for %scan3A_1370 = %scan3A_1283 to %scan3A_1285 step %scan3A_1286 iter_args(%scan3A_1371 = %broadcast_in_dim3A_9, %scan3A_1372 = %broadcast_in_dim3A_9, %scan3A_1373 = %broadcast_in_dim3A_9, %scan3A_1374 = %broadcast_in_dim3A_9, %scan3A_1375 = %broadcast_in_dim3A_9, %scan3A_1376 = %broadcast_in_dim3A_9, %scan3A_1377 = %broadcast_in_dim3A_9, %scan3A_1378 = %broadcast_in_dim3A_9) -> (vector<16xf32>, vector<16xf32>, vector<16xf32>, vector<16xf32>, vector<16xf32>, vector<16xf32>, vector<16xf32>, vector<16xf32>)  : i32 {
        %mul3A_1379 = arith.constant 16 : i32
        %mul3A_1380 = arith.muli %scan3A_1370, %mul3A_1379 : i32
        %get3A_1381 = arith.index_cast %mul3A_1380 : i32 to index
        %get3A_1382 = tpu.vector_load %arg6[%get3A_1381] {strides = array<i32>} : memref<4096xf32, #tpu.memory_space<vmem>>, vector<16xf32>,
        %get3A_1383 = vector.shape_cast %get3A_1382 : vector<16xf32> to vector<16xf32>
        %get3A_1384 = arith.index_cast %mul3A_1380 : i32 to index
        %get3A_1385 = tpu.vector_load %arg7[%get3A_1384] {strides = array<i32>} : memref<4096xf32, #tpu.memory_space<vmem>>, vector<16xf32>,
        %get3A_1386 = vector.shape_cast %get3A_1385 : vector<16xf32> to vector<16xf32>
        %get3A_1387 = arith.index_cast %mul3A_1380 : i32 to index
        %get3A_1388 = tpu.vector_load %arg8[%get3A_1387] {strides = array<i32>} : memref<4096xf32, #tpu.memory_space<vmem>>, vector<16xf32>,
        %get3A_1389 = vector.shape_cast %get3A_1388 : vector<16xf32> to vector<16xf32>
        %sub3A = arith.subf %broadcast_in_dim3A_1213, %get3A_1383 : vector<16xf32>
        %sub3A_1390 = arith.subf %broadcast_in_dim3A_1216, %get3A_1386 : vector<16xf32>
        %sub3A_1391 = arith.subf %broadcast_in_dim3A_1219, %get3A_1389 : vector<16xf32>
        %mul3A_1392 = arith.mulf %sub3A, %sub3A : vector<16xf32>
        %mul3A_1393 = arith.mulf %sub3A_1390, %sub3A_1390 : vector<16xf32>
        %add3A_1394 = arith.addf %mul3A_1392, %mul3A_1393 : vector<16xf32>
        %mul3A_1395 = arith.mulf %sub3A_1391, %sub3A_1391 : vector<16xf32>
        %add3A_1396 = arith.addf %add3A_1394, %mul3A_1395 : vector<16xf32>
        %sub3A_1397 = arith.subf %broadcast_in_dim3A_1222, %get3A_1383 : vector<16xf32>
        %sub3A_1398 = arith.subf %broadcast_in_dim3A_1225, %get3A_1386 : vector<16xf32>
        %sub3A_1399 = arith.subf %broadcast_in_dim3A_1228, %get3A_1389 : vector<16xf32>
        %mul3A_1400 = arith.mulf %sub3A_1397, %sub3A_1397 : vector<16xf32>
        %mul3A_1401 = arith.mulf %sub3A_1398, %sub3A_1398 : vector<16xf32>
        %add3A_1402 = arith.addf %mul3A_1400, %mul3A_1401 : vector<16xf32>
        %mul3A_1403 = arith.mulf %sub3A_1399, %sub3A_1399 : vector<16xf32>
        %add3A_1404 = arith.addf %add3A_1402, %mul3A_1403 : vector<16xf32>
        %sub3A_1405 = arith.subf %broadcast_in_dim3A_1231, %get3A_1383 : vector<16xf32>
        %sub3A_1406 = arith.subf %broadcast_in_dim3A_1234, %get3A_1386 : vector<16xf32>
        %sub3A_1407 = arith.subf %broadcast_in_dim3A_1237, %get3A_1389 : vector<16xf32>
        %mul3A_1408 = arith.mulf %sub3A_1405, %sub3A_1405 : vector<16xf32>
        %mul3A_1409 = arith.mulf %sub3A_1406, %sub3A_1406 : vector<16xf32>
        %add3A_1410 = arith.addf %mul3A_1408, %mul3A_1409 : vector<16xf32>
        %mul3A_1411 = arith.mulf %sub3A_1407, %sub3A_1407 : vector<16xf32>
        %add3A_1412 = arith.addf %add3A_1410, %mul3A_1411 : vector<16xf32>
        %sub3A_1413 = arith.subf %broadcast_in_dim3A_1240, %get3A_1383 : vector<16xf32>
        %sub3A_1414 = arith.subf %broadcast_in_dim3A_1243, %get3A_1386 : vector<16xf32>
        %sub3A_1415 = arith.subf %broadcast_in_dim3A_1246, %get3A_1389 : vector<16xf32>
        %mul3A_1416 = arith.mulf %sub3A_1413, %sub3A_1413 : vector<16xf32>
        %mul3A_1417 = arith.mulf %sub3A_1414, %sub3A_1414 : vector<16xf32>
        %add3A_1418 = arith.addf %mul3A_1416, %mul3A_1417 : vector<16xf32>
        %mul3A_1419 = arith.mulf %sub3A_1415, %sub3A_1415 : vector<16xf32>
        %add3A_1420 = arith.addf %add3A_1418, %mul3A_1419 : vector<16xf32>
        %sub3A_1421 = arith.subf %broadcast_in_dim3A_1249, %get3A_1383 : vector<16xf32>
        %sub3A_1422 = arith.subf %broadcast_in_dim3A_1252, %get3A_1386 : vector<16xf32>
        %sub3A_1423 = arith.subf %broadcast_in_dim3A_1255, %get3A_1389 : vector<16xf32>
        %mul3A_1424 = arith.mulf %sub3A_1421, %sub3A_1421 : vector<16xf32>
        %mul3A_1425 = arith.mulf %sub3A_1422, %sub3A_1422 : vector<16xf32>
        %add3A_1426 = arith.addf %mul3A_1424, %mul3A_1425 : vector<16xf32>
        %mul3A_1427 = arith.mulf %sub3A_1423, %sub3A_1423 : vector<16xf32>
        %add3A_1428 = arith.addf %add3A_1426, %mul3A_1427 : vector<16xf32>
        %sub3A_1429 = arith.subf %broadcast_in_dim3A_1258, %get3A_1383 : vector<16xf32>
        %sub3A_1430 = arith.subf %broadcast_in_dim3A_1261, %get3A_1386 : vector<16xf32>
        %sub3A_1431 = arith.subf %broadcast_in_dim3A_1264, %get3A_1389 : vector<16xf32>
        %mul3A_1432 = arith.mulf %sub3A_1429, %sub3A_1429 : vector<16xf32>
        %mul3A_1433 = arith.mulf %sub3A_1430, %sub3A_1430 : vector<16xf32>
        %add3A_1434 = arith.addf %mul3A_1432, %mul3A_1433 : vector<16xf32>
        %mul3A_1435 = arith.mulf %sub3A_1431, %sub3A_1431 : vector<16xf32>
        %add3A_1436 = arith.addf %add3A_1434, %mul3A_1435 : vector<16xf32>
        %sub3A_1437 = arith.subf %broadcast_in_dim3A_1267, %get3A_1383 : vector<16xf32>
        %sub3A_1438 = arith.subf %broadcast_in_dim3A_1270, %get3A_1386 : vector<16xf32>
        %sub3A_1439 = arith.subf %broadcast_in_dim3A_1273, %get3A_1389 : vector<16xf32>
        %mul3A_1440 = arith.mulf %sub3A_1437, %sub3A_1437 : vector<16xf32>
        %mul3A_1441 = arith.mulf %sub3A_1438, %sub3A_1438 : vector<16xf32>
        %add3A_1442 = arith.addf %mul3A_1440, %mul3A_1441 : vector<16xf32>
        %mul3A_1443 = arith.mulf %sub3A_1439, %sub3A_1439 : vector<16xf32>
        %add3A_1444 = arith.addf %add3A_1442, %mul3A_1443 : vector<16xf32>
        %sub3A_1445 = arith.subf %broadcast_in_dim3A_1276, %get3A_1383 : vector<16xf32>
        %sub3A_1446 = arith.subf %broadcast_in_dim3A_1279, %get3A_1386 : vector<16xf32>
        %sub3A_1447 = arith.subf %broadcast_in_dim3A_1282, %get3A_1389 : vector<16xf32>
        %mul3A_1448 = arith.mulf %sub3A_1445, %sub3A_1445 : vector<16xf32>
        %mul3A_1449 = arith.mulf %sub3A_1446, %sub3A_1446 : vector<16xf32>
        %add3A_1450 = arith.addf %mul3A_1448, %mul3A_1449 : vector<16xf32>
        %mul3A_1451 = arith.mulf %sub3A_1447, %sub3A_1447 : vector<16xf32>
        %add3A_1452 = arith.addf %add3A_1450, %mul3A_1451 : vector<16xf32>
        %min3A = arith.minimumf %add3A_1396, %add3A_1404 : vector<16xf32>
        %min3A_1453 = arith.minimumf %add3A_1412, %add3A_1420 : vector<16xf32>
        %min3A_1454 = arith.minimumf %add3A_1428, %add3A_1436 : vector<16xf32>
        %min3A_1455 = arith.minimumf %add3A_1444, %add3A_1452 : vector<16xf32>
        %min3A_1456 = arith.minimumf %min3A, %min3A_1453 : vector<16xf32>
        %min3A_1457 = arith.minimumf %min3A_1454, %min3A_1455 : vector<16xf32>
        %min3A_1458 = arith.minimumf %min3A_1456, %min3A_1457 : vector<16xf32>
        %get3A_1459 = arith.index_cast %mul3A_1380 : i32 to index
        %get3A_1460 = tpu.vector_load %arg12[%get3A_1459] {strides = array<i32>} : memref<4096xf32, #tpu.memory_space<vmem>>, vector<16xf32>,
        %get3A_1461 = vector.shape_cast %get3A_1460 : vector<16xf32> to vector<16xf32>
        %min3A_1462 = arith.minimumf %get3A_1461, %min3A_1458 : vector<16xf32>
        %swap3A_1463 = arith.index_cast %mul3A_1380 : i32 to index
        %swap3A_1464 = tpu.vector_load %arg12[%swap3A_1463] {strides = array<i32>} : memref<4096xf32, #tpu.memory_space<vmem>>, vector<16xf32>,
        %swap3A_1465 = vector.shape_cast %swap3A_1464 : vector<16xf32> to vector<16xf32>
        %swap3A_1466 = vector.shape_cast %min3A_1462 : vector<16xf32> to vector<16xf32>
        tpu.vector_store %arg12[%swap3A_1463], %swap3A_1466 {strides = array<i32>} : memref<4096xf32, #tpu.memory_space<vmem>>, vector<16xf32>,
        %min3A_1467 = arith.minimumf %scan3A_1371, %add3A_1396 : vector<16xf32>
        %min3A_1468 = arith.minimumf %scan3A_1372, %add3A_1404 : vector<16xf32>
        %min3A_1469 = arith.minimumf %scan3A_1373, %add3A_1412 : vector<16xf32>
        %min3A_1470 = arith.minimumf %scan3A_1374, %add3A_1420 : vector<16xf32>
        %min3A_1471 = arith.minimumf %scan3A_1375, %add3A_1428 : vector<16xf32>
        %min3A_1472 = arith.minimumf %scan3A_1376, %add3A_1436 : vector<16xf32>
        %min3A_1473 = arith.minimumf %scan3A_1377, %add3A_1444 : vector<16xf32>
        %min3A_1474 = arith.minimumf %scan3A_1378, %add3A_1452 : vector<16xf32>
        %scan3A_1475 = arith.constant 1 : i32
        %scan3A_1476 = arith.addi %scan3A_1370, %scan3A_1475 : i32
        %mul3A_1477 = arith.constant 16 : i32
        %mul3A_1478 = arith.muli %scan3A_1476, %mul3A_1477 : i32
        %get3A_1479 = arith.index_cast %mul3A_1478 : i32 to index
        %get3A_1480 = tpu.vector_load %arg6[%get3A_1479] {strides = array<i32>} : memref<4096xf32, #tpu.memory_space<vmem>>, vector<16xf32>,
        %get3A_1481 = vector.shape_cast %get3A_1480 : vector<16xf32> to vector<16xf32>
        %get3A_1482 = arith.index_cast %mul3A_1478 : i32 to index
        %get3A_1483 = tpu.vector_load %arg7[%get3A_1482] {strides = array<i32>} : memref<4096xf32, #tpu.memory_space<vmem>>, vector<16xf32>,
        %get3A_1484 = vector.shape_cast %get3A_1483 : vector<16xf32> to vector<16xf32>
        %get3A_1485 = arith.index_cast %mul3A_1478 : i32 to index
        %get3A_1486 = tpu.vector_load %arg8[%get3A_1485] {strides = array<i32>} : memref<4096xf32, #tpu.memory_space<vmem>>, vector<16xf32>,
        %get3A_1487 = vector.shape_cast %get3A_1486 : vector<16xf32> to vector<16xf32>
        %sub3A_1488 = arith.subf %broadcast_in_dim3A_1213, %get3A_1481 : vector<16xf32>
        %sub3A_1489 = arith.subf %broadcast_in_dim3A_1216, %get3A_1484 : vector<16xf32>
        %sub3A_1490 = arith.subf %broadcast_in_dim3A_1219, %get3A_1487 : vector<16xf32>
        %mul3A_1491 = arith.mulf %sub3A_1488, %sub3A_1488 : vector<16xf32>
        %mul3A_1492 = arith.mulf %sub3A_1489, %sub3A_1489 : vector<16xf32>
        %add3A_1493 = arith.addf %mul3A_1491, %mul3A_1492 : vector<16xf32>
        %mul3A_1494 = arith.mulf %sub3A_1490, %sub3A_1490 : vector<16xf32>
        %add3A_1495 = arith.addf %add3A_1493, %mul3A_1494 : vector<16xf32>
        %sub3A_1496 = arith.subf %broadcast_in_dim3A_1222, %get3A_1481 : vector<16xf32>
        %sub3A_1497 = arith.subf %broadcast_in_dim3A_1225, %get3A_1484 : vector<16xf32>
        %sub3A_1498 = arith.subf %broadcast_in_dim3A_1228, %get3A_1487 : vector<16xf32>
        %mul3A_1499 = arith.mulf %sub3A_1496, %sub3A_1496 : vector<16xf32>
        %mul3A_1500 = arith.mulf %sub3A_1497, %sub3A_1497 : vector<16xf32>
        %add3A_1501 = arith.addf %mul3A_1499, %mul3A_1500 : vector<16xf32>
        %mul3A_1502 = arith.mulf %sub3A_1498, %sub3A_1498 : vector<16xf32>
        %add3A_1503 = arith.addf %add3A_1501, %mul3A_1502 : vector<16xf32>
        %sub3A_1504 = arith.subf %broadcast_in_dim3A_1231, %get3A_1481 : vector<16xf32>
        %sub3A_1505 = arith.subf %broadcast_in_dim3A_1234, %get3A_1484 : vector<16xf32>
        %sub3A_1506 = arith.subf %broadcast_in_dim3A_1237, %get3A_1487 : vector<16xf32>
        %mul3A_1507 = arith.mulf %sub3A_1504, %sub3A_1504 : vector<16xf32>
        %mul3A_1508 = arith.mulf %sub3A_1505, %sub3A_1505 : vector<16xf32>
        %add3A_1509 = arith.addf %mul3A_1507, %mul3A_1508 : vector<16xf32>
        %mul3A_1510 = arith.mulf %sub3A_1506, %sub3A_1506 : vector<16xf32>
        %add3A_1511 = arith.addf %add3A_1509, %mul3A_1510 : vector<16xf32>
        %sub3A_1512 = arith.subf %broadcast_in_dim3A_1240, %get3A_1481 : vector<16xf32>
        %sub3A_1513 = arith.subf %broadcast_in_dim3A_1243, %get3A_1484 : vector<16xf32>
        %sub3A_1514 = arith.subf %broadcast_in_dim3A_1246, %get3A_1487 : vector<16xf32>
        %mul3A_1515 = arith.mulf %sub3A_1512, %sub3A_1512 : vector<16xf32>
        %mul3A_1516 = arith.mulf %sub3A_1513, %sub3A_1513 : vector<16xf32>
        %add3A_1517 = arith.addf %mul3A_1515, %mul3A_1516 : vector<16xf32>
        %mul3A_1518 = arith.mulf %sub3A_1514, %sub3A_1514 : vector<16xf32>
        %add3A_1519 = arith.addf %add3A_1517, %mul3A_1518 : vector<16xf32>
        %sub3A_1520 = arith.subf %broadcast_in_dim3A_1249, %get3A_1481 : vector<16xf32>
        %sub3A_1521 = arith.subf %broadcast_in_dim3A_1252, %get3A_1484 : vector<16xf32>
        %sub3A_1522 = arith.subf %broadcast_in_dim3A_1255, %get3A_1487 : vector<16xf32>
        %mul3A_1523 = arith.mulf %sub3A_1520, %sub3A_1520 : vector<16xf32>
        %mul3A_1524 = arith.mulf %sub3A_1521, %sub3A_1521 : vector<16xf32>
        %add3A_1525 = arith.addf %mul3A_1523, %mul3A_1524 : vector<16xf32>
        %mul3A_1526 = arith.mulf %sub3A_1522, %sub3A_1522 : vector<16xf32>
        %add3A_1527 = arith.addf %add3A_1525, %mul3A_1526 : vector<16xf32>
        %sub3A_1528 = arith.subf %broadcast_in_dim3A_1258, %get3A_1481 : vector<16xf32>
        %sub3A_1529 = arith.subf %broadcast_in_dim3A_1261, %get3A_1484 : vector<16xf32>
        %sub3A_1530 = arith.subf %broadcast_in_dim3A_1264, %get3A_1487 : vector<16xf32>
        %mul3A_1531 = arith.mulf %sub3A_1528, %sub3A_1528 : vector<16xf32>
        %mul3A_1532 = arith.mulf %sub3A_1529, %sub3A_1529 : vector<16xf32>
        %add3A_1533 = arith.addf %mul3A_1531, %mul3A_1532 : vector<16xf32>
        %mul3A_1534 = arith.mulf %sub3A_1530, %sub3A_1530 : vector<16xf32>
        %add3A_1535 = arith.addf %add3A_1533, %mul3A_1534 : vector<16xf32>
        %sub3A_1536 = arith.subf %broadcast_in_dim3A_1267, %get3A_1481 : vector<16xf32>
        %sub3A_1537 = arith.subf %broadcast_in_dim3A_1270, %get3A_1484 : vector<16xf32>
        %sub3A_1538 = arith.subf %broadcast_in_dim3A_1273, %get3A_1487 : vector<16xf32>
        %mul3A_1539 = arith.mulf %sub3A_1536, %sub3A_1536 : vector<16xf32>
        %mul3A_1540 = arith.mulf %sub3A_1537, %sub3A_1537 : vector<16xf32>
        %add3A_1541 = arith.addf %mul3A_1539, %mul3A_1540 : vector<16xf32>
        %mul3A_1542 = arith.mulf %sub3A_1538, %sub3A_1538 : vector<16xf32>
        %add3A_1543 = arith.addf %add3A_1541, %mul3A_1542 : vector<16xf32>
        %sub3A_1544 = arith.subf %broadcast_in_dim3A_1276, %get3A_1481 : vector<16xf32>
        %sub3A_1545 = arith.subf %broadcast_in_dim3A_1279, %get3A_1484 : vector<16xf32>
        %sub3A_1546 = arith.subf %broadcast_in_dim3A_1282, %get3A_1487 : vector<16xf32>
        %mul3A_1547 = arith.mulf %sub3A_1544, %sub3A_1544 : vector<16xf32>
        %mul3A_1548 = arith.mulf %sub3A_1545, %sub3A_1545 : vector<16xf32>
        %add3A_1549 = arith.addf %mul3A_1547, %mul3A_1548 : vector<16xf32>
        %mul3A_1550 = arith.mulf %sub3A_1546, %sub3A_1546 : vector<16xf32>
        %add3A_1551 = arith.addf %add3A_1549, %mul3A_1550 : vector<16xf32>
        %min3A_1552 = arith.minimumf %add3A_1495, %add3A_1503 : vector<16xf32>
        %min3A_1553 = arith.minimumf %add3A_1511, %add3A_1519 : vector<16xf32>
        %min3A_1554 = arith.minimumf %add3A_1527, %add3A_1535 : vector<16xf32>
        %min3A_1555 = arith.minimumf %add3A_1543, %add3A_1551 : vector<16xf32>
        %min3A_1556 = arith.minimumf %min3A_1552, %min3A_1553 : vector<16xf32>
        %min3A_1557 = arith.minimumf %min3A_1554, %min3A_1555 : vector<16xf32>
        %min3A_1558 = arith.minimumf %min3A_1556, %min3A_1557 : vector<16xf32>
        %get3A_1559 = arith.index_cast %mul3A_1478 : i32 to index
        %get3A_1560 = tpu.vector_load %arg12[%get3A_1559] {strides = array<i32>} : memref<4096xf32, #tpu.memory_space<vmem>>, vector<16xf32>,
        %get3A_1561 = vector.shape_cast %get3A_1560 : vector<16xf32> to vector<16xf32>
        %min3A_1562 = arith.minimumf %get3A_1561, %min3A_1558 : vector<16xf32>
        %swap3A_1563 = arith.index_cast %mul3A_1478 : i32 to index
        %swap3A_1564 = tpu.vector_load %arg12[%swap3A_1563] {strides = array<i32>} : memref<4096xf32, #tpu.memory_space<vmem>>, vector<16xf32>,
        %swap3A_1565 = vector.shape_cast %swap3A_1564 : vector<16xf32> to vector<16xf32>
        %swap3A_1566 = vector.shape_cast %min3A_1562 : vector<16xf32> to vector<16xf32>
        tpu.vector_store %arg12[%swap3A_1563], %swap3A_1566 {strides = array<i32>} : memref<4096xf32, #tpu.memory_space<vmem>>, vector<16xf32>,
        %min3A_1567 = arith.minimumf %min3A_1467, %add3A_1495 : vector<16xf32>
        %min3A_1568 = arith.minimumf %min3A_1468, %add3A_1503 : vector<16xf32>
        %min3A_1569 = arith.minimumf %min3A_1469, %add3A_1511 : vector<16xf32>
        %min3A_1570 = arith.minimumf %min3A_1470, %add3A_1519 : vector<16xf32>
        %min3A_1571 = arith.minimumf %min3A_1471, %add3A_1527 : vector<16xf32>
        %min3A_1572 = arith.minimumf %min3A_1472, %add3A_1535 : vector<16xf32>
        %min3A_1573 = arith.minimumf %min3A_1473, %add3A_1543 : vector<16xf32>
        %min3A_1574 = arith.minimumf %min3A_1474, %add3A_1551 : vector<16xf32>
        %scan3A_1575 = arith.constant 2 : i32
        %scan3A_1576 = arith.addi %scan3A_1370, %scan3A_1575 : i32
        %mul3A_1577 = arith.constant 16 : i32
        %mul3A_1578 = arith.muli %scan3A_1576, %mul3A_1577 : i32
        %get3A_1579 = arith.index_cast %mul3A_1578 : i32 to index
        %get3A_1580 = tpu.vector_load %arg6[%get3A_1579] {strides = array<i32>} : memref<4096xf32, #tpu.memory_space<vmem>>, vector<16xf32>,
        %get3A_1581 = vector.shape_cast %get3A_1580 : vector<16xf32> to vector<16xf32>
        %get3A_1582 = arith.index_cast %mul3A_1578 : i32 to index
        %get3A_1583 = tpu.vector_load %arg7[%get3A_1582] {strides = array<i32>} : memref<4096xf32, #tpu.memory_space<vmem>>, vector<16xf32>,
        %get3A_1584 = vector.shape_cast %get3A_1583 : vector<16xf32> to vector<16xf32>
        %get3A_1585 = arith.index_cast %mul3A_1578 : i32 to index
        %get3A_1586 = tpu.vector_load %arg8[%get3A_1585] {strides = array<i32>} : memref<4096xf32, #tpu.memory_space<vmem>>, vector<16xf32>,
        %get3A_1587 = vector.shape_cast %get3A_1586 : vector<16xf32> to vector<16xf32>
        %sub3A_1588 = arith.subf %broadcast_in_dim3A_1213, %get3A_1581 : vector<16xf32>
        %sub3A_1589 = arith.subf %broadcast_in_dim3A_1216, %get3A_1584 : vector<16xf32>
        %sub3A_1590 = arith.subf %broadcast_in_dim3A_1219, %get3A_1587 : vector<16xf32>
        %mul3A_1591 = arith.mulf %sub3A_1588, %sub3A_1588 : vector<16xf32>
        %mul3A_1592 = arith.mulf %sub3A_1589, %sub3A_1589 : vector<16xf32>
        %add3A_1593 = arith.addf %mul3A_1591, %mul3A_1592 : vector<16xf32>
        %mul3A_1594 = arith.mulf %sub3A_1590, %sub3A_1590 : vector<16xf32>
        %add3A_1595 = arith.addf %add3A_1593, %mul3A_1594 : vector<16xf32>
        %sub3A_1596 = arith.subf %broadcast_in_dim3A_1222, %get3A_1581 : vector<16xf32>
        %sub3A_1597 = arith.subf %broadcast_in_dim3A_1225, %get3A_1584 : vector<16xf32>
        %sub3A_1598 = arith.subf %broadcast_in_dim3A_1228, %get3A_1587 : vector<16xf32>
        %mul3A_1599 = arith.mulf %sub3A_1596, %sub3A_1596 : vector<16xf32>
        %mul3A_1600 = arith.mulf %sub3A_1597, %sub3A_1597 : vector<16xf32>
        %add3A_1601 = arith.addf %mul3A_1599, %mul3A_1600 : vector<16xf32>
        %mul3A_1602 = arith.mulf %sub3A_1598, %sub3A_1598 : vector<16xf32>
        %add3A_1603 = arith.addf %add3A_1601, %mul3A_1602 : vector<16xf32>
        %sub3A_1604 = arith.subf %broadcast_in_dim3A_1231, %get3A_1581 : vector<16xf32>
        %sub3A_1605 = arith.subf %broadcast_in_dim3A_1234, %get3A_1584 : vector<16xf32>
        %sub3A_1606 = arith.subf %broadcast_in_dim3A_1237, %get3A_1587 : vector<16xf32>
        %mul3A_1607 = arith.mulf %sub3A_1604, %sub3A_1604 : vector<16xf32>
        %mul3A_1608 = arith.mulf %sub3A_1605, %sub3A_1605 : vector<16xf32>
        %add3A_1609 = arith.addf %mul3A_1607, %mul3A_1608 : vector<16xf32>
        %mul3A_1610 = arith.mulf %sub3A_1606, %sub3A_1606 : vector<16xf32>
        %add3A_1611 = arith.addf %add3A_1609, %mul3A_1610 : vector<16xf32>
        %sub3A_1612 = arith.subf %broadcast_in_dim3A_1240, %get3A_1581 : vector<16xf32>
        %sub3A_1613 = arith.subf %broadcast_in_dim3A_1243, %get3A_1584 : vector<16xf32>
        %sub3A_1614 = arith.subf %broadcast_in_dim3A_1246, %get3A_1587 : vector<16xf32>
        %mul3A_1615 = arith.mulf %sub3A_1612, %sub3A_1612 : vector<16xf32>
        %mul3A_1616 = arith.mulf %sub3A_1613, %sub3A_1613 : vector<16xf32>
        %add3A_1617 = arith.addf %mul3A_1615, %mul3A_1616 : vector<16xf32>
        %mul3A_1618 = arith.mulf %sub3A_1614, %sub3A_1614 : vector<16xf32>
        %add3A_1619 = arith.addf %add3A_1617, %mul3A_1618 : vector<16xf32>
        %sub3A_1620 = arith.subf %broadcast_in_dim3A_1249, %get3A_1581 : vector<16xf32>
        %sub3A_1621 = arith.subf %broadcast_in_dim3A_1252, %get3A_1584 : vector<16xf32>
        %sub3A_1622 = arith.subf %broadcast_in_dim3A_1255, %get3A_1587 : vector<16xf32>
        %mul3A_1623 = arith.mulf %sub3A_1620, %sub3A_1620 : vector<16xf32>
        %mul3A_1624 = arith.mulf %sub3A_1621, %sub3A_1621 : vector<16xf32>
        %add3A_1625 = arith.addf %mul3A_1623, %mul3A_1624 : vector<16xf32>
        %mul3A_1626 = arith.mulf %sub3A_1622, %sub3A_1622 : vector<16xf32>
        %add3A_1627 = arith.addf %add3A_1625, %mul3A_1626 : vector<16xf32>
        %sub3A_1628 = arith.subf %broadcast_in_dim3A_1258, %get3A_1581 : vector<16xf32>
        %sub3A_1629 = arith.subf %broadcast_in_dim3A_1261, %get3A_1584 : vector<16xf32>
        %sub3A_1630 = arith.subf %broadcast_in_dim3A_1264, %get3A_1587 : vector<16xf32>
        %mul3A_1631 = arith.mulf %sub3A_1628, %sub3A_1628 : vector<16xf32>
        %mul3A_1632 = arith.mulf %sub3A_1629, %sub3A_1629 : vector<16xf32>
        %add3A_1633 = arith.addf %mul3A_1631, %mul3A_1632 : vector<16xf32>
        %mul3A_1634 = arith.mulf %sub3A_1630, %sub3A_1630 : vector<16xf32>
        %add3A_1635 = arith.addf %add3A_1633, %mul3A_1634 : vector<16xf32>
        %sub3A_1636 = arith.subf %broadcast_in_dim3A_1267, %get3A_1581 : vector<16xf32>
        %sub3A_1637 = arith.subf %broadcast_in_dim3A_1270, %get3A_1584 : vector<16xf32>
        %sub3A_1638 = arith.subf %broadcast_in_dim3A_1273, %get3A_1587 : vector<16xf32>
        %mul3A_1639 = arith.mulf %sub3A_1636, %sub3A_1636 : vector<16xf32>
        %mul3A_1640 = arith.mulf %sub3A_1637, %sub3A_1637 : vector<16xf32>
        %add3A_1641 = arith.addf %mul3A_1639, %mul3A_1640 : vector<16xf32>
        %mul3A_1642 = arith.mulf %sub3A_1638, %sub3A_1638 : vector<16xf32>
        %add3A_1643 = arith.addf %add3A_1641, %mul3A_1642 : vector<16xf32>
        %sub3A_1644 = arith.subf %broadcast_in_dim3A_1276, %get3A_1581 : vector<16xf32>
        %sub3A_1645 = arith.subf %broadcast_in_dim3A_1279, %get3A_1584 : vector<16xf32>
        %sub3A_1646 = arith.subf %broadcast_in_dim3A_1282, %get3A_1587 : vector<16xf32>
        %mul3A_1647 = arith.mulf %sub3A_1644, %sub3A_1644 : vector<16xf32>
        %mul3A_1648 = arith.mulf %sub3A_1645, %sub3A_1645 : vector<16xf32>
        %add3A_1649 = arith.addf %mul3A_1647, %mul3A_1648 : vector<16xf32>
        %mul3A_1650 = arith.mulf %sub3A_1646, %sub3A_1646 : vector<16xf32>
        %add3A_1651 = arith.addf %add3A_1649, %mul3A_1650 : vector<16xf32>
        %min3A_1652 = arith.minimumf %add3A_1595, %add3A_1603 : vector<16xf32>
        %min3A_1653 = arith.minimumf %add3A_1611, %add3A_1619 : vector<16xf32>
        %min3A_1654 = arith.minimumf %add3A_1627, %add3A_1635 : vector<16xf32>
        %min3A_1655 = arith.minimumf %add3A_1643, %add3A_1651 : vector<16xf32>
        %min3A_1656 = arith.minimumf %min3A_1652, %min3A_1653 : vector<16xf32>
        %min3A_1657 = arith.minimumf %min3A_1654, %min3A_1655 : vector<16xf32>
        %min3A_1658 = arith.minimumf %min3A_1656, %min3A_1657 : vector<16xf32>
        %get3A_1659 = arith.index_cast %mul3A_1578 : i32 to index
        %get3A_1660 = tpu.vector_load %arg12[%get3A_1659] {strides = array<i32>} : memref<4096xf32, #tpu.memory_space<vmem>>, vector<16xf32>,
        %get3A_1661 = vector.shape_cast %get3A_1660 : vector<16xf32> to vector<16xf32>
        %min3A_1662 = arith.minimumf %get3A_1661, %min3A_1658 : vector<16xf32>
        %swap3A_1663 = arith.index_cast %mul3A_1578 : i32 to index
        %swap3A_1664 = tpu.vector_load %arg12[%swap3A_1663] {strides = array<i32>} : memref<4096xf32, #tpu.memory_space<vmem>>, vector<16xf32>,
        %swap3A_1665 = vector.shape_cast %swap3A_1664 : vector<16xf32> to vector<16xf32>
        %swap3A_1666 = vector.shape_cast %min3A_1662 : vector<16xf32> to vector<16xf32>
        tpu.vector_store %arg12[%swap3A_1663], %swap3A_1666 {strides = array<i32>} : memref<4096xf32, #tpu.memory_space<vmem>>, vector<16xf32>,
        %min3A_1667 = arith.minimumf %min3A_1567, %add3A_1595 : vector<16xf32>
        %min3A_1668 = arith.minimumf %min3A_1568, %add3A_1603 : vector<16xf32>
        %min3A_1669 = arith.minimumf %min3A_1569, %add3A_1611 : vector<16xf32>
        %min3A_1670 = arith.minimumf %min3A_1570, %add3A_1619 : vector<16xf32>
        %min3A_1671 = arith.minimumf %min3A_1571, %add3A_1627 : vector<16xf32>
        %min3A_1672 = arith.minimumf %min3A_1572, %add3A_1635 : vector<16xf32>
        %min3A_1673 = arith.minimumf %min3A_1573, %add3A_1643 : vector<16xf32>
        %min3A_1674 = arith.minimumf %min3A_1574, %add3A_1651 : vector<16xf32>
        %scan3A_1675 = arith.constant 3 : i32
        %scan3A_1676 = arith.addi %scan3A_1370, %scan3A_1675 : i32
        %mul3A_1677 = arith.constant 16 : i32
        %mul3A_1678 = arith.muli %scan3A_1676, %mul3A_1677 : i32
        %get3A_1679 = arith.index_cast %mul3A_1678 : i32 to index
        %get3A_1680 = tpu.vector_load %arg6[%get3A_1679] {strides = array<i32>} : memref<4096xf32, #tpu.memory_space<vmem>>, vector<16xf32>,
        %get3A_1681 = vector.shape_cast %get3A_1680 : vector<16xf32> to vector<16xf32>
        %get3A_1682 = arith.index_cast %mul3A_1678 : i32 to index
        %get3A_1683 = tpu.vector_load %arg7[%get3A_1682] {strides = array<i32>} : memref<4096xf32, #tpu.memory_space<vmem>>, vector<16xf32>,
        %get3A_1684 = vector.shape_cast %get3A_1683 : vector<16xf32> to vector<16xf32>
        %get3A_1685 = arith.index_cast %mul3A_1678 : i32 to index
        %get3A_1686 = tpu.vector_load %arg8[%get3A_1685] {strides = array<i32>} : memref<4096xf32, #tpu.memory_space<vmem>>, vector<16xf32>,
        %get3A_1687 = vector.shape_cast %get3A_1686 : vector<16xf32> to vector<16xf32>
        %sub3A_1688 = arith.subf %broadcast_in_dim3A_1213, %get3A_1681 : vector<16xf32>
        %sub3A_1689 = arith.subf %broadcast_in_dim3A_1216, %get3A_1684 : vector<16xf32>
        %sub3A_1690 = arith.subf %broadcast_in_dim3A_1219, %get3A_1687 : vector<16xf32>
        %mul3A_1691 = arith.mulf %sub3A_1688, %sub3A_1688 : vector<16xf32>
        %mul3A_1692 = arith.mulf %sub3A_1689, %sub3A_1689 : vector<16xf32>
        %add3A_1693 = arith.addf %mul3A_1691, %mul3A_1692 : vector<16xf32>
        %mul3A_1694 = arith.mulf %sub3A_1690, %sub3A_1690 : vector<16xf32>
        %add3A_1695 = arith.addf %add3A_1693, %mul3A_1694 : vector<16xf32>
        %sub3A_1696 = arith.subf %broadcast_in_dim3A_1222, %get3A_1681 : vector<16xf32>
        %sub3A_1697 = arith.subf %broadcast_in_dim3A_1225, %get3A_1684 : vector<16xf32>
        %sub3A_1698 = arith.subf %broadcast_in_dim3A_1228, %get3A_1687 : vector<16xf32>
        %mul3A_1699 = arith.mulf %sub3A_1696, %sub3A_1696 : vector<16xf32>
        %mul3A_1700 = arith.mulf %sub3A_1697, %sub3A_1697 : vector<16xf32>
        %add3A_1701 = arith.addf %mul3A_1699, %mul3A_1700 : vector<16xf32>
        %mul3A_1702 = arith.mulf %sub3A_1698, %sub3A_1698 : vector<16xf32>
        %add3A_1703 = arith.addf %add3A_1701, %mul3A_1702 : vector<16xf32>
        %sub3A_1704 = arith.subf %broadcast_in_dim3A_1231, %get3A_1681 : vector<16xf32>
        %sub3A_1705 = arith.subf %broadcast_in_dim3A_1234, %get3A_1684 : vector<16xf32>
        %sub3A_1706 = arith.subf %broadcast_in_dim3A_1237, %get3A_1687 : vector<16xf32>
        %mul3A_1707 = arith.mulf %sub3A_1704, %sub3A_1704 : vector<16xf32>
        %mul3A_1708 = arith.mulf %sub3A_1705, %sub3A_1705 : vector<16xf32>
        %add3A_1709 = arith.addf %mul3A_1707, %mul3A_1708 : vector<16xf32>
        %mul3A_1710 = arith.mulf %sub3A_1706, %sub3A_1706 : vector<16xf32>
        %add3A_1711 = arith.addf %add3A_1709, %mul3A_1710 : vector<16xf32>
        %sub3A_1712 = arith.subf %broadcast_in_dim3A_1240, %get3A_1681 : vector<16xf32>
        %sub3A_1713 = arith.subf %broadcast_in_dim3A_1243, %get3A_1684 : vector<16xf32>
        %sub3A_1714 = arith.subf %broadcast_in_dim3A_1246, %get3A_1687 : vector<16xf32>
        %mul3A_1715 = arith.mulf %sub3A_1712, %sub3A_1712 : vector<16xf32>
        %mul3A_1716 = arith.mulf %sub3A_1713, %sub3A_1713 : vector<16xf32>
        %add3A_1717 = arith.addf %mul3A_1715, %mul3A_1716 : vector<16xf32>
        %mul3A_1718 = arith.mulf %sub3A_1714, %sub3A_1714 : vector<16xf32>
        %add3A_1719 = arith.addf %add3A_1717, %mul3A_1718 : vector<16xf32>
        %sub3A_1720 = arith.subf %broadcast_in_dim3A_1249, %get3A_1681 : vector<16xf32>
        %sub3A_1721 = arith.subf %broadcast_in_dim3A_1252, %get3A_1684 : vector<16xf32>
        %sub3A_1722 = arith.subf %broadcast_in_dim3A_1255, %get3A_1687 : vector<16xf32>
        %mul3A_1723 = arith.mulf %sub3A_1720, %sub3A_1720 : vector<16xf32>
        %mul3A_1724 = arith.mulf %sub3A_1721, %sub3A_1721 : vector<16xf32>
        %add3A_1725 = arith.addf %mul3A_1723, %mul3A_1724 : vector<16xf32>
        %mul3A_1726 = arith.mulf %sub3A_1722, %sub3A_1722 : vector<16xf32>
        %add3A_1727 = arith.addf %add3A_1725, %mul3A_1726 : vector<16xf32>
        %sub3A_1728 = arith.subf %broadcast_in_dim3A_1258, %get3A_1681 : vector<16xf32>
        %sub3A_1729 = arith.subf %broadcast_in_dim3A_1261, %get3A_1684 : vector<16xf32>
        %sub3A_1730 = arith.subf %broadcast_in_dim3A_1264, %get3A_1687 : vector<16xf32>
        %mul3A_1731 = arith.mulf %sub3A_1728, %sub3A_1728 : vector<16xf32>
        %mul3A_1732 = arith.mulf %sub3A_1729, %sub3A_1729 : vector<16xf32>
        %add3A_1733 = arith.addf %mul3A_1731, %mul3A_1732 : vector<16xf32>
        %mul3A_1734 = arith.mulf %sub3A_1730, %sub3A_1730 : vector<16xf32>
        %add3A_1735 = arith.addf %add3A_1733, %mul3A_1734 : vector<16xf32>
        %sub3A_1736 = arith.subf %broadcast_in_dim3A_1267, %get3A_1681 : vector<16xf32>
        %sub3A_1737 = arith.subf %broadcast_in_dim3A_1270, %get3A_1684 : vector<16xf32>
        %sub3A_1738 = arith.subf %broadcast_in_dim3A_1273, %get3A_1687 : vector<16xf32>
        %mul3A_1739 = arith.mulf %sub3A_1736, %sub3A_1736 : vector<16xf32>
        %mul3A_1740 = arith.mulf %sub3A_1737, %sub3A_1737 : vector<16xf32>
        %add3A_1741 = arith.addf %mul3A_1739, %mul3A_1740 : vector<16xf32>
        %mul3A_1742 = arith.mulf %sub3A_1738, %sub3A_1738 : vector<16xf32>
        %add3A_1743 = arith.addf %add3A_1741, %mul3A_1742 : vector<16xf32>
        %sub3A_1744 = arith.subf %broadcast_in_dim3A_1276, %get3A_1681 : vector<16xf32>
        %sub3A_1745 = arith.subf %broadcast_in_dim3A_1279, %get3A_1684 : vector<16xf32>
        %sub3A_1746 = arith.subf %broadcast_in_dim3A_1282, %get3A_1687 : vector<16xf32>
        %mul3A_1747 = arith.mulf %sub3A_1744, %sub3A_1744 : vector<16xf32>
        %mul3A_1748 = arith.mulf %sub3A_1745, %sub3A_1745 : vector<16xf32>
        %add3A_1749 = arith.addf %mul3A_1747, %mul3A_1748 : vector<16xf32>
        %mul3A_1750 = arith.mulf %sub3A_1746, %sub3A_1746 : vector<16xf32>
        %add3A_1751 = arith.addf %add3A_1749, %mul3A_1750 : vector<16xf32>
        %min3A_1752 = arith.minimumf %add3A_1695, %add3A_1703 : vector<16xf32>
        %min3A_1753 = arith.minimumf %add3A_1711, %add3A_1719 : vector<16xf32>
        %min3A_1754 = arith.minimumf %add3A_1727, %add3A_1735 : vector<16xf32>
        %min3A_1755 = arith.minimumf %add3A_1743, %add3A_1751 : vector<16xf32>
        %min3A_1756 = arith.minimumf %min3A_1752, %min3A_1753 : vector<16xf32>
        %min3A_1757 = arith.minimumf %min3A_1754, %min3A_1755 : vector<16xf32>
        %min3A_1758 = arith.minimumf %min3A_1756, %min3A_1757 : vector<16xf32>
        %get3A_1759 = arith.index_cast %mul3A_1678 : i32 to index
        %get3A_1760 = tpu.vector_load %arg12[%get3A_1759] {strides = array<i32>} : memref<4096xf32, #tpu.memory_space<vmem>>, vector<16xf32>,
        %get3A_1761 = vector.shape_cast %get3A_1760 : vector<16xf32> to vector<16xf32>
        %min3A_1762 = arith.minimumf %get3A_1761, %min3A_1758 : vector<16xf32>
        %swap3A_1763 = arith.index_cast %mul3A_1678 : i32 to index
        %swap3A_1764 = tpu.vector_load %arg12[%swap3A_1763] {strides = array<i32>} : memref<4096xf32, #tpu.memory_space<vmem>>, vector<16xf32>,
        %swap3A_1765 = vector.shape_cast %swap3A_1764 : vector<16xf32> to vector<16xf32>
        %swap3A_1766 = vector.shape_cast %min3A_1762 : vector<16xf32> to vector<16xf32>
        tpu.vector_store %arg12[%swap3A_1763], %swap3A_1766 {strides = array<i32>} : memref<4096xf32, #tpu.memory_space<vmem>>, vector<16xf32>,
        %min3A_1767 = arith.minimumf %min3A_1667, %add3A_1695 : vector<16xf32>
        %min3A_1768 = arith.minimumf %min3A_1668, %add3A_1703 : vector<16xf32>
        %min3A_1769 = arith.minimumf %min3A_1669, %add3A_1711 : vector<16xf32>
        %min3A_1770 = arith.minimumf %min3A_1670, %add3A_1719 : vector<16xf32>
        %min3A_1771 = arith.minimumf %min3A_1671, %add3A_1727 : vector<16xf32>
        %min3A_1772 = arith.minimumf %min3A_1672, %add3A_1735 : vector<16xf32>
        %min3A_1773 = arith.minimumf %min3A_1673, %add3A_1743 : vector<16xf32>
        %min3A_1774 = arith.minimumf %min3A_1674, %add3A_1751 : vector<16xf32>
        scf.yield %min3A_1767, %min3A_1768, %min3A_1769, %min3A_1770, %min3A_1771, %min3A_1772, %min3A_1773, %min3A_1774 : vector<16xf32>, vector<16xf32>, vector<16xf32>, vector<16xf32>, vector<16xf32>, vector<16xf32>, vector<16xf32>, vector<16xf32>
      }
      %scan3A_1288 = arith.constant 256 : i32
      %add3A_1289 = arith.constant 8 : i32
      %add3A_1290 = arith.addi %mul3A_1046, %add3A_1289 : i32
      %add3A_1291 = arith.constant 0 : i32
      %add3A_1292 = arith.addi %add3A_1290, %add3A_1291 : i32
      %mul3A_1293 = arith.constant 16 : i32
      %mul3A_1294 = arith.muli %add3A_1292, %mul3A_1293 : i32
      %swap3A_1295 = arith.index_cast %mul3A_1294 : i32 to index
      %swap3A_1296 = tpu.vector_load %arg13[%swap3A_1295] {strides = array<i32>} : memref<2048xf32, #tpu.memory_space<vmem>>, vector<16xf32>,
      %swap3A_1297 = vector.shape_cast %swap3A_1296 : vector<16xf32> to vector<16xf32>
      %swap3A_1298 = vector.shape_cast %scan3A_1287#0 : vector<16xf32> to vector<16xf32>
      tpu.vector_store %arg13[%swap3A_1295], %swap3A_1298 {strides = array<i32>} : memref<2048xf32, #tpu.memory_space<vmem>>, vector<16xf32>,
      %add3A_1299 = arith.constant 8 : i32
      %add3A_1300 = arith.addi %mul3A_1046, %add3A_1299 : i32
      %add3A_1301 = arith.constant 1 : i32
      %add3A_1302 = arith.addi %add3A_1300, %add3A_1301 : i32
      %mul3A_1303 = arith.constant 16 : i32
      %mul3A_1304 = arith.muli %add3A_1302, %mul3A_1303 : i32
      %swap3A_1305 = arith.index_cast %mul3A_1304 : i32 to index
      %swap3A_1306 = tpu.vector_load %arg13[%swap3A_1305] {strides = array<i32>} : memref<2048xf32, #tpu.memory_space<vmem>>, vector<16xf32>,
      %swap3A_1307 = vector.shape_cast %swap3A_1306 : vector<16xf32> to vector<16xf32>
      %swap3A_1308 = vector.shape_cast %scan3A_1287#1 : vector<16xf32> to vector<16xf32>
      tpu.vector_store %arg13[%swap3A_1305], %swap3A_1308 {strides = array<i32>} : memref<2048xf32, #tpu.memory_space<vmem>>, vector<16xf32>,
      %add3A_1309 = arith.constant 8 : i32
      %add3A_1310 = arith.addi %mul3A_1046, %add3A_1309 : i32
      %add3A_1311 = arith.constant 2 : i32
      %add3A_1312 = arith.addi %add3A_1310, %add3A_1311 : i32
      %mul3A_1313 = arith.constant 16 : i32
      %mul3A_1314 = arith.muli %add3A_1312, %mul3A_1313 : i32
      %swap3A_1315 = arith.index_cast %mul3A_1314 : i32 to index
      %swap3A_1316 = tpu.vector_load %arg13[%swap3A_1315] {strides = array<i32>} : memref<2048xf32, #tpu.memory_space<vmem>>, vector<16xf32>,
      %swap3A_1317 = vector.shape_cast %swap3A_1316 : vector<16xf32> to vector<16xf32>
      %swap3A_1318 = vector.shape_cast %scan3A_1287#2 : vector<16xf32> to vector<16xf32>
      tpu.vector_store %arg13[%swap3A_1315], %swap3A_1318 {strides = array<i32>} : memref<2048xf32, #tpu.memory_space<vmem>>, vector<16xf32>,
      %add3A_1319 = arith.constant 8 : i32
      %add3A_1320 = arith.addi %mul3A_1046, %add3A_1319 : i32
      %add3A_1321 = arith.constant 3 : i32
      %add3A_1322 = arith.addi %add3A_1320, %add3A_1321 : i32
      %mul3A_1323 = arith.constant 16 : i32
      %mul3A_1324 = arith.muli %add3A_1322, %mul3A_1323 : i32
      %swap3A_1325 = arith.index_cast %mul3A_1324 : i32 to index
      %swap3A_1326 = tpu.vector_load %arg13[%swap3A_1325] {strides = array<i32>} : memref<2048xf32, #tpu.memory_space<vmem>>, vector<16xf32>,
      %swap3A_1327 = vector.shape_cast %swap3A_1326 : vector<16xf32> to vector<16xf32>
      %swap3A_1328 = vector.shape_cast %scan3A_1287#3 : vector<16xf32> to vector<16xf32>
      tpu.vector_store %arg13[%swap3A_1325], %swap3A_1328 {strides = array<i32>} : memref<2048xf32, #tpu.memory_space<vmem>>, vector<16xf32>,
      %add3A_1329 = arith.constant 8 : i32
      %add3A_1330 = arith.addi %mul3A_1046, %add3A_1329 : i32
      %add3A_1331 = arith.constant 4 : i32
      %add3A_1332 = arith.addi %add3A_1330, %add3A_1331 : i32
      %mul3A_1333 = arith.constant 16 : i32
      %mul3A_1334 = arith.muli %add3A_1332, %mul3A_1333 : i32
      %swap3A_1335 = arith.index_cast %mul3A_1334 : i32 to index
      %swap3A_1336 = tpu.vector_load %arg13[%swap3A_1335] {strides = array<i32>} : memref<2048xf32, #tpu.memory_space<vmem>>, vector<16xf32>,
      %swap3A_1337 = vector.shape_cast %swap3A_1336 : vector<16xf32> to vector<16xf32>
      %swap3A_1338 = vector.shape_cast %scan3A_1287#4 : vector<16xf32> to vector<16xf32>
      tpu.vector_store %arg13[%swap3A_1335], %swap3A_1338 {strides = array<i32>} : memref<2048xf32, #tpu.memory_space<vmem>>, vector<16xf32>,
      %add3A_1339 = arith.constant 8 : i32
      %add3A_1340 = arith.addi %mul3A_1046, %add3A_1339 : i32
      %add3A_1341 = arith.constant 5 : i32
      %add3A_1342 = arith.addi %add3A_1340, %add3A_1341 : i32
      %mul3A_1343 = arith.constant 16 : i32
      %mul3A_1344 = arith.muli %add3A_1342, %mul3A_1343 : i32
      %swap3A_1345 = arith.index_cast %mul3A_1344 : i32 to index
      %swap3A_1346 = tpu.vector_load %arg13[%swap3A_1345] {strides = array<i32>} : memref<2048xf32, #tpu.memory_space<vmem>>, vector<16xf32>,
      %swap3A_1347 = vector.shape_cast %swap3A_1346 : vector<16xf32> to vector<16xf32>
      %swap3A_1348 = vector.shape_cast %scan3A_1287#5 : vector<16xf32> to vector<16xf32>
      tpu.vector_store %arg13[%swap3A_1345], %swap3A_1348 {strides = array<i32>} : memref<2048xf32, #tpu.memory_space<vmem>>, vector<16xf32>,
      %add3A_1349 = arith.constant 8 : i32
      %add3A_1350 = arith.addi %mul3A_1046, %add3A_1349 : i32
      %add3A_1351 = arith.constant 6 : i32
      %add3A_1352 = arith.addi %add3A_1350, %add3A_1351 : i32
      %mul3A_1353 = arith.constant 16 : i32
      %mul3A_1354 = arith.muli %add3A_1352, %mul3A_1353 : i32
      %swap3A_1355 = arith.index_cast %mul3A_1354 : i32 to index
      %swap3A_1356 = tpu.vector_load %arg13[%swap3A_1355] {strides = array<i32>} : memref<2048xf32, #tpu.memory_space<vmem>>, vector<16xf32>,
      %swap3A_1357 = vector.shape_cast %swap3A_1356 : vector<16xf32> to vector<16xf32>
      %swap3A_1358 = vector.shape_cast %scan3A_1287#6 : vector<16xf32> to vector<16xf32>
      tpu.vector_store %arg13[%swap3A_1355], %swap3A_1358 {strides = array<i32>} : memref<2048xf32, #tpu.memory_space<vmem>>, vector<16xf32>,
      %add3A_1359 = arith.constant 8 : i32
      %add3A_1360 = arith.addi %mul3A_1046, %add3A_1359 : i32
      %add3A_1361 = arith.constant 7 : i32
      %add3A_1362 = arith.addi %add3A_1360, %add3A_1361 : i32
      %mul3A_1363 = arith.constant 16 : i32
      %mul3A_1364 = arith.muli %add3A_1362, %mul3A_1363 : i32
      %swap3A_1365 = arith.index_cast %mul3A_1364 : i32 to index
      %swap3A_1366 = tpu.vector_load %arg13[%swap3A_1365] {strides = array<i32>} : memref<2048xf32, #tpu.memory_space<vmem>>, vector<16xf32>,
      %swap3A_1367 = vector.shape_cast %swap3A_1366 : vector<16xf32> to vector<16xf32>
      %swap3A_1368 = vector.shape_cast %scan3A_1287#7 : vector<16xf32> to vector<16xf32>
      tpu.vector_store %arg13[%swap3A_1365], %swap3A_1368 {strides = array<i32>} : memref<2048xf32, #tpu.memory_space<vmem>>, vector<16xf32>,
      %scan3A_1369 = arith.constant 0 : i32
      scf.yield %scan3A_1369 : i32
    }
    %scan3A_1038 = arith.constant 8 : i32
    %mul3A_1039 = arith.constant 16 : i32
    %mul3A_1040 = arith.muli %mul3A_2, %mul3A_1039 : i32
    "tpu.region"() ({
      %run_scoped3A = tpu.sem_alloc : memref<!tpu.dma_semaphore, #tpu.memory_space<semaphore_mem>>
      %dma_start3A = tpu.memref_slice %arg4[%mul3A_1040] : memref<65536xf32, #tpu.memory_space<hbm>> -> memref<2048xf32, #tpu.memory_space<hbm>>
      %dma_start3A_1043 = tpu.memref_slice %arg4[%mul3A_1040] : memref<65536xf32, #tpu.memory_space<hbm>> -> memref<2048xf32, #tpu.memory_space<hbm>>
      tpu.enqueue_dma source(%arg13 : memref<2048xf32, #tpu.memory_space<vmem>>) target(%dma_start3A_1043 : memref<2048xf32, #tpu.memory_space<hbm>>) target_semaphore(%run_scoped3A : memref<!tpu.dma_semaphore, #tpu.memory_space<semaphore_mem>>)
      %dma_wait3A = tpu.memref_slice %arg4[%mul3A_1040] : memref<65536xf32, #tpu.memory_space<hbm>> -> memref<2048xf32, #tpu.memory_space<hbm>>
      %dma_wait3A_1044 = tpu.memref_slice %arg4[%mul3A_1040] : memref<65536xf32, #tpu.memory_space<hbm>> -> memref<2048xf32, #tpu.memory_space<hbm>>
      tpu.wait_dma2 semaphore(%run_scoped3A : memref<!tpu.dma_semaphore, #tpu.memory_space<semaphore_mem>>) src(%arg13 : memref<2048xf32, #tpu.memory_space<vmem>>) dst(%dma_wait3A_1044 : memref<2048xf32, #tpu.memory_space<hbm>>)
      tpu.yield
    }) : () -> ()
    %mul3A_1041 = arith.constant 4096 : i32
    %mul3A_1042 = arith.muli %add3A, %mul3A_1041 : i32
    "tpu.region"() ({
      %run_scoped3A = tpu.sem_alloc : memref<!tpu.dma_semaphore, #tpu.memory_space<semaphore_mem>>
      %dma_start3A = tpu.memref_slice %arg5[%mul3A_1042] : memref<131072xf32, #tpu.memory_space<hbm>> -> memref<4096xf32, #tpu.memory_space<hbm>>
      %dma_start3A_1043 = tpu.memref_slice %arg5[%mul3A_1042] : memref<131072xf32, #tpu.memory_space<hbm>> -> memref<4096xf32, #tpu.memory_space<hbm>>
      tpu.enqueue_dma source(%arg12 : memref<4096xf32, #tpu.memory_space<vmem>>) target(%dma_start3A_1043 : memref<4096xf32, #tpu.memory_space<hbm>>) target_semaphore(%run_scoped3A : memref<!tpu.dma_semaphore, #tpu.memory_space<semaphore_mem>>)
      %dma_wait3A = tpu.memref_slice %arg5[%mul3A_1042] : memref<131072xf32, #tpu.memory_space<hbm>> -> memref<4096xf32, #tpu.memory_space<hbm>>
      %dma_wait3A_1044 = tpu.memref_slice %arg5[%mul3A_1042] : memref<131072xf32, #tpu.memory_space<hbm>> -> memref<4096xf32, #tpu.memory_space<hbm>>
      tpu.wait_dma2 semaphore(%run_scoped3A : memref<!tpu.dma_semaphore, #tpu.memory_space<semaphore_mem>>) src(%arg12 : memref<4096xf32, #tpu.memory_space<vmem>>) dst(%dma_wait3A_1044 : memref<4096xf32, #tpu.memory_space<hbm>>)
      tpu.yield
    }) : () -> ()
    return
  }
}

module attributes {stable_mosaic.version = 14 : i64} {
  func.func @_tc_main(%arg0: i32, %arg1: i32, %arg2: memref<1x3x1024xf32, #tpu.memory_space<vmem>>, %arg3: memref<1x3x4096xf32, #tpu.memory_space<vmem>>, %arg4: memref<1x2xf32, #tpu.memory_space<vmem>>, %arg5: memref<1x4096xf32, #tpu.memory_space<vmem>>, %arg6: memref<1x1xf32, #tpu.memory_space<vmem>>, %arg7: memref<1x1xf32, #tpu.memory_space<vmem>>) attributes {dimension_semantics = [#tpu.dimension_semantics<arbitrary>, #tpu.dimension_semantics<arbitrary>], iteration_bounds = array<i64: 3, 4>, scalar_prefetch = 0 : i64, scratch_operands = 3 : i64, tpu.core_type = #tpu.core_type<tc>, window_params = [{transform_indices = @transform_0, window_bounds = array<i64: 1, 3, 1024>}, {transform_indices = @transform_1, window_bounds = array<i64: 1, 3, 4096>}, {pipeline_mode = #tpu.pipeline_mode<synchronous>, transform_indices = @transform_2, window_bounds = array<i64: 1, 2>}]} {
    %eq3A = arith.constant 0 : i32
    %eq3A_0 = arith.cmpi eq, %arg1, %eq3A : i32
    %convert_element_type3A = arith.extui %eq3A_0 : i1 to i32
    %cond3A = arith.constant 0 : i32
    %cond3A_1 = arith.cmpi ne, %convert_element_type3A, %cond3A : i32
    scf.if %cond3A_1 {
      %broadcast_in_dim3A_103 = arith.constant 0x7F800000 : f32
      %broadcast_in_dim3A_104 = vector.broadcast %broadcast_in_dim3A_103 : f32 to vector<1x4096xf32>
      %swap3A_105 = arith.constant 0 : index
      %swap3A_106 = arith.constant 0 : index
      %swap3A_107 = vector.load %arg5[%swap3A_105, %swap3A_106] : memref<1x4096xf32, #tpu.memory_space<vmem>>, vector<1x4096xf32>
      tpu.vector_store %arg5[%swap3A_105, %swap3A_106], %broadcast_in_dim3A_104 {strides = array<i32>} : memref<1x4096xf32, #tpu.memory_space<vmem>>, vector<1x4096xf32>,
    } else {
    }
    %eq3A_2 = arith.constant 0 : i32
    %eq3A_3 = arith.cmpi eq, %arg0, %eq3A_2 : i32
    %eq3A_4 = arith.constant 0 : i32
    %eq3A_5 = arith.cmpi eq, %arg1, %eq3A_4 : i32
    %and3A = arith.andi %eq3A_3, %eq3A_5 : i1
    %convert_element_type3A_6 = arith.extui %and3A : i1 to i32
    %cond3A_7 = arith.constant 0 : i32
    %cond3A_8 = arith.cmpi ne, %convert_element_type3A_6, %cond3A_7 : i32
    scf.if %cond3A_8 {
      %broadcast_in_dim3A_103 = arith.constant 0.000000e+00 : f32
      %broadcast_in_dim3A_104 = vector.broadcast %broadcast_in_dim3A_103 : f32 to vector<1x1xf32>
      %swap3A_105 = arith.constant 0 : index
      %swap3A_106 = arith.constant 0 : index
      %swap3A_107 = vector.load %arg6[%swap3A_105, %swap3A_106] : memref<1x1xf32, #tpu.memory_space<vmem>>, vector<1x1xf32>
      tpu.vector_store %arg6[%swap3A_105, %swap3A_106], %broadcast_in_dim3A_104 {strides = array<i32>} : memref<1x1xf32, #tpu.memory_space<vmem>>, vector<1x1xf32>,
      %broadcast_in_dim3A_108 = arith.constant 0.000000e+00 : f32
      %broadcast_in_dim3A_109 = vector.broadcast %broadcast_in_dim3A_108 : f32 to vector<1x1xf32>
      %swap3A_110 = arith.constant 0 : index
      %swap3A_111 = arith.constant 0 : index
      %swap3A_112 = vector.load %arg7[%swap3A_110, %swap3A_111] : memref<1x1xf32, #tpu.memory_space<vmem>>, vector<1x1xf32>
      tpu.vector_store %arg7[%swap3A_110, %swap3A_111], %broadcast_in_dim3A_109 {strides = array<i32>} : memref<1x1xf32, #tpu.memory_space<vmem>>, vector<1x1xf32>,
    } else {
    }
    %get3A = arith.constant 0 : index
    %get3A_9 = arith.constant 0 : index
    %get3A_10 = arith.constant 0 : index
    %get3A_11 = vector.load %arg2[%get3A, %get3A_9, %get3A_10] : memref<1x3x1024xf32, #tpu.memory_space<vmem>>, vector<1x3x1024xf32>
    %get3A_12 = vector.shape_cast %get3A_11 : vector<1x3x1024xf32> to vector<3x1024xf32>
    %get3A_13 = arith.constant 0 : index
    %get3A_14 = arith.constant 0 : index
    %get3A_15 = arith.constant 0 : index
    %get3A_16 = vector.load %arg3[%get3A_13, %get3A_14, %get3A_15] : memref<1x3x4096xf32, #tpu.memory_space<vmem>>, vector<1x3x4096xf32>
    %get3A_17 = vector.shape_cast %get3A_16 : vector<1x3x4096xf32> to vector<3x4096xf32>
    %slice3A = vector.extract_strided_slice %get3A_12 {offsets = [0, 0], sizes = [1, 1024], strides = [1, 1]} : vector<3x1024xf32> to vector<1x1024xf32>
    %squeeze3A = vector.shape_cast %slice3A : vector<1x1024xf32> to vector<1024xf32>
    %reshape3A = vector.shape_cast %squeeze3A : vector<1024xf32> to vector<1024x1xf32>
    %slice3A_18 = vector.extract_strided_slice %get3A_12 {offsets = [1, 0], sizes = [1, 1024], strides = [1, 1]} : vector<3x1024xf32> to vector<1x1024xf32>
    %squeeze3A_19 = vector.shape_cast %slice3A_18 : vector<1x1024xf32> to vector<1024xf32>
    %reshape3A_20 = vector.shape_cast %squeeze3A_19 : vector<1024xf32> to vector<1024x1xf32>
    %slice3A_21 = vector.extract_strided_slice %get3A_12 {offsets = [2, 0], sizes = [1, 1024], strides = [1, 1]} : vector<3x1024xf32> to vector<1x1024xf32>
    %squeeze3A_22 = vector.shape_cast %slice3A_21 : vector<1x1024xf32> to vector<1024xf32>
    %reshape3A_23 = vector.shape_cast %squeeze3A_22 : vector<1024xf32> to vector<1024x1xf32>
    %slice3A_24 = vector.extract_strided_slice %get3A_17 {offsets = [0, 0], sizes = [1, 4096], strides = [1, 1]} : vector<3x4096xf32> to vector<1x4096xf32>
    %squeeze3A_25 = vector.shape_cast %slice3A_24 : vector<1x4096xf32> to vector<4096xf32>
    %reshape3A_26 = vector.shape_cast %squeeze3A_25 : vector<4096xf32> to vector<1x4096xf32>
    %slice3A_27 = vector.extract_strided_slice %get3A_17 {offsets = [1, 0], sizes = [1, 4096], strides = [1, 1]} : vector<3x4096xf32> to vector<1x4096xf32>
    %squeeze3A_28 = vector.shape_cast %slice3A_27 : vector<1x4096xf32> to vector<4096xf32>
    %reshape3A_29 = vector.shape_cast %squeeze3A_28 : vector<4096xf32> to vector<1x4096xf32>
    %slice3A_30 = vector.extract_strided_slice %get3A_17 {offsets = [2, 0], sizes = [1, 4096], strides = [1, 1]} : vector<3x4096xf32> to vector<1x4096xf32>
    %squeeze3A_31 = vector.shape_cast %slice3A_30 : vector<1x4096xf32> to vector<4096xf32>
    %reshape3A_32 = vector.shape_cast %squeeze3A_31 : vector<4096xf32> to vector<1x4096xf32>
    %mul3A = arith.constant -2.000000e+00 : f32
    %mul3A_33 = vector.broadcast %mul3A : f32 to vector<1024x1xf32>
    %mul3A_34 = arith.mulf %mul3A_33, %reshape3A : vector<1024x1xf32>
    %mul3A_35 = arith.constant -2.000000e+00 : f32
    %mul3A_36 = vector.broadcast %mul3A_35 : f32 to vector<1024x1xf32>
    %mul3A_37 = arith.mulf %mul3A_36, %reshape3A_20 : vector<1024x1xf32>
    %mul3A_38 = arith.constant -2.000000e+00 : f32
    %mul3A_39 = vector.broadcast %mul3A_38 : f32 to vector<1024x1xf32>
    %mul3A_40 = arith.mulf %mul3A_39, %reshape3A_23 : vector<1024x1xf32>
    %mul3A_41 = arith.mulf %reshape3A, %reshape3A : vector<1024x1xf32>
    %mul3A_42 = arith.mulf %reshape3A_20, %reshape3A_20 : vector<1024x1xf32>
    %add3A = arith.addf %mul3A_41, %mul3A_42 : vector<1024x1xf32>
    %mul3A_43 = arith.mulf %reshape3A_23, %reshape3A_23 : vector<1024x1xf32>
    %add3A_44 = arith.addf %add3A, %mul3A_43 : vector<1024x1xf32>
    %mul3A_45 = arith.mulf %reshape3A_26, %reshape3A_26 : vector<1x4096xf32>
    %mul3A_46 = arith.mulf %reshape3A_29, %reshape3A_29 : vector<1x4096xf32>
    %add3A_47 = arith.addf %mul3A_45, %mul3A_46 : vector<1x4096xf32>
    %mul3A_48 = arith.mulf %reshape3A_32, %reshape3A_32 : vector<1x4096xf32>
    %add3A_49 = arith.addf %add3A_47, %mul3A_48 : vector<1x4096xf32>
    %mul3A_50 = vector.broadcast %mul3A_34 : vector<1024x1xf32> to vector<1024x4096xf32>
    %mul3A_51 = vector.broadcast %reshape3A_26 : vector<1x4096xf32> to vector<1024x4096xf32>
    %mul3A_52 = arith.mulf %mul3A_50, %mul3A_51 : vector<1024x4096xf32>
    %mul3A_53 = vector.broadcast %mul3A_37 : vector<1024x1xf32> to vector<1024x4096xf32>
    %mul3A_54 = vector.broadcast %reshape3A_29 : vector<1x4096xf32> to vector<1024x4096xf32>
    %mul3A_55 = arith.mulf %mul3A_53, %mul3A_54 : vector<1024x4096xf32>
    %add3A_56 = arith.addf %mul3A_52, %mul3A_55 : vector<1024x4096xf32>
    %mul3A_57 = vector.broadcast %mul3A_40 : vector<1024x1xf32> to vector<1024x4096xf32>
    %mul3A_58 = vector.broadcast %reshape3A_32 : vector<1x4096xf32> to vector<1024x4096xf32>
    %mul3A_59 = arith.mulf %mul3A_57, %mul3A_58 : vector<1024x4096xf32>
    %add3A_60 = arith.addf %add3A_56, %mul3A_59 : vector<1024x4096xf32>
    %add3A_61 = vector.broadcast %add3A_49 : vector<1x4096xf32> to vector<1024x4096xf32>
    %add3A_62 = arith.addf %add3A_60, %add3A_61 : vector<1024x4096xf32>
    %add3A_63 = vector.broadcast %add3A_44 : vector<1024x1xf32> to vector<1024x4096xf32>
    %add3A_64 = arith.addf %add3A_60, %add3A_63 : vector<1024x4096xf32>
    %reduce_min3A = arith.constant dense<0x7F800000> : vector<1024xf32>
    %reduce_min3A_65 = vector.multi_reduction <minimumf>, %add3A_62, %reduce_min3A [1] : vector<1024x4096xf32> to vector<1024xf32>
    %broadcast_in_dim3A = vector.shape_cast %reduce_min3A_65 : vector<1024xf32> to vector<1024x1xf32>
    %add3A_66 = arith.addf %add3A_44, %broadcast_in_dim3A : vector<1024x1xf32>
    %get3A_67 = arith.constant 0 : index
    %get3A_68 = arith.constant 0 : index
    %get3A_69 = vector.load %arg6[%get3A_67, %get3A_68] : memref<1x1xf32, #tpu.memory_space<vmem>>, vector<1x1xf32>
    %add3A_70 = arith.constant 9.99999993E-9 : f32
    %add3A_71 = vector.broadcast %add3A_70 : f32 to vector<1024x1xf32>
    %add3A_72 = arith.addf %add3A_66, %add3A_71 : vector<1024x1xf32>
    %sqrt3A = math.sqrt %add3A_72 : vector<1024x1xf32>
    %reduce_sum3A = vector.shape_cast %sqrt3A : vector<1024x1xf32> to vector<1x1024x1xf32>
    %reduce_sum3A_73 = arith.constant dense<0.000000e+00> : vector<1xf32>
    %reduce_sum3A_74 = vector.multi_reduction <add>, %reduce_sum3A, %reduce_sum3A_73 [1, 2] : vector<1x1024x1xf32> to vector<1xf32>
    %reduce_sum3A_75 = vector.shape_cast %reduce_sum3A_74 : vector<1xf32> to vector<1x1x1xf32>
    %reduce_sum3A_76 = vector.extract %reduce_sum3A_75[0, 0, 0] : f32 from vector<1x1x1xf32>
    %broadcast_in_dim3A_77 = vector.broadcast %reduce_sum3A_76 : f32 to vector<1x1xf32>
    %add3A_78 = arith.addf %get3A_69, %broadcast_in_dim3A_77 : vector<1x1xf32>
    %swap3A = arith.constant 0 : index
    %swap3A_79 = arith.constant 0 : index
    %swap3A_80 = vector.load %arg6[%swap3A, %swap3A_79] : memref<1x1xf32, #tpu.memory_space<vmem>>, vector<1x1xf32>
    tpu.vector_store %arg6[%swap3A, %swap3A_79], %add3A_78 {strides = array<i32>} : memref<1x1xf32, #tpu.memory_space<vmem>>, vector<1x1xf32>,
    %get3A_81 = arith.constant 0 : index
    %get3A_82 = arith.constant 0 : index
    %get3A_83 = vector.load %arg5[%get3A_81, %get3A_82] : memref<1x4096xf32, #tpu.memory_space<vmem>>, vector<1x4096xf32>
    %reduce_min3A_84 = arith.constant dense<0x7F800000> : vector<4096xf32>
    %reduce_min3A_85 = vector.multi_reduction <minimumf>, %add3A_64, %reduce_min3A_84 [0] : vector<1024x4096xf32> to vector<4096xf32>
    %broadcast_in_dim3A_86 = vector.shape_cast %reduce_min3A_85 : vector<4096xf32> to vector<1x4096xf32>
    %min3A = arith.minimumf %get3A_83, %broadcast_in_dim3A_86 : vector<1x4096xf32>
    %swap3A_87 = arith.constant 0 : index
    %swap3A_88 = arith.constant 0 : index
    %swap3A_89 = vector.load %arg5[%swap3A_87, %swap3A_88] : memref<1x4096xf32, #tpu.memory_space<vmem>>, vector<1x4096xf32>
    tpu.vector_store %arg5[%swap3A_87, %swap3A_88], %min3A {strides = array<i32>} : memref<1x4096xf32, #tpu.memory_space<vmem>>, vector<1x4096xf32>,
    %eq3A_90 = arith.constant 3 : i32
    %eq3A_91 = arith.cmpi eq, %arg1, %eq3A_90 : i32
    %convert_element_type3A_92 = arith.extui %eq3A_91 : i1 to i32
    %cond3A_93 = arith.constant 0 : i32
    %cond3A_94 = arith.cmpi ne, %convert_element_type3A_92, %cond3A_93 : i32
    scf.if %cond3A_94 {
      %get3A_103 = arith.constant 0 : index
      %get3A_104 = arith.constant 0 : index
      %get3A_105 = vector.load %arg5[%get3A_103, %get3A_104] : memref<1x4096xf32, #tpu.memory_space<vmem>>, vector<1x4096xf32>
      %add3A_106 = arith.addf %add3A_49, %get3A_105 : vector<1x4096xf32>
      %get3A_107 = arith.constant 0 : index
      %get3A_108 = arith.constant 0 : index
      %get3A_109 = vector.load %arg7[%get3A_107, %get3A_108] : memref<1x1xf32, #tpu.memory_space<vmem>>, vector<1x1xf32>
      %add3A_110 = arith.constant 9.99999993E-9 : f32
      %add3A_111 = vector.broadcast %add3A_110 : f32 to vector<1x4096xf32>
      %add3A_112 = arith.addf %add3A_106, %add3A_111 : vector<1x4096xf32>
      %sqrt3A_113 = math.sqrt %add3A_112 : vector<1x4096xf32>
      %reduce_sum3A_114 = vector.shape_cast %sqrt3A_113 : vector<1x4096xf32> to vector<1x1x4096xf32>
      %reduce_sum3A_115 = arith.constant dense<0.000000e+00> : vector<1xf32>
      %reduce_sum3A_116 = vector.multi_reduction <add>, %reduce_sum3A_114, %reduce_sum3A_115 [1, 2] : vector<1x1x4096xf32> to vector<1xf32>
      %reduce_sum3A_117 = vector.shape_cast %reduce_sum3A_116 : vector<1xf32> to vector<1x1x1xf32>
      %reduce_sum3A_118 = vector.extract %reduce_sum3A_117[0, 0, 0] : f32 from vector<1x1x1xf32>
      %broadcast_in_dim3A_119 = vector.broadcast %reduce_sum3A_118 : f32 to vector<1x1xf32>
      %add3A_120 = arith.addf %get3A_109, %broadcast_in_dim3A_119 : vector<1x1xf32>
      %swap3A_121 = arith.constant 0 : index
      %swap3A_122 = arith.constant 0 : index
      %swap3A_123 = vector.load %arg7[%swap3A_121, %swap3A_122] : memref<1x1xf32, #tpu.memory_space<vmem>>, vector<1x1xf32>
      tpu.vector_store %arg7[%swap3A_121, %swap3A_122], %add3A_120 {strides = array<i32>} : memref<1x1xf32, #tpu.memory_space<vmem>>, vector<1x1xf32>,
    } else {
    }
    %eq3A_95 = arith.constant 2 : i32
    %eq3A_96 = arith.cmpi eq, %arg0, %eq3A_95 : i32
    %eq3A_97 = arith.constant 3 : i32
    %eq3A_98 = arith.cmpi eq, %arg1, %eq3A_97 : i32
    %and3A_99 = arith.andi %eq3A_96, %eq3A_98 : i1
    %convert_element_type3A_100 = arith.extui %and3A_99 : i1 to i32
    %cond3A_101 = arith.constant 0 : i32
    %cond3A_102 = arith.cmpi ne, %convert_element_type3A_100, %cond3A_101 : i32
    scf.if %cond3A_102 {
      %get3A_103 = arith.constant 0 : index
      %get3A_104 = arith.constant 0 : index
      %get3A_105 = vector.load %arg6[%get3A_103, %get3A_104] : memref<1x1xf32, #tpu.memory_space<vmem>>, vector<1x1xf32>
      %get3A_106 = arith.constant 0 : index
      %get3A_107 = arith.constant 0 : index
      %get3A_108 = vector.load %arg7[%get3A_106, %get3A_107] : memref<1x1xf32, #tpu.memory_space<vmem>>, vector<1x1xf32>
      %concatenate3A = tpu.concatenate %get3A_105, %get3A_108 in 1 : vector<1x1xf32>, vector<1x1xf32> -> vector<1x2xf32>
      %swap3A_109 = arith.constant 0 : index
      %swap3A_110 = arith.constant 0 : index
      %swap3A_111 = vector.load %arg4[%swap3A_109, %swap3A_110] : memref<1x2xf32, #tpu.memory_space<vmem>>, vector<1x2xf32>
      tpu.vector_store %arg4[%swap3A_109, %swap3A_110], %concatenate3A {strides = array<i32>} : memref<1x2xf32, #tpu.memory_space<vmem>>, vector<1x2xf32>,
    } else {
    }
    return
  }
  func.func @transform_0(%arg0: i32, %arg1: i32) -> (i32, i32, i32) {
    %c0_i32 = arith.constant 0 : i32
    %c0_i32_0 = arith.constant 0 : i32
    return %arg0, %c0_i32, %arg1 : i32, i32, i32
  }
  func.func @transform_1(%arg0: i32, %arg1: i32) -> (i32, i32, i32) {
    %c0_i32 = arith.constant 0 : i32
    %c0_i32_0 = arith.constant 0 : i32
    %c0_i32_1 = arith.constant 0 : i32
    return %arg0, %c0_i32, %c0_i32_0 : i32, i32, i32
  }
  func.func @transform_2(%arg0: i32, %arg1: i32) -> (i32, i32) {
    %c0_i32 = arith.constant 0 : i32
    %c0_i32_0 = arith.constant 0 : i32
    %c0_i32_1 = arith.constant 0 : i32
    return %c0_i32, %c0_i32_0 : i32, i32
  }
}

module attributes {stable_mosaic.version = 14 : i64} {
  func.func @_tc_merge(%arg0: memref<1x2xf32, #tpu.memory_space<vmem>>, %arg1: memref<4096x16xf32, #tpu.memory_space<vmem>>, %arg2: memref<32x32x128xf32, #tpu.memory_space<vmem>>, %arg3: memref<1x1xf32, #tpu.memory_space<vmem>>) attributes {dimension_semantics = [], scalar_prefetch = 0 : i64, scratch_operands = 0 : i64, tpu.core_type = #tpu.core_type<tc>} {
    %get3A = arith.constant 0 : index
    %get3A_0 = arith.constant 0 : index
    %get3A_1 = vector.load %arg1[%get3A, %get3A_0] : memref<4096x16xf32, #tpu.memory_space<vmem>>, vector<4096x16xf32>
    %reduce_min3A = arith.constant dense<0x7F800000> : vector<4096xf32>
    %reduce_min3A_2 = vector.multi_reduction <minimumf>, %get3A_1, %reduce_min3A [1] : vector<4096x16xf32> to vector<4096xf32>
    %broadcast_in_dim3A = vector.shape_cast %reduce_min3A_2 : vector<4096xf32> to vector<4096x1xf32>
    %add3A = arith.constant 9.99999993E-9 : f32
    %add3A_3 = vector.broadcast %add3A : f32 to vector<4096x1xf32>
    %add3A_4 = arith.addf %broadcast_in_dim3A, %add3A_3 : vector<4096x1xf32>
    %sqrt3A = math.sqrt %add3A_4 : vector<4096x1xf32>
    %reduce_sum3A = vector.shape_cast %sqrt3A : vector<4096x1xf32> to vector<1x4096x1xf32>
    %reduce_sum3A_5 = arith.constant dense<0.000000e+00> : vector<1xf32>
    %reduce_sum3A_6 = vector.multi_reduction <add>, %reduce_sum3A, %reduce_sum3A_5 [1, 2] : vector<1x4096x1xf32> to vector<1xf32>
    %reduce_sum3A_7 = vector.shape_cast %reduce_sum3A_6 : vector<1xf32> to vector<1x1x1xf32>
    %reduce_sum3A_8 = vector.extract %reduce_sum3A_7[0, 0, 0] : f32 from vector<1x1x1xf32>
    %broadcast_in_dim3A_9 = vector.broadcast %reduce_sum3A_8 : f32 to vector<1x1xf32>
    %get3A_10 = arith.constant 0 : index
    %get3A_11 = arith.constant 0 : index
    %get3A_12 = arith.constant 0 : index
    %get3A_13 = vector.load %arg2[%get3A_10, %get3A_11, %get3A_12] : memref<32x32x128xf32, #tpu.memory_space<vmem>>, vector<32x32x128xf32>
    %reduce_min3A_14 = arith.constant dense<0x7F800000> : vector<32x128xf32>
    %reduce_min3A_15 = vector.multi_reduction <minimumf>, %get3A_13, %reduce_min3A_14 [0] : vector<32x32x128xf32> to vector<32x128xf32>
    %add3A_16 = arith.constant 9.99999993E-9 : f32
    %add3A_17 = vector.broadcast %add3A_16 : f32 to vector<32x128xf32>
    %add3A_18 = arith.addf %reduce_min3A_15, %add3A_17 : vector<32x128xf32>
    %sqrt3A_19 = math.sqrt %add3A_18 : vector<32x128xf32>
    %reduce_sum3A_20 = vector.shape_cast %sqrt3A_19 : vector<32x128xf32> to vector<1x32x128xf32>
    %reduce_sum3A_21 = arith.constant dense<0.000000e+00> : vector<1xf32>
    %reduce_sum3A_22 = vector.multi_reduction <add>, %reduce_sum3A_20, %reduce_sum3A_21 [1, 2] : vector<1x32x128xf32> to vector<1xf32>
    %reduce_sum3A_23 = vector.shape_cast %reduce_sum3A_22 : vector<1xf32> to vector<1x1x1xf32>
    %reduce_sum3A_24 = vector.extract %reduce_sum3A_23[0, 0, 0] : f32 from vector<1x1x1xf32>
    %reshape3A = vector.broadcast %reduce_sum3A_24 : f32 to vector<1x1xf32>
    %get3A_25 = arith.constant 0 : index
    %get3A_26 = arith.constant 0 : index
    %get3A_27 = vector.load %arg0[%get3A_25, %get3A_26] : memref<1x2xf32, #tpu.memory_space<vmem>>, vector<1x1xf32>
    %add3A_28 = arith.addf %get3A_27, %broadcast_in_dim3A_9 : vector<1x1xf32>
    %get3A_29 = arith.constant 0 : index
    %get3A_30 = arith.constant 1 : index
    %get3A_31 = vector.load %arg0[%get3A_29, %get3A_30] : memref<1x2xf32, #tpu.memory_space<vmem>>, vector<1x1xf32>
    %add3A_32 = arith.addf %get3A_31, %reshape3A : vector<1x1xf32>
    %div3A = arith.constant 1.638400e+04 : f32
    %div3A_33 = vector.broadcast %div3A : f32 to vector<1x1xf32>
    %div3A_34 = arith.divf %add3A_28, %div3A_33 : vector<1x1xf32>
    %div3A_35 = arith.constant 1.638400e+04 : f32
    %div3A_36 = vector.broadcast %div3A_35 : f32 to vector<1x1xf32>
    %div3A_37 = arith.divf %add3A_32, %div3A_36 : vector<1x1xf32>
    %add3A_38 = arith.addf %div3A_34, %div3A_37 : vector<1x1xf32>
    %swap3A = arith.constant 0 : index
    %swap3A_39 = arith.constant 0 : index
    %swap3A_40 = vector.load %arg3[%swap3A, %swap3A_39] : memref<1x1xf32, #tpu.memory_space<vmem>>, vector<1x1xf32>
    tpu.vector_store %arg3[%swap3A, %swap3A_39], %add3A_38 {strides = array<i32>} : memref<1x1xf32, #tpu.memory_space<vmem>>, vector<1x1xf32>,
    return
  }
}

</mosaic_0001>

<sc_bundles>
// kernel: kernel.5.cloned.1.call-start
scs
__scs_entry_jumppad:
0x0: {  	(pc) =	sbr.rel $0x88, $3  }
0x1: {  	(tag) =	ssettag $0x0;
	lr =	simm.s32 $0x1  }
0x2: {  	[smem:$0x3F9F] =	sst lr;
	_ =	strace $0xD0000000  }
0x3: {  	_ = 	snop  }
0x4: {  	_ = 	snop  }
0x5: {  	_ = 	snop  }
0x6: {  	_ = 	snop  }
0x7: {  	_ = 	snop  }
__scs_overlays_trampoline_lowered:
0x8: {  	[smem:$0x3FAE] =	sst s0  }
0x9: {  	[smem:$0x3FAF] =	sst s1  }
0xa: {  	[smem:$0x3FB0] =	sst s2  }
0xb: {  	[smem:$0x3FB1] =	sst s3  }
0xc: {  	[smem:$0x3FB2] =	sst s4  }
0xd: {  	[smem:$0x3FB3] =	sst s5  }
0xe: {  	[smem:$0x3FB4] =	sst s6  }
0xf: {  	[smem:$0x3FB5] =	sst s7  }
0x10: {  	[smem:$0x3FB6] =	sst s8  }
0x11: {  	[smem:$0x3FB7] =	sst s9;
	s0 =	simm.s32 @!p0 $0x0  }
0x12: {  	s1 =	sld [smem:$0x3F9D];
	s0 =	simm.s32 @p0 $0x1  }
0x13: {  	[smem:$0x3FB8] =	sst s0;
	s0 =	simm.s32 @!p1 $0x0  }
0x14: {  	s2 =	sld [smem:$0x3F9C];
	s0 =	simm.s32 @p1 $0x1  }
0x15: {  	[smem:$0x3FB9] =	sst s0;
	s0 =	simm.s32 @!p2 $0x0  }
0x16: {  	s3 =	sld [smem:$0x3FDB];
	s0 =	simm.s32 @p2 $0x1  }
0x17: {  	s4 =	simm.s32 $0x1BF5;
	[smem:$0x3FBB] =	sst s0  }
0x18: {  	s0 =	sld [smem:$0x3F9E];
	_ =	swait.ge [sflag:s4], $0x0  }
0x19: {  	s7 =	sld [smem:$0x3F9F]  }
0x1a: {  	s8 =	sadd.s32 $0xFFFFE003, lr  }
0x1b: {  	s9 =	sadd.s32 $0xFFFFFEF7, lr;
	s5 =	simm.s32 $0xFFFFFFFF;
	p2 =	slt.u32 s8, $0xFFFFF086  }
0x1c: {  	p1 =	slt.u32 s9, $0xF7A;
	s5 =	simm.s32 @!p2 $0x0  }
0x1d: {  	s5 =	simm.s32 @p1 $0x1;
	p0 =	seq.s32 s7, s2  }
0x1e: {  	s7 =	smul.u32 @!p0 $0xF7A, s2;
	p2 =	seq.s32 @!p0 s5, $0x0  }
0x1f: {  	s9 =	smul.u32 $0xF7A, s1;
	s8 =	simm.s32 @!p0 $0x1BF5;
	p2 =	por !p2, p0  }
0x20: {  	[sflag:s8] =	ssyncset.s32 @!p0 $0xFFFFF086;
	s6 =	sadd.s32 @!p0 s3, s7;
	s7 =	simm.s32 @!p0 $0x108  }
0x21: {  	s3 =	sadd.s32 s3, s9;
	s6 =	sadd.s32 @!p0 $0x88, s6;
	s7 =	simm.s32 @p2 $0x1082  }
0x22: {  	[simem:s7], [sflag:s8] =	dma.local @!p0 [hbm:s6], $0xF7A  }
0x23: {  	s9 =	sor.u32 $0xD0000000, s2;
	s6 =	simm.s32 $0x108;
	_ =	swait.ge @!p0 [sflag:s8], $0x0  }
0x24: {  	s3 =	sadd.s32 $0x88, s3;
	s6 =	simm.s32 @!p1 $0x1082;
	[sflag:s4] =	ssyncset.s32 $0xFFFFF086  }
0x25: {  	[simem:s6], [sflag:s4] =	dma.local [hbm:s3], $0xF7A  }
0x26: {  	[smem:$0x3F9F] =	sst s1;
	(tag) =	ssettag s2;
	_ =	strace s9  }
0x27: {  	s1 =	sld [smem:$0x3FAF]  }
0x28: {  	s2 =	sld [smem:$0x3FB0]  }
0x29: {  	s4 =	sld [smem:$0x3FB2]  }
0x2a: {  	p0 =	seq.s32 s5, $0x0;
	s5 =	sld [smem:$0x3FB3]  }
0x2b: {  	s6 =	sld [smem:$0x3FB4]  }
0x2c: {  	s7 =	sld [smem:$0x3FB5]  }
0x2d: {  	s3 =	simm.s32 $0x108;
	s8 =	sld [smem:$0x3FB6]  }
0x2e: {  	s3 =	simm.s32 @!p0 $0x1082;
	s9 =	sld [smem:$0x3FB7]  }
0x2f: {  	lr =	sadd.s32 s0, s3;
	s0 =	sld [smem:$0x3FAE]  }
0x30: {  	s3 =	sld [smem:$0x3FB1]  }
0x31: {  	[smem:$0x3FBA] =	sst s10  }
0x32: {  	s10 =	sld [smem:$0x3FB8];
	_ =	sdelay $0x3  }
0x33: {  	p0 =	seq.s32 s10, $0x1;
	s10 =	sld [smem:$0x3FBA];
	_ =	sdelay $0x3  }
0x34: {  	[smem:$0x3FBA] =	sst s10  }
0x35: {  	s10 =	sld [smem:$0x3FB9];
	_ =	sdelay $0x3  }
0x36: {  	p1 =	seq.s32 s10, $0x1;
	s10 =	sld [smem:$0x3FBA];
	_ =	sdelay $0x3  }
0x37: {  	[smem:$0x3FBA] =	sst s10  }
0x38: {  	s10 =	sld [smem:$0x3FBB]  }
0x39: {  	_ = 	snop;
	(pc) =	sbr.ind lr, $3  }
0x3a: {  	_ = 	snop  }
0x3b: {  	_ = 	snop  }
0x3c: {  	p2 =	seq.s32 s10, $0x1;
	s10 =	sld [smem:$0x3FBA]  }
0x3d: {  	_ =	shalt  }
0x3e: {  	_ =	shalt  }
0x3f: {  	_ =	shalt  }
0x40: {  	_ =	shalt  }
0x41: {  	_ =	shalt  }
0x42: {  	_ =	shalt  }
0x43: {  	_ =	shalt  }
0x44: {  	_ =	shalt  }
0x45: {  	_ =	shalt  }
0x46: {  	_ =	shalt  }
0x47: {  	_ =	shalt  }
0x48: {  	_ =	shalt  }
0x49: {  	_ =	shalt  }
0x4a: {  	_ =	shalt  }
0x4b: {  	_ =	shalt  }
0x4c: {  	_ =	shalt  }
0x4d: {  	_ =	shalt  }
0x4e: {  	_ =	shalt  }
0x4f: {  	_ =	shalt  }
0x50: {  	_ =	shalt  }
0x51: {  	_ =	shalt  }
0x52: {  	_ =	shalt  }
0x53: {  	_ =	shalt  }
0x54: {  	_ =	shalt  }
0x55: {  	_ =	shalt  }
0x56: {  	_ =	shalt  }
0x57: {  	_ =	shalt  }
0x58: {  	_ =	shalt  }
0x59: {  	_ =	shalt  }
0x5a: {  	_ =	shalt  }
0x5b: {  	_ =	shalt  }
0x5c: {  	_ =	shalt  }
0x5d: {  	_ =	shalt  }
0x5e: {  	_ =	shalt  }
0x5f: {  	_ =	shalt  }
0x60: {  	_ =	shalt  }
0x61: {  	_ =	shalt  }
0x62: {  	_ =	shalt  }
0x63: {  	_ =	shalt  }
0x64: {  	_ =	shalt  }
0x65: {  	_ =	shalt  }
0x66: {  	_ =	shalt  }
0x67: {  	_ =	shalt  }
0x68: {  	_ =	shalt  }
0x69: {  	_ =	shalt  }
0x6a: {  	_ =	shalt  }
0x6b: {  	_ =	shalt  }
0x6c: {  	_ =	shalt  }
0x6d: {  	_ =	shalt  }
0x6e: {  	_ =	shalt  }
0x6f: {  	_ =	shalt  }
0x70: {  	_ =	shalt  }
0x71: {  	_ =	shalt  }
0x72: {  	_ =	shalt  }
0x73: {  	_ =	shalt  }
0x74: {  	_ =	shalt  }
0x75: {  	_ =	shalt  }
0x76: {  	_ =	shalt  }
0x77: {  	_ =	shalt  }
0x78: {  	_ =	shalt  }
0x79: {  	_ =	shalt  }
0x7a: {  	_ =	shalt  }
0x7b: {  	_ =	shalt  }
0x7c: {  	_ =	shalt  }
0x7d: {  	_ =	shalt  }
0x7e: {  	_ =	shalt  }
0x7f: {  	_ =	shalt  }
0x80: {  	_ =	shalt  }
0x81: {  	_ =	shalt  }
0x82: {  	_ =	shalt  }
0x83: {  	_ =	shalt  }
0x84: {  	_ =	shalt  }
0x85: {  	_ =	shalt  }
0x86: {  	_ =	shalt  }
0x87: {  	_ =	shalt  }
.Lfunc_end0:
.L_simem_size_0:
called_computation_lowered:
.L_overlay_start_0:
0x88: {  	s2 =	sld [smem:$0x3FD9]  }
0x89: {  	s3 =	sld [smem:$0x3FFE];
	_ =	sdelay $0x1  }
0x8a: {  	s1 =	srdreg.scid  }
0x8b: {  	s0 =	sand.u32 $0x1, s1  }
0x8c: {  	s16 =	sshll.u32 s0, $0xA;
	s2 =	sadd.s32 s3, s2  }
0x8d: {  	s2 =	sadd.s32 s2, s16  }
0x8e: {  	[smem:$0x3FC6] =	sst s2  }
0x8f: {  	_ = 	snop  }
0x90: {  	(tm) =	ssettm $0x1  }
0x91: {  	s17 =	sld [smem:$0x3FFB];
	_ =	sdelay $0x3  }
0x92: {  	_ =	strace s17  }
0x93: {  	s2 =	sld [smem:$0x3FFC];
	_ =	sdelay $0x3  }
0x94: {  	_ =	strace s2  }
0x95: {  	s2 =	sld [smem:$0x3FFD];
	_ =	sdelay $0x3  }
0x96: {  	_ =	strace s2  }
0x97: {  	_ =	strace $0x8FFFFFFF  }
0x98: {  	s18 =	sld [smem:$0x3FDB];
	_ =	sdelay $0x1  }
0x99: {  	s19 =	simm.s32 $_scs_section_size  }
0x9a: {  	s4 =	simm.s32 $_size__tile_overlayer_lowered;
	s5 =	simm.s32 $_tile_overlayer_lowered  }
0x9b: {  	s22 =	simm.s32 $0x1BFF;
	s21 =	sshll.u32 s5, $0x1;
	s2 =	sadd.s32 s19, s18  }
0x9c: {  	s6 =	simm.s32 $0x0;
	s20 =	sshll.u32 s4, $0x1;
	s4 =	sadd.s32 s21, s2  }
0x9d: {  	[timem:s6], [sflag:s22] =	dma.local [hbm:s4], s20  }
0x9e: {  	_ =	swait.ge [sflag:s22], s20  }
0x9f: {  	s3 =	ssub.s32 $0x0, s20;
	[sflag:s22] =	ssyncset.done $0x0  }
0xa0: {  	[sflag:s22] =	ssyncadd.s32 s3;
	_ =	sdelay $0x1  }
0xa1: {  	s23 =	simm.s32 $0x1B8B  }
0xa2: {  	_ =	swait.ge [sflag:s23], $0x1  }
0xa3: {  	[sflag:s23] =	ssyncset.done $0x0  }
0xa4: {  	s25 =	simm.s32 $0x1B8E;
	s24 =	sld [smem:$0x3FFE];
	[sflag:s23] =	ssyncadd.s32 $0xFFFFFFFF  }
0xa5: {  	s26 =	simm.s32 $execute0_lowered;
	[smem:$0x3FD2] =	sst s25  }
0xa6: {  	s4 =	sshll.u32 s26, $0x1;
	_ =	strace $0x80000046;
	[dreg:$0x1] =	wrdreg $0xFFFFFFFF  }
0xa7: {  	s28 =	simm.s32 $_size_execute0_lowered;
	s2 =	sadd.s32 s2, s4;
	[dreg:$0x0] =	wrdreg $0x0  }
0xa8: {  	s4 =	sshll.u32 s28, $0x1;
	[dreg:$0x2] =	wrdreg s2  }
0xa9: {  	[dreg:$0x3] =	wrdreg s4  }
0xaa: {  	[dreg:$0x4] =	wrdreg $0xC0  }
0xab: {  	_ =	task [dreg:s6], $0x5FFFF  }
0xac: {  	[dreg:$0x1] =	wrdreg $0xFFFFFFFF  }
0xad: {  	[dreg:$0x0] =	wrdreg $0x60  }
0xae: {  	[dreg:$0x2] =	wrdreg s24  }
0xaf: {  	[dreg:$0x3] =	wrdreg $0x9  }
0xb0: {  	_ =	task.clear_ibuf [dreg:s6], $0x4FFFF;
	_ =	strace $0x90000046  }
0xb1: {  	s29 =	simm.s32 $0x9;
	_ =	strace $0x80000048  }
0xb2: {  	_ =	swait.ge [sflag:s29], $0x1  }
0xb3: {  	[sflag:s29] =	ssyncadd.s32 $0xFFFFFFFF  }
0xb4: {  	_ =	strace $0x90000048  }
0xb5: {  	_ =	sfence  }
0xb6: {  	s30 =	sld [smem:$0x0];
	_ =	sdelay $0x2  }
0xb7: {  	s31 =	sshll.u32 s1, $0xD;
	s1 =	sshrl.u32 s1, $0x2  }
0xb8: {  	s3 =	sand.u32 $0x4000, s31;
	s1 =	sadd.s32 s1, s30  }
0xb9: {  	s0 =	sor.u32 s3, s0;
	s1 =	sshll.u32 s1, $0x11  }
0xba: {  	s0 =	sor.u32 s1, s0  }
0xbb: {  	s0 =	sadd.s32 $0x8F2B, s0  }
0xbc: {  	[sflag:s0] =	ssyncadd.remote.s32 $0x1  }
0xbd: {  	_ =	sfence.sel $0xFFFF  }
0xbe: {  	[dreg:$0x0] =	wrdreg $0xFFFFFFFF;
	(pc) =	sbr.abs _section_cstart, $3  }
0xbf: {  	[dreg:$0x1] =	wrdreg $0xFFFFFFFF  }
0xc0: {  	_ =	task.clear_ibuf [dreg:s6], $0x2FFFF;
	_ =	strace $0x9FFFFFFF  }
0xc1: {  	(tm) =	ssettm $0x7FFFFFFF  }
tec
execute0_lowered:
.L_overlay_start_1:
0x0: {  	(tag) =	ssettag $0x1  }
0x1: {  	s1 =	srdreg.scid  }
0x2: {  	s0 =	stileid.u32;
	s8 =	rddreg [dreg:$0x0];
	s2 =	simm.s32 $0x0  }
0x3: {  	s12 =	simm.s32 $0x3000;
	s13 =	simm.s32 $0x1;
	s14 =	simm.s32 $0x3080  }
0x4: {  	s15 =	simm.s32 $0x3100;
	s16 =	simm.s32 $0x1000;
	s17 =	simm.s32 $0x2000  }
0x5: {  	s18 =	simm.s32 $0x4180;
	s19 =	simm.s32 $0x3180;
	s20 =	simm.s32 $0x0  }
0x6: {  	s3 =	sand.u32 $0x1, s1;
	s4 =	sshll.u32 s0, $0x1;
	[smem:$0x7FF] =	sst s2  }
0x7: {  	s1 =	rddreg [dreg:$0x1];
	s4 =	sor.u32 s3, s4;
	_ =	strace $0x80000047  }
0x8: {  	s3 =	ssub.s32 $0x2, s3;
	s5 =	sshll.u32 s4, $0x4;
	s6 =	sshll.u32 s4, $0x8  }
0x9: {  	s4 =	sshll.u32 s4, $0x9;
	s7 =	sshrl.u32 s3, $0x1;
	s5 =	sadd.s32 s5, s8  }
0xa: {  	s9 =	sadd.s32 s6, s8;
	s10 =	sadd.s32 s4, s8;
	s11 =	ssub.s32 s3, s7  }
0xb: {  	s6 =	sadd.s32 $0x3400, s8;
	s7 =	sadd.s32 $0x3600, s8;
	s8 =	sadd.s32 $0x3800, s8  }
0xc: {  	s3 =	sadd.s32 $0x1C00, s5;
	s4 =	sadd.s32 $0x1E00, s5;
	s5 =	sadd.s32 $0x2000, s5  }
0xd: {  	s9 =	sadd.s32 $0x3A00, s9;
	s10 =	sadd.s32 $0x5A00, s10;
	s11 =	smax.u32 s11, $0x1  }
.LBB2_1:
0xe: {  	[tilespmem:s12], [sflag:$0x1] =	stream.linear.gather [hbm4b:s3+s2], $0x80, $0x38;
	[tilespmem:$0x4980] =	vst v63  }
0xf: {  	_ =	swait.ge [sflag:s13], $0x80  }
0x10: {  	[sflag:s13] =	ssyncset.done $0x0  }
0x11: {  	[sflag:s13] =	ssyncadd.s32 $0xFFFFFF80  }
0x12: {  	[tilespmem:s14], [sflag:$0x1] =	stream.linear.gather [hbm4b:s4+s2], $0x80, $0x38;
	[tilespmem:$0x4980] =	vst v63  }
0x13: {  	_ =	swait.ge [sflag:s13], $0x80  }
0x14: {  	[sflag:s13] =	ssyncset.done $0x0  }
0x15: {  	[sflag:s13] =	ssyncadd.s32 $0xFFFFFF80  }
0x16: {  	[tilespmem:s15], [sflag:$0x1] =	stream.linear.gather [hbm4b:s5+s2], $0x80, $0x38;
	[tilespmem:$0x4980] =	vst v63  }
0x17: {  	_ =	swait.ge [sflag:s13], $0x80  }
0x18: {  	[sflag:s13] =	ssyncset.done $0x0  }
0x19: {  	[sflag:s13] =	ssyncadd.s32 $0xFFFFFF80  }
0x1a: {  	[tilespmem:s2], [sflag:$0x1] =	stream.linear.gather [hbm4b:s6+s2], $0x1000, $0x38;
	[tilespmem:$0x4980] =	vst v63  }
0x1b: {  	_ =	swait.ge [sflag:s13], $0x1000  }
0x1c: {  	[sflag:s13] =	ssyncset.done $0x0  }
0x1d: {  	[sflag:s13] =	ssyncadd.s32 $0xFFFFF000  }
0x1e: {  	[tilespmem:s16], [sflag:$0x1] =	stream.linear.gather [hbm4b:s7+s2], $0x1000, $0x38;
	[tilespmem:$0x4980] =	vst v63  }
0x1f: {  	_ =	swait.ge [sflag:s13], $0x1000  }
0x20: {  	[sflag:s13] =	ssyncset.done $0x0  }
0x21: {  	[sflag:s13] =	ssyncadd.s32 $0xFFFFF000  }
0x22: {  	[tilespmem:s17], [sflag:$0x1] =	stream.linear.gather [hbm4b:s8+s2], $0x1000, $0x38;
	[tilespmem:$0x4980] =	vst v63  }
0x23: {  	_ =	swait.ge [sflag:s13], $0x1000  }
0x24: {  	[sflag:s13] =	ssyncset.done $0x0  }
0x25: {  	v0 =	vimm.f32 $3.000000010e+38;
	[sflag:s13] =	ssyncadd.s32 $0xFFFFF000  }
0x26: {  	[tilespmem:$0x3180] =	vst v0  }
0x27: {  	[tilespmem:$0x3190] =	vst v0  }
0x28: {  	[tilespmem:$0x31A0] =	vst v0  }
0x29: {  	[tilespmem:$0x31B0] =	vst v0  }
0x2a: {  	[tilespmem:$0x31C0] =	vst v0  }
0x2b: {  	[tilespmem:$0x31D0] =	vst v0  }
0x2c: {  	[tilespmem:$0x31E0] =	vst v0  }
0x2d: {  	[tilespmem:$0x31F0] =	vst v0  }
0x2e: {  	[tilespmem:$0x3200] =	vst v0  }
0x2f: {  	[tilespmem:$0x3210] =	vst v0  }
0x30: {  	[tilespmem:$0x3220] =	vst v0  }
0x31: {  	[tilespmem:$0x3230] =	vst v0  }
0x32: {  	[tilespmem:$0x3240] =	vst v0  }
0x33: {  	[tilespmem:$0x3250] =	vst v0  }
0x34: {  	[tilespmem:$0x3260] =	vst v0  }
0x35: {  	[tilespmem:$0x3270] =	vst v0  }
0x36: {  	[tilespmem:$0x3280] =	vst v0  }
0x37: {  	[tilespmem:$0x3290] =	vst v0  }
0x38: {  	[tilespmem:$0x32A0] =	vst v0  }
0x39: {  	[tilespmem:$0x32B0] =	vst v0  }
0x3a: {  	[tilespmem:$0x32C0] =	vst v0  }
0x3b: {  	[tilespmem:$0x32D0] =	vst v0  }
0x3c: {  	[tilespmem:$0x32E0] =	vst v0  }
0x3d: {  	[tilespmem:$0x32F0] =	vst v0  }
0x3e: {  	[tilespmem:$0x3300] =	vst v0  }
0x3f: {  	[tilespmem:$0x3310] =	vst v0  }
0x40: {  	[tilespmem:$0x3320] =	vst v0  }
0x41: {  	[tilespmem:$0x3330] =	vst v0  }
0x42: {  	[tilespmem:$0x3340] =	vst v0  }
0x43: {  	[tilespmem:$0x3350] =	vst v0  }
0x44: {  	[tilespmem:$0x3360] =	vst v0  }
0x45: {  	[tilespmem:$0x3370] =	vst v0  }
0x46: {  	[tilespmem:$0x3380] =	vst v0  }
0x47: {  	[tilespmem:$0x3390] =	vst v0  }
0x48: {  	[tilespmem:$0x33A0] =	vst v0  }
0x49: {  	[tilespmem:$0x33B0] =	vst v0  }
0x4a: {  	[tilespmem:$0x33C0] =	vst v0  }
0x4b: {  	[tilespmem:$0x33D0] =	vst v0  }
0x4c: {  	[tilespmem:$0x33E0] =	vst v0  }
0x4d: {  	[tilespmem:$0x33F0] =	vst v0  }
0x4e: {  	[tilespmem:$0x3400] =	vst v0  }
0x4f: {  	[tilespmem:$0x3410] =	vst v0  }
0x50: {  	[tilespmem:$0x3420] =	vst v0  }
0x51: {  	[tilespmem:$0x3430] =	vst v0  }
0x52: {  	[tilespmem:$0x3440] =	vst v0  }
0x53: {  	[tilespmem:$0x3450] =	vst v0  }
0x54: {  	[tilespmem:$0x3460] =	vst v0  }
0x55: {  	[tilespmem:$0x3470] =	vst v0  }
0x56: {  	[tilespmem:$0x3480] =	vst v0  }
0x57: {  	[tilespmem:$0x3490] =	vst v0  }
0x58: {  	[tilespmem:$0x34A0] =	vst v0  }
0x59: {  	[tilespmem:$0x34B0] =	vst v0  }
0x5a: {  	[tilespmem:$0x34C0] =	vst v0  }
0x5b: {  	[tilespmem:$0x34D0] =	vst v0  }
0x5c: {  	[tilespmem:$0x34E0] =	vst v0  }
0x5d: {  	[tilespmem:$0x34F0] =	vst v0  }
0x5e: {  	[tilespmem:$0x3500] =	vst v0  }
0x5f: {  	[tilespmem:$0x3510] =	vst v0  }
0x60: {  	[tilespmem:$0x3520] =	vst v0  }
0x61: {  	[tilespmem:$0x3530] =	vst v0  }
0x62: {  	[tilespmem:$0x3540] =	vst v0  }
0x63: {  	[tilespmem:$0x3550] =	vst v0  }
0x64: {  	[tilespmem:$0x3560] =	vst v0  }
0x65: {  	[tilespmem:$0x3570] =	vst v0  }
0x66: {  	[tilespmem:$0x3580] =	vst v0  }
0x67: {  	[tilespmem:$0x3590] =	vst v0  }
0x68: {  	[tilespmem:$0x35A0] =	vst v0  }
0x69: {  	[tilespmem:$0x35B0] =	vst v0  }
0x6a: {  	[tilespmem:$0x35C0] =	vst v0  }
0x6b: {  	[tilespmem:$0x35D0] =	vst v0  }
0x6c: {  	[tilespmem:$0x35E0] =	vst v0  }
0x6d: {  	[tilespmem:$0x35F0] =	vst v0  }
0x6e: {  	[tilespmem:$0x3600] =	vst v0  }
0x6f: {  	[tilespmem:$0x3610] =	vst v0  }
0x70: {  	[tilespmem:$0x3620] =	vst v0  }
0x71: {  	[tilespmem:$0x3630] =	vst v0  }
0x72: {  	[tilespmem:$0x3640] =	vst v0  }
0x73: {  	[tilespmem:$0x3650] =	vst v0  }
0x74: {  	[tilespmem:$0x3660] =	vst v0  }
0x75: {  	[tilespmem:$0x3670] =	vst v0  }
0x76: {  	[tilespmem:$0x3680] =	vst v0  }
0x77: {  	[tilespmem:$0x3690] =	vst v0  }
0x78: {  	[tilespmem:$0x36A0] =	vst v0  }
0x79: {  	[tilespmem:$0x36B0] =	vst v0  }
0x7a: {  	[tilespmem:$0x36C0] =	vst v0  }
0x7b: {  	[tilespmem:$0x36D0] =	vst v0  }
0x7c: {  	[tilespmem:$0x36E0] =	vst v0  }
0x7d: {  	[tilespmem:$0x36F0] =	vst v0  }
0x7e: {  	[tilespmem:$0x3700] =	vst v0  }
0x7f: {  	[tilespmem:$0x3710] =	vst v0  }
0x80: {  	[tilespmem:$0x3720] =	vst v0  }
0x81: {  	[tilespmem:$0x3730] =	vst v0  }
0x82: {  	[tilespmem:$0x3740] =	vst v0  }
0x83: {  	[tilespmem:$0x3750] =	vst v0  }
0x84: {  	[tilespmem:$0x3760] =	vst v0  }
0x85: {  	[tilespmem:$0x3770] =	vst v0  }
0x86: {  	[tilespmem:$0x3780] =	vst v0  }
0x87: {  	[tilespmem:$0x3790] =	vst v0  }
0x88: {  	[tilespmem:$0x37A0] =	vst v0  }
0x89: {  	[tilespmem:$0x37B0] =	vst v0  }
0x8a: {  	[tilespmem:$0x37C0] =	vst v0  }
0x8b: {  	[tilespmem:$0x37D0] =	vst v0  }
0x8c: {  	[tilespmem:$0x37E0] =	vst v0  }
0x8d: {  	[tilespmem:$0x37F0] =	vst v0  }
0x8e: {  	[tilespmem:$0x3800] =	vst v0  }
0x8f: {  	[tilespmem:$0x3810] =	vst v0  }
0x90: {  	[tilespmem:$0x3820] =	vst v0  }
0x91: {  	[tilespmem:$0x3830] =	vst v0  }
0x92: {  	[tilespmem:$0x3840] =	vst v0  }
0x93: {  	[tilespmem:$0x3850] =	vst v0  }
0x94: {  	[tilespmem:$0x3860] =	vst v0  }
0x95: {  	[tilespmem:$0x3870] =	vst v0  }
0x96: {  	[tilespmem:$0x3880] =	vst v0  }
0x97: {  	[tilespmem:$0x3890] =	vst v0  }
0x98: {  	[tilespmem:$0x38A0] =	vst v0  }
0x99: {  	[tilespmem:$0x38B0] =	vst v0  }
0x9a: {  	[tilespmem:$0x38C0] =	vst v0  }
0x9b: {  	[tilespmem:$0x38D0] =	vst v0  }
0x9c: {  	[tilespmem:$0x38E0] =	vst v0  }
0x9d: {  	[tilespmem:$0x38F0] =	vst v0  }
0x9e: {  	[tilespmem:$0x3900] =	vst v0  }
0x9f: {  	[tilespmem:$0x3910] =	vst v0  }
0xa0: {  	[tilespmem:$0x3920] =	vst v0  }
0xa1: {  	[tilespmem:$0x3930] =	vst v0  }
0xa2: {  	[tilespmem:$0x3940] =	vst v0  }
0xa3: {  	[tilespmem:$0x3950] =	vst v0  }
0xa4: {  	[tilespmem:$0x3960] =	vst v0  }
0xa5: {  	[tilespmem:$0x3970] =	vst v0  }
0xa6: {  	[tilespmem:$0x3980] =	vst v0  }
0xa7: {  	[tilespmem:$0x3990] =	vst v0  }
0xa8: {  	[tilespmem:$0x39A0] =	vst v0  }
0xa9: {  	[tilespmem:$0x39B0] =	vst v0  }
0xaa: {  	[tilespmem:$0x39C0] =	vst v0  }
0xab: {  	[tilespmem:$0x39D0] =	vst v0  }
0xac: {  	[tilespmem:$0x39E0] =	vst v0  }
0xad: {  	[tilespmem:$0x39F0] =	vst v0  }
0xae: {  	[tilespmem:$0x3A00] =	vst v0  }
0xaf: {  	[tilespmem:$0x3A10] =	vst v0  }
0xb0: {  	[tilespmem:$0x3A20] =	vst v0  }
0xb1: {  	[tilespmem:$0x3A30] =	vst v0  }
0xb2: {  	[tilespmem:$0x3A40] =	vst v0  }
0xb3: {  	[tilespmem:$0x3A50] =	vst v0  }
0xb4: {  	[tilespmem:$0x3A60] =	vst v0  }
0xb5: {  	[tilespmem:$0x3A70] =	vst v0  }
0xb6: {  	[tilespmem:$0x3A80] =	vst v0  }
0xb7: {  	[tilespmem:$0x3A90] =	vst v0  }
0xb8: {  	[tilespmem:$0x3AA0] =	vst v0  }
0xb9: {  	[tilespmem:$0x3AB0] =	vst v0  }
0xba: {  	[tilespmem:$0x3AC0] =	vst v0  }
0xbb: {  	[tilespmem:$0x3AD0] =	vst v0  }
0xbc: {  	[tilespmem:$0x3AE0] =	vst v0  }
0xbd: {  	[tilespmem:$0x3AF0] =	vst v0  }
0xbe: {  	[tilespmem:$0x3B00] =	vst v0  }
0xbf: {  	[tilespmem:$0x3B10] =	vst v0  }
0xc0: {  	[tilespmem:$0x3B20] =	vst v0  }
0xc1: {  	[tilespmem:$0x3B30] =	vst v0  }
0xc2: {  	[tilespmem:$0x3B40] =	vst v0  }
0xc3: {  	[tilespmem:$0x3B50] =	vst v0  }
0xc4: {  	[tilespmem:$0x3B60] =	vst v0  }
0xc5: {  	[tilespmem:$0x3B70] =	vst v0  }
0xc6: {  	[tilespmem:$0x3B80] =	vst v0  }
0xc7: {  	[tilespmem:$0x3B90] =	vst v0  }
0xc8: {  	[tilespmem:$0x3BA0] =	vst v0  }
0xc9: {  	[tilespmem:$0x3BB0] =	vst v0  }
0xca: {  	[tilespmem:$0x3BC0] =	vst v0  }
0xcb: {  	[tilespmem:$0x3BD0] =	vst v0  }
0xcc: {  	[tilespmem:$0x3BE0] =	vst v0  }
0xcd: {  	[tilespmem:$0x3BF0] =	vst v0  }
0xce: {  	[tilespmem:$0x3C00] =	vst v0  }
0xcf: {  	[tilespmem:$0x3C10] =	vst v0  }
0xd0: {  	[tilespmem:$0x3C20] =	vst v0  }
0xd1: {  	[tilespmem:$0x3C30] =	vst v0  }
0xd2: {  	[tilespmem:$0x3C40] =	vst v0  }
0xd3: {  	[tilespmem:$0x3C50] =	vst v0  }
0xd4: {  	[tilespmem:$0x3C60] =	vst v0  }
0xd5: {  	[tilespmem:$0x3C70] =	vst v0  }
0xd6: {  	[tilespmem:$0x3C80] =	vst v0  }
0xd7: {  	[tilespmem:$0x3C90] =	vst v0  }
0xd8: {  	[tilespmem:$0x3CA0] =	vst v0  }
0xd9: {  	[tilespmem:$0x3CB0] =	vst v0  }
0xda: {  	[tilespmem:$0x3CC0] =	vst v0  }
0xdb: {  	[tilespmem:$0x3CD0] =	vst v0  }
0xdc: {  	[tilespmem:$0x3CE0] =	vst v0  }
0xdd: {  	[tilespmem:$0x3CF0] =	vst v0  }
0xde: {  	[tilespmem:$0x3D00] =	vst v0  }
0xdf: {  	[tilespmem:$0x3D10] =	vst v0  }
0xe0: {  	[tilespmem:$0x3D20] =	vst v0  }
0xe1: {  	[tilespmem:$0x3D30] =	vst v0  }
0xe2: {  	[tilespmem:$0x3D40] =	vst v0  }
0xe3: {  	[tilespmem:$0x3D50] =	vst v0  }
0xe4: {  	[tilespmem:$0x3D60] =	vst v0  }
0xe5: {  	[tilespmem:$0x3D70] =	vst v0  }
0xe6: {  	[tilespmem:$0x3D80] =	vst v0  }
0xe7: {  	[tilespmem:$0x3D90] =	vst v0  }
0xe8: {  	[tilespmem:$0x3DA0] =	vst v0  }
0xe9: {  	[tilespmem:$0x3DB0] =	vst v0  }
0xea: {  	[tilespmem:$0x3DC0] =	vst v0  }
0xeb: {  	[tilespmem:$0x3DD0] =	vst v0  }
0xec: {  	[tilespmem:$0x3DE0] =	vst v0  }
0xed: {  	[tilespmem:$0x3DF0] =	vst v0  }
0xee: {  	[tilespmem:$0x3E00] =	vst v0  }
0xef: {  	[tilespmem:$0x3E10] =	vst v0  }
0xf0: {  	[tilespmem:$0x3E20] =	vst v0  }
0xf1: {  	[tilespmem:$0x3E30] =	vst v0  }
0xf2: {  	[tilespmem:$0x3E40] =	vst v0  }
0xf3: {  	[tilespmem:$0x3E50] =	vst v0  }
0xf4: {  	[tilespmem:$0x3E60] =	vst v0  }
0xf5: {  	[tilespmem:$0x3E70] =	vst v0  }
0xf6: {  	[tilespmem:$0x3E80] =	vst v0  }
0xf7: {  	[tilespmem:$0x3E90] =	vst v0  }
0xf8: {  	[tilespmem:$0x3EA0] =	vst v0  }
0xf9: {  	[tilespmem:$0x3EB0] =	vst v0  }
0xfa: {  	[tilespmem:$0x3EC0] =	vst v0  }
0xfb: {  	[tilespmem:$0x3ED0] =	vst v0  }
0xfc: {  	[tilespmem:$0x3EE0] =	vst v0  }
0xfd: {  	[tilespmem:$0x3EF0] =	vst v0  }
0xfe: {  	[tilespmem:$0x3F00] =	vst v0  }
0xff: {  	[tilespmem:$0x3F10] =	vst v0  }
0x100: {  	[tilespmem:$0x3F20] =	vst v0  }
0x101: {  	[tilespmem:$0x3F30] =	vst v0  }
0x102: {  	[tilespmem:$0x3F40] =	vst v0  }
0x103: {  	[tilespmem:$0x3F50] =	vst v0  }
0x104: {  	[tilespmem:$0x3F60] =	vst v0  }
0x105: {  	[tilespmem:$0x3F70] =	vst v0  }
0x106: {  	[tilespmem:$0x3F80] =	vst v0  }
0x107: {  	[tilespmem:$0x3F90] =	vst v0  }
0x108: {  	[tilespmem:$0x3FA0] =	vst v0  }
0x109: {  	[tilespmem:$0x3FB0] =	vst v0  }
0x10a: {  	[tilespmem:$0x3FC0] =	vst v0  }
0x10b: {  	[tilespmem:$0x3FD0] =	vst v0  }
0x10c: {  	[tilespmem:$0x3FE0] =	vst v0  }
0x10d: {  	[tilespmem:$0x3FF0] =	vst v0  }
0x10e: {  	[tilespmem:$0x4000] =	vst v0  }
0x10f: {  	[tilespmem:$0x4010] =	vst v0  }
0x110: {  	[tilespmem:$0x4020] =	vst v0  }
0x111: {  	[tilespmem:$0x4030] =	vst v0  }
0x112: {  	[tilespmem:$0x4040] =	vst v0  }
0x113: {  	[tilespmem:$0x4050] =	vst v0  }
0x114: {  	[tilespmem:$0x4060] =	vst v0  }
0x115: {  	[tilespmem:$0x4070] =	vst v0  }
0x116: {  	[tilespmem:$0x4080] =	vst v0  }
0x117: {  	[tilespmem:$0x4090] =	vst v0  }
0x118: {  	[tilespmem:$0x40A0] =	vst v0  }
0x119: {  	[tilespmem:$0x40B0] =	vst v0  }
0x11a: {  	[tilespmem:$0x40C0] =	vst v0  }
0x11b: {  	[tilespmem:$0x40D0] =	vst v0  }
0x11c: {  	[tilespmem:$0x40E0] =	vst v0  }
0x11d: {  	[tilespmem:$0x40F0] =	vst v0  }
0x11e: {  	[tilespmem:$0x4100] =	vst v0  }
0x11f: {  	[tilespmem:$0x4110] =	vst v0  }
0x120: {  	[tilespmem:$0x4120] =	vst v0  }
0x121: {  	[tilespmem:$0x4130] =	vst v0  }
0x122: {  	[tilespmem:$0x4140] =	vst v0  }
0x123: {  	[tilespmem:$0x4150] =	vst v0  }
0x124: {  	[tilespmem:$0x4160] =	vst v0  }
0x125: {  	s21 =	simm.s32 $0x0;
	[tilespmem:$0x4170] =	vst v0  }
.LBB2_2:
0x126: {  	s22 =	sshll.u32 s21, $0x4  }
0x127: {  	v2 =	vld [tilespmem:s22+$0x3000]  }
0x128: {  	v3 =	vld [tilespmem:s22+$0x3080]  }
0x129: {  	v0 =	vld [tilespmem:s22+$0x3100];
	_ =	sdelay $0x3  }
0x12a: {  	v4 =	vbroadcast v2, $0x0;
	v5 =	vbroadcast v3, $0x0  }
0x12b: {  	v6 =	vbroadcast v0, $0x0;
	v7 =	vbroadcast v2, $0x1  }
0x12c: {  	v8 =	vbroadcast v3, $0x1;
	v9 =	vbroadcast v0, $0x1  }
0x12d: {  	v10 =	vbroadcast v2, $0x2;
	v11 =	vbroadcast v3, $0x2  }
0x12e: {  	v28 =	vimm.f32 $3.000000010e+38;
	v12 =	vbroadcast v0, $0x2;
	v13 =	vbroadcast v2, $0x3  }
0x12f: {  	v29 =	vimm.f32 $3.000000010e+38;
	v14 =	vbroadcast v3, $0x3;
	v15 =	vbroadcast v0, $0x3  }
0x130: {  	v30 =	vimm.f32 $3.000000010e+38;
	v16 =	vbroadcast v2, $0x4;
	v17 =	vbroadcast v3, $0x4  }
0x131: {  	v31 =	vimm.f32 $3.000000010e+38;
	v18 =	vbroadcast v0, $0x4;
	v19 =	vbroadcast v2, $0x5  }
0x132: {  	v32 =	vimm.f32 $3.000000010e+38;
	v20 =	vbroadcast v3, $0x5;
	v21 =	vbroadcast v0, $0x5  }
0x133: {  	v33 =	vimm.f32 $3.000000010e+38;
	v22 =	vbroadcast v2, $0x6;
	v23 =	vbroadcast v3, $0x6  }
0x134: {  	s23 =	simm.s32 $0x31A0;
	s24 =	simm.s32 $0x2020;
	v34 =	vimm.f32 $3.000000010e+38;
	v24 =	vbroadcast v0, $0x6;
	v25 =	vbroadcast v2, $0x7  }
0x135: {  	s25 =	simm.s32 $0x1020;
	s26 =	simm.s32 $0x20;
	v35 =	vimm.f32 $3.000000010e+38;
	s22 =	simm.s32 $0xFFFFFFFC;
	v26 =	vbroadcast v3, $0x7;
	[tilespmem:$0x1FFF0] =	vst v0;
	v27 =	vbroadcast v0, $0x7  }
.LBB2_3:
0x136: {  	v40 =	vld [tilespmem:s26+$0xFFFFFFE0]  }
0x137: {  	v41 =	vld [tilespmem:s25+$0xFFFFFFE0]  }
0x138: {  	v42 =	vld [tilespmem:s24+$0xFFFFFFE0];
	_ =	sdelay $0x3  }
0x139: {  	v36 =	vsub.f32 v4, v40;
	v37 =	vsub.f32 v5, v41  }
0x13a: {  	v38 =	vsub.f32 v6, v42;
	v39 =	vsub.f32 v7, v40  }
0x13b: {  	v43 =	vsub.f32 v8, v41;
	v63 =	vsub.f32 v10, v40  }
0x13c: {  	v44 =	vsub.f32 v11, v41;
	v48 =	vsub.f32 v9, v42  }
0x13d: {  	v51 =	vsub.f32 v13, v40;
	v45 =	vsub.f32 v14, v41  }
0x13e: {  	v46 =	vsub.f32 v12, v42;
	v52 =	vsub.f32 v15, v42  }
0x13f: {  	v47 =	vsub.f32 v16, v40;
	v36 =	vmul.f32 v36, v36;
	v37 =	vmul.f32 v37, v37  }
0x140: {  	v55 =	vsub.f32 v18, v42;
	v60 =	vmul.f32 v38, v38;
	v61 =	vmul.f32 v39, v39  }
0x141: {  	v57 =	vsub.f32 v19, v40;
	v62 =	vmul.f32 v43, v43;
	v49 =	vmul.f32 v63, v63  }
0x142: {  	v58 =	vsub.f32 v20, v41;
	v50 =	vmul.f32 v44, v44;
	v44 =	vmul.f32 v51, v51  }
0x143: {  	v59 =	vsub.f32 v21, v42;
	v45 =	vmul.f32 v45, v45;
	v46 =	vmul.f32 v46, v46  }
0x144: {  	v43 =	vmul.f32 v52, v52;
	v36 =	vadd.f32 v37, v36;
	v38 =	vadd.f32 v62, v61  }
0x145: {  	v37 =	vmul.f32 v48, v48;
	v39 =	vadd.f32 v50, v49;
	v48 =	vsub.f32 v17, v41  }
0x146: {  	v53 =	vmul.f32 v47, v47;
	v44 =	vadd.f32 v45, v44;
	v49 =	vsub.f32 v23, v41  }
0x147: {  	v45 =	vmul.f32 v57, v57;
	v41 =	vsub.f32 v26, v41;
	v36 =	vadd.f32 v60, v36  }
0x148: {  	v61 =	vmul.f32 v59, v59;
	v37 =	vadd.f32 v37, v38;
	v38 =	vadd.f32 v46, v39  }
0x149: {  	v54 =	vmul.f32 v48, v48;
	v39 =	vadd.f32 v43, v44;
	v43 =	vmul.f32 v55, v55  }
0x14a: {  	v60 =	vsub.f32 v22, v40;
	v46 =	vmul.f32 v58, v58;
	v40 =	vsub.f32 v25, v40  }
0x14b: {  	v50 =	vsub.f32 v24, v42;
	v49 =	vmul.f32 v49, v49;
	v41 =	vmul.f32 v41, v41  }
0x14c: {  	v42 =	vsub.f32 v27, v42;
	v48 =	vmul.f32 v60, v60;
	v40 =	vmul.f32 v40, v40  }
0x14d: {  	v63 =	vmul.f32 v50, v50;
	v56 =	vadd.f32 v54, v53;
	v45 =	vadd.f32 v46, v45  }
0x14e: {  	v52 =	vmul.f32 v42, v42;
	v62 =	vadd.f32 v49, v48;
	v40 =	vadd.f32 v41, v40  }
0x14f: {  	v43 =	vadd.f32 v43, v56;
	v42 =	vadd.f32 v61, v45  }
0x150: {  	v53 =	vld [tilespmem:s23+$0xFFFFFFE0];
	v41 =	vadd.f32 v63, v62;
	v40 =	vadd.f32 v52, v40  }
0x151: {  	v54 =	vmin.f32 v36, v37  }
0x152: {  	v55 =	vmin.f32 v38, v39;
	v56 =	vmin.f32 v43, v42;
	v48 =	vmin.f32 v41, v40  }
0x153: {  	v45 =	vmin.f32 v54, v55;
	v57 =	vmin.f32 v56, v48  }
0x154: {  	v45 =	vmin.f32 v45, v57  }
0x155: {  	v44 =	vmin.f32 v53, v45  }
0x156: {  	[tilespmem:s23+$0xFFFFFFE0] =	vst v44  }
0x157: {  	v47 =	vld [tilespmem:s26+$0xFFFFFFF0]  }
0x158: {  	v48 =	vld [tilespmem:s25+$0xFFFFFFF0]  }
0x159: {  	v50 =	vld [tilespmem:s24+$0xFFFFFFF0];
	_ =	sdelay $0x3  }
0x15a: {  	v58 =	vsub.f32 v4, v47;
	v59 =	vsub.f32 v5, v48  }
0x15b: {  	v60 =	vsub.f32 v6, v50;
	v61 =	vsub.f32 v7, v47  }
0x15c: {  	v51 =	vsub.f32 v8, v48;
	v57 =	vsub.f32 v10, v47  }
0x15d: {  	v52 =	vsub.f32 v11, v48;
	v53 =	vsub.f32 v14, v48;
	v44 =	vmul.f32 v58, v58  }
0x15e: {  	v54 =	vsub.f32 v12, v50;
	v45 =	vmul.f32 v59, v59;
	v62 =	vmul.f32 v60, v60  }
0x15f: {  	v55 =	vsub.f32 v15, v50;
	v63 =	vmul.f32 v61, v61;
	v56 =	vmul.f32 v51, v51  }
0x160: {  	v58 =	vsub.f32 v9, v50;
	v59 =	vmul.f32 v57, v57;
	v60 =	vmul.f32 v52, v52  }
0x161: {  	v61 =	vsub.f32 v13, v47;
	v53 =	vmul.f32 v53, v53;
	v57 =	vsub.f32 v17, v48  }
0x162: {  	v54 =	vmul.f32 v54, v54;
	v44 =	vadd.f32 v45, v44;
	v46 =	vadd.f32 v56, v63  }
0x163: {  	v45 =	vmul.f32 v58, v58;
	v51 =	vadd.f32 v60, v59;
	v56 =	vsub.f32 v16, v47  }
0x164: {  	v52 =	vmul.f32 v61, v61;
	v58 =	vsub.f32 v18, v50;
	v59 =	vsub.f32 v19, v47  }
0x165: {  	v63 =	vmul.f32 v55, v55;
	v60 =	vsub.f32 v20, v48;
	v61 =	vsub.f32 v21, v50  }
0x166: {  	v57 =	vmul.f32 v57, v57;
	v44 =	vadd.f32 v62, v44;
	v62 =	vadd.f32 v53, v52  }
0x167: {  	v49 =	vadd.f32 v45, v46;
	v45 =	vadd.f32 v54, v51;
	v56 =	vmul.f32 v56, v56  }
0x168: {  	v52 =	vmul.f32 v58, v58;
	v58 =	vsub.f32 v24, v50;
	v46 =	vadd.f32 v63, v62  }
0x169: {  	v53 =	vmul.f32 v59, v59;
	v62 =	vsub.f32 v22, v47;
	v63 =	vsub.f32 v23, v48  }
0x16a: {  	v54 =	vmul.f32 v60, v60;
	v47 =	vsub.f32 v25, v47;
	v48 =	vsub.f32 v26, v48  }
0x16b: {  	v51 =	vadd.f32 v57, v56;
	v56 =	vmul.f32 v62, v62;
	v57 =	vmul.f32 v63, v63  }
0x16c: {  	v50 =	vsub.f32 v27, v50;
	v47 =	vmul.f32 v47, v47;
	v48 =	vmul.f32 v48, v48  }
0x16d: {  	v60 =	vmul.f32 v61, v61;
	v53 =	vadd.f32 v54, v53;
	v62 =	vmul.f32 v58, v58  }
0x16e: {  	v63 =	vmul.f32 v50, v50;
	v61 =	vadd.f32 v57, v56;
	v47 =	vadd.f32 v48, v47  }
0x16f: {  	v51 =	vadd.f32 v52, v51;
	v50 =	vadd.f32 v60, v53  }
0x170: {  	v60 =	vld [tilespmem:s23+$0xFFFFFFF0];
	v48 =	vadd.f32 v62, v61;
	v47 =	vadd.f32 v63, v47  }
0x171: {  	v61 =	vmin.f32 v44, v49  }
0x172: {  	v62 =	vmin.f32 v45, v46;
	v63 =	vmin.f32 v51, v50;
	v56 =	vmin.f32 v48, v47  }
0x173: {  	v53 =	vmin.f32 v61, v62;
	v58 =	vmin.f32 v63, v56  }
0x174: {  	v53 =	vmin.f32 v53, v58  }
0x175: {  	v52 =	vmin.f32 v60, v53  }
0x176: {  	[tilespmem:s23+$0xFFFFFFF0] =	vst v52  }
0x177: {  	v56 =	vld [tilespmem:s26+$0x0]  }
0x178: {  	v57 =	vld [tilespmem:s25+$0x0];
	_ =	sdelay $0x2  }
0x179: {  	v58 =	vld [tilespmem:s24+$0x0]  }
0x17a: {  	v59 =	vsub.f32 v4, v56  }
0x17b: {  	v60 =	vsub.f32 v5, v57;
	v61 =	vsub.f32 v7, v56  }
0x17c: {  	v62 =	vsub.f32 v8, v57;
	v63 =	vsub.f32 v19, v56;
	v52 =	vmul.f32 v59, v59  }
0x17d: {  	v0 =	vsub.f32 v20, v57;
	v53 =	vmul.f32 v60, v60;
	v54 =	vmul.f32 v61, v61  }
0x17e: {  	v55 =	vmul.f32 v62, v62;
	v59 =	vsub.f32 v6, v58;
	v60 =	vsub.f32 v11, v57  }
0x17f: {  	v52 =	vadd.f32 v53, v52;
	v53 =	vsub.f32 v9, v58  }
0x180: {  	v54 =	vadd.f32 v55, v54;
	v55 =	vmul.f32 v59, v59;
	v59 =	vsub.f32 v10, v56  }
0x181: {  	v61 =	vsub.f32 v13, v56;
	v62 =	vsub.f32 v14, v57  }
0x182: {  	v53 =	vmul.f32 v53, v53;
	v52 =	vadd.f32 v55, v52;
	v55 =	vmul.f32 v59, v59  }
0x183: {  	v59 =	vmul.f32 v60, v60;
	v60 =	vmul.f32 v62, v62;
	v62 =	vsub.f32 v17, v57  }
0x184: {  	v53 =	vadd.f32 v53, v54;
	v54 =	vmul.f32 v61, v61;
	v61 =	vsub.f32 v12, v58  }
0x185: {  	v55 =	vadd.f32 v59, v55;
	v59 =	vsub.f32 v15, v58  }
0x186: {  	v60 =	vadd.f32 v60, v54;
	v54 =	vmul.f32 v61, v61;
	v61 =	vsub.f32 v16, v56  }
0x187: {  	v1 =	vsub.f32 v24, v58;
	v0 =	vmul.f32 v0, v0;
	v59 =	vmul.f32 v59, v59  }
0x188: {  	v62 =	vmul.f32 v62, v62;
	v54 =	vadd.f32 v54, v55;
	v61 =	vmul.f32 v61, v61  }
0x189: {  	v55 =	vadd.f32 v59, v60;
	v59 =	vmul.f32 v63, v63;
	v60 =	vsub.f32 v18, v58  }
0x18a: {  	v63 =	vsub.f32 v23, v57;
	v57 =	vsub.f32 v26, v57  }
0x18b: {  	v61 =	vadd.f32 v62, v61;
	v0 =	vadd.f32 v0, v59  }
0x18c: {  	v1 =	vmul.f32 v1, v1;
	v59 =	vsub.f32 v22, v56;
	v56 =	vsub.f32 v25, v56  }
0x18d: {  	v62 =	vsub.f32 v21, v58;
	v63 =	vmul.f32 v63, v63;
	v57 =	vmul.f32 v57, v57  }
0x18e: {  	v58 =	vsub.f32 v27, v58;
	v59 =	vmul.f32 v59, v59;
	v56 =	vmul.f32 v56, v56  }
0x18f: {  	v60 =	vmul.f32 v60, v60;
	v62 =	vmul.f32 v62, v62  }
0x190: {  	v59 =	vadd.f32 v63, v59;
	v56 =	vadd.f32 v57, v56;
	v63 =	vmul.f32 v58, v58  }
0x191: {  	v58 =	vadd.f32 v60, v61;
	v0 =	vadd.f32 v62, v0  }
0x192: {  	v57 =	vld [tilespmem:s23+$0x0];
	v1 =	vadd.f32 v1, v59;
	v56 =	vadd.f32 v63, v56  }
0x193: {  	v60 =	vmin.f32 v54, v55  }
0x194: {  	v59 =	vmin.f32 v52, v53;
	v61 =	vmin.f32 v58, v0;
	v62 =	vmin.f32 v1, v56  }
0x195: {  	v59 =	vmin.f32 v59, v60;
	v60 =	vmin.f32 v61, v62  }
0x196: {  	v59 =	vmin.f32 v59, v60  }
0x197: {  	v57 =	vmin.f32 v57, v59  }
0x198: {  	[tilespmem:s23+$0x0] =	vst v57  }
0x199: {  	v57 =	vld [tilespmem:s26+$0x10]  }
0x19a: {  	v35 =	vmin.f32 v35, v36;
	v34 =	vmin.f32 v34, v37;
	v59 =	vld [tilespmem:s25+$0x10]  }
0x19b: {  	v33 =	vmin.f32 v33, v38;
	v32 =	vmin.f32 v32, v39;
	v31 =	vmin.f32 v31, v43  }
0x19c: {  	v30 =	vmin.f32 v30, v42;
	v29 =	vmin.f32 v29, v41;
	v28 =	vmin.f32 v28, v40;
	v36 =	vld [tilespmem:s24+$0x10]  }
0x19d: {  	v35 =	vmin.f32 v35, v44;
	v34 =	vmin.f32 v34, v49;
	v33 =	vmin.f32 v33, v45  }
0x19e: {  	v32 =	vmin.f32 v32, v46;
	v31 =	vmin.f32 v31, v51;
	v30 =	vmin.f32 v30, v50  }
0x19f: {  	v29 =	vmin.f32 v29, v48;
	v37 =	vsub.f32 v4, v57;
	v38 =	vsub.f32 v5, v59  }
0x1a0: {  	v28 =	vmin.f32 v28, v47;
	v39 =	vsub.f32 v7, v57;
	v60 =	vsub.f32 v8, v59  }
0x1a1: {  	v35 =	vmin.f32 v35, v52;
	v63 =	vsub.f32 v6, v36;
	v41 =	vsub.f32 v10, v57  }
0x1a2: {  	v34 =	vmin.f32 v34, v53;
	v42 =	vsub.f32 v11, v59;
	v43 =	vsub.f32 v13, v57  }
0x1a3: {  	v44 =	vsub.f32 v17, v59;
	v37 =	vmul.f32 v37, v37;
	v38 =	vmul.f32 v38, v38  }
0x1a4: {  	v49 =	vsub.f32 v19, v57;
	v62 =	vmul.f32 v60, v60;
	v60 =	vsub.f32 v9, v36  }
0x1a5: {  	v39 =	vmul.f32 v39, v39;
	v40 =	vmul.f32 v63, v63;
	v37 =	vadd.f32 v38, v37  }
0x1a6: {  	v45 =	vsub.f32 v21, v36;
	v38 =	vmul.f32 v60, v60;
	v60 =	vsub.f32 v14, v59  }
0x1a7: {  	v61 =	vmul.f32 v42, v42;
	v39 =	vadd.f32 v62, v39;
	v37 =	vadd.f32 v40, v37  }
0x1a8: {  	v40 =	vmul.f32 v41, v41;
	v63 =	vmul.f32 v60, v60;
	v60 =	vsub.f32 v12, v36  }
0x1a9: {  	v62 =	vmul.f32 v43, v43;
	v43 =	vsub.f32 v16, v57;
	v38 =	vadd.f32 v38, v39  }
0x1aa: {  	v40 =	vadd.f32 v61, v40;
	v61 =	vsub.f32 v15, v36;
	v42 =	vmul.f32 v60, v60  }
0x1ab: {  	v39 =	vadd.f32 v63, v62;
	v62 =	vmul.f32 v43, v43;
	v63 =	vmul.f32 v44, v44  }
0x1ac: {  	v49 =	vmul.f32 v49, v49;
	v60 =	vsub.f32 v20, v59;
	v43 =	vsub.f32 v18, v36  }
0x1ad: {  	v41 =	vmul.f32 v61, v61;
	v40 =	vadd.f32 v42, v40;
	v42 =	vadd.f32 v63, v62  }
0x1ae: {  	v61 =	vmul.f32 v60, v60;
	v62 =	vsub.f32 v22, v57;
	v63 =	vsub.f32 v23, v59  }
0x1af: {  	v33 =	vmin.f32 v33, v54;
	v57 =	vsub.f32 v25, v57;
	v60 =	vsub.f32 v26, v59  }
0x1b0: {  	v32 =	vmin.f32 v32, v55;
	v39 =	vadd.f32 v41, v39;
	v41 =	vadd.f32 v61, v49  }
0x1b1: {  	v61 =	vsub.f32 v24, v36;
	v44 =	vmul.f32 v62, v62;
	v46 =	vmul.f32 v63, v63  }
0x1b2: {  	v36 =	vsub.f32 v27, v36;
	v49 =	vmul.f32 v57, v57;
	v50 =	vmul.f32 v60, v60  }
0x1b3: {  	v45 =	vmul.f32 v45, v45;
	v43 =	vmul.f32 v43, v43;
	v44 =	vadd.f32 v46, v44  }
0x1b4: {  	v62 =	vadd.f32 v50, v49;
	v63 =	vmul.f32 v61, v61;
	v36 =	vmul.f32 v36, v36  }
0x1b5: {  	v31 =	vmin.f32 v31, v58;
	v42 =	vadd.f32 v43, v42;
	v41 =	vadd.f32 v45, v41  }
0x1b6: {  	s22 =	sadd.s32 $0x4, s22;
	v0 =	vmin.f32 v30, v0;
	v57 =	vld [tilespmem:s23+$0x10];
	v43 =	vadd.f32 v63, v44;
	v36 =	vadd.f32 v36, v62  }
0x1b7: {  	p0 =	slt.u32 s22, $0xFC;
	v1 =	vmin.f32 v29, v1;
	v28 =	vmin.f32 v28, v56;
	v59 =	vmin.f32 v37, v38  }
.Ltmp0:
0x1b8: {  	v60 =	vmin.f32 v40, v39;
	v61 =	vmin.f32 v42, v41;
	v62 =	vmin.f32 v43, v36;
	(pc) =	sbr.rel @p0 .LBB2_3-.Ltmp0, $4  }
0x1b9: {  	v35 =	vmin.f32 v35, v37;
	v45 =	vmin.f32 v59, v60;
	v63 =	vmin.f32 v61, v62  }
0x1ba: {  	v34 =	vmin.f32 v34, v38;
	v33 =	vmin.f32 v33, v40;
	v45 =	vmin.f32 v45, v63  }
0x1bb: {  	s24 =	sadd.s32 $0x40, s24;
	v32 =	vmin.f32 v32, v39;
	v31 =	vmin.f32 v31, v42;
	v29 =	vmin.f32 v57, v45  }
0x1bc: {  	s25 =	sadd.s32 $0x40, s25;
	s26 =	sadd.s32 $0x40, s26;
	v30 =	vmin.f32 v0, v41;
	v28 =	vmin.f32 v28, v36;
	[tilespmem:s23+$0x10] =	vst v29;
	s23 =	sadd.s32 $0x40, s23;
	v29 =	vmin.f32 v1, v43  }
0x1bd: {  	v4 =	vbroadcast v2, $0x8;
	v5 =	vbroadcast v3, $0x8  }
0x1be: {  	v7 =	vbroadcast v2, $0x9;
	v8 =	vbroadcast v3, $0x9  }
0x1bf: {  	v10 =	vbroadcast v2, $0xA;
	v11 =	vbroadcast v3, $0xA  }
0x1c0: {  	s22 =	sshll.u32 s21, $0x8;
	v13 =	vbroadcast v2, $0xB;
	v14 =	vbroadcast v3, $0xB  }
0x1c1: {  	v0 =	vld [tilespmem:$0x1FFF0];
	v16 =	vbroadcast v2, $0xC;
	v17 =	vbroadcast v3, $0xC;
	s22 =	sand.u32 $0x3FFFFF00, s22  }
0x1c2: {  	v19 =	vbroadcast v2, $0xD;
	v20 =	vbroadcast v3, $0xD;
	[tilespmem:s22+$0x4180] =	vst v35  }
0x1c3: {  	v22 =	vbroadcast v2, $0xE;
	v23 =	vbroadcast v3, $0xE;
	[tilespmem:s22+$0x4190] =	vst v34  }
0x1c4: {  	v2 =	vbroadcast v2, $0xF;
	v3 =	vbroadcast v3, $0xF;
	v25 =	vimm.f32 $3.000000010e+38;
	[tilespmem:s22+$0x41A0] =	vst v33  }
0x1c5: {  	v26 =	vimm.f32 $3.000000010e+38;
	v27 =	vimm.f32 $3.000000010e+38;
	[tilespmem:s22+$0x41E0] =	vst v29;
	v29 =	vimm.f32 $3.000000010e+38  }
0x1c6: {  	s23 =	simm.s32 $0xFFFFFFFC;
	[tilespmem:s22+$0x41D0] =	vst v30;
	v30 =	vimm.f32 $3.000000010e+38;
	v6 =	vbroadcast v0, $0x8;
	v9 =	vbroadcast v0, $0x9  }
0x1c7: {  	s24 =	simm.s32 $0x31A0;
	[tilespmem:s22+$0x41F0] =	vst v28;
	v28 =	vimm.f32 $3.000000010e+38;
	v12 =	vbroadcast v0, $0xA;
	v15 =	vbroadcast v0, $0xB  }
0x1c8: {  	s25 =	simm.s32 $0x2020;
	[tilespmem:s22+$0x41C0] =	vst v31;
	v31 =	vimm.f32 $3.000000010e+38;
	v18 =	vbroadcast v0, $0xC;
	v21 =	vbroadcast v0, $0xD  }
0x1c9: {  	s26 =	simm.s32 $0x1020;
	s28 =	simm.s32 $0x20;
	[tilespmem:s22+$0x41B0] =	vst v32;
	v32 =	vimm.f32 $3.000000010e+38;
	v24 =	vbroadcast v0, $0xE;
	v1 =	vbroadcast v0, $0xF  }
.LBB2_5:
0x1ca: {  	v0 =	vld [tilespmem:s28+$0xFFFFFFE0]  }
0x1cb: {  	v37 =	vld [tilespmem:s26+$0xFFFFFFE0]  }
0x1cc: {  	v38 =	vld [tilespmem:s25+$0xFFFFFFE0];
	_ =	sdelay $0x3  }
0x1cd: {  	v33 =	vsub.f32 v4, v0  }
0x1ce: {  	v34 =	vsub.f32 v5, v37;
	v35 =	vsub.f32 v6, v38  }
0x1cf: {  	v36 =	vsub.f32 v7, v0;
	v39 =	vsub.f32 v8, v37  }
0x1d0: {  	v50 =	vsub.f32 v10, v0;
	v40 =	vsub.f32 v11, v37  }
0x1d1: {  	v51 =	vsub.f32 v9, v38;
	v54 =	vsub.f32 v13, v0  }
0x1d2: {  	v41 =	vsub.f32 v14, v37;
	v42 =	vsub.f32 v12, v38  }
0x1d3: {  	v55 =	vsub.f32 v15, v38;
	v43 =	vsub.f32 v16, v0  }
0x1d4: {  	v44 =	vsub.f32 v17, v37;
	v58 =	vsub.f32 v18, v38  }
0x1d5: {  	v60 =	vsub.f32 v19, v0;
	v61 =	vsub.f32 v20, v37;
	v33 =	vmul.f32 v33, v33  }
0x1d6: {  	v62 =	vsub.f32 v21, v38;
	v34 =	vmul.f32 v34, v34;
	v47 =	vmul.f32 v35, v35  }
0x1d7: {  	v63 =	vsub.f32 v22, v0;
	v48 =	vmul.f32 v36, v36;
	v49 =	vmul.f32 v39, v39  }
0x1d8: {  	v45 =	vsub.f32 v23, v37;
	v52 =	vmul.f32 v50, v50;
	v53 =	vmul.f32 v40, v40  }
0x1d9: {  	v0 =	vsub.f32 v2, v0;
	v40 =	vmul.f32 v54, v54;
	v41 =	vmul.f32 v41, v41  }
0x1da: {  	v37 =	vsub.f32 v3, v37;
	v42 =	vmul.f32 v42, v42;
	v39 =	vmul.f32 v55, v55  }
0x1db: {  	v46 =	vsub.f32 v24, v38;
	v56 =	vmul.f32 v43, v43;
	v57 =	vmul.f32 v44, v44  }
0x1dc: {  	v38 =	vsub.f32 v1, v38;
	v44 =	vmul.f32 v63, v63;
	v45 =	vmul.f32 v45, v45  }
0x1dd: {  	v0 =	vmul.f32 v0, v0;
	v37 =	vmul.f32 v37, v37;
	v33 =	vadd.f32 v34, v33  }
0x1de: {  	v50 =	vmul.f32 v46, v46;
	v35 =	vadd.f32 v49, v48;
	v36 =	vadd.f32 v53, v52  }
0x1df: {  	v34 =	vmul.f32 v51, v51;
	v40 =	vadd.f32 v41, v40;
	v59 =	vadd.f32 v57, v56  }
0x1e0: {  	v41 =	vmul.f32 v60, v60;
	v48 =	vmul.f32 v62, v62;
	v49 =	vadd.f32 v45, v44  }
0x1e1: {  	v34 =	vadd.f32 v34, v35;
	v35 =	vadd.f32 v42, v36;
	v42 =	vmul.f32 v61, v61  }
0x1e2: {  	v0 =	vadd.f32 v37, v0;
	v51 =	vmul.f32 v38, v38;
	v33 =	vadd.f32 v47, v33  }
0x1e3: {  	v36 =	vadd.f32 v39, v40;
	v39 =	vmul.f32 v58, v58;
	v41 =	vadd.f32 v42, v41  }
0x1e4: {  	v38 =	vadd.f32 v50, v49;
	v37 =	vadd.f32 v51, v0  }
0x1e5: {  	v0 =	vld [tilespmem:s24+$0xFFFFFFE0];
	v40 =	vadd.f32 v39, v59;
	v39 =	vadd.f32 v48, v41  }
0x1e6: {  	v52 =	vmin.f32 v33, v34  }
0x1e7: {  	v53 =	vmin.f32 v35, v36;
	v44 =	vmin.f32 v38, v37;
	v54 =	vmin.f32 v40, v39  }
0x1e8: {  	v41 =	vmin.f32 v52, v53;
	v55 =	vmin.f32 v54, v44  }
0x1e9: {  	v41 =	vmin.f32 v41, v55  }
0x1ea: {  	v0 =	vmin.f32 v0, v41  }
0x1eb: {  	[tilespmem:s24+$0xFFFFFFE0] =	vst v0  }
0x1ec: {  	v0 =	vld [tilespmem:s28+$0xFFFFFFF0]  }
0x1ed: {  	v44 =	vld [tilespmem:s26+$0xFFFFFFF0]  }
0x1ee: {  	v45 =	vld [tilespmem:s25+$0xFFFFFFF0];
	_ =	sdelay $0x3  }
0x1ef: {  	v56 =	vsub.f32 v4, v0  }
0x1f0: {  	v57 =	vsub.f32 v5, v44;
	v58 =	vsub.f32 v6, v45  }
0x1f1: {  	v59 =	vsub.f32 v7, v0;
	v47 =	vsub.f32 v8, v44  }
0x1f2: {  	v63 =	vsub.f32 v10, v0;
	v48 =	vsub.f32 v11, v44  }
0x1f3: {  	v52 =	vsub.f32 v9, v45;
	v55 =	vsub.f32 v13, v0  }
0x1f4: {  	v49 =	vsub.f32 v14, v44;
	v41 =	vmul.f32 v56, v56;
	v42 =	vmul.f32 v57, v57  }
0x1f5: {  	v50 =	vsub.f32 v12, v45;
	v61 =	vmul.f32 v59, v59;
	v62 =	vmul.f32 v47, v47  }
0x1f6: {  	v51 =	vsub.f32 v15, v45;
	v53 =	vmul.f32 v63, v63;
	v54 =	vmul.f32 v48, v48  }
0x1f7: {  	v48 =	vmul.f32 v55, v55;
	v63 =	vsub.f32 v21, v45;
	v41 =	vadd.f32 v42, v41  }
0x1f8: {  	v49 =	vmul.f32 v49, v49;
	v43 =	vadd.f32 v62, v61;
	v47 =	vadd.f32 v54, v53  }
0x1f9: {  	v42 =	vmul.f32 v52, v52;
	v52 =	vsub.f32 v16, v0;
	v53 =	vsub.f32 v17, v44  }
0x1fa: {  	v60 =	vmul.f32 v58, v58;
	v56 =	vadd.f32 v49, v48;
	v61 =	vsub.f32 v19, v0  }
0x1fb: {  	v50 =	vmul.f32 v50, v50;
	v62 =	vsub.f32 v20, v44;
	v54 =	vsub.f32 v24, v45  }
0x1fc: {  	v57 =	vmul.f32 v51, v51;
	v41 =	vadd.f32 v60, v41;
	v46 =	vadd.f32 v42, v43  }
0x1fd: {  	v42 =	vadd.f32 v50, v47;
	v58 =	vmul.f32 v52, v52;
	v59 =	vmul.f32 v53, v53  }
0x1fe: {  	v43 =	vadd.f32 v57, v56;
	v49 =	vmul.f32 v61, v61;
	v57 =	vsub.f32 v22, v0  }
0x1ff: {  	v50 =	vmul.f32 v62, v62;
	v0 =	vsub.f32 v2, v0;
	v47 =	vadd.f32 v59, v58  }
0x200: {  	v61 =	vmul.f32 v54, v54;
	v58 =	vsub.f32 v23, v44;
	v44 =	vsub.f32 v3, v44  }
0x201: {  	v60 =	vsub.f32 v18, v45;
	v52 =	vmul.f32 v57, v57;
	v0 =	vmul.f32 v0, v0  }
0x202: {  	v45 =	vsub.f32 v1, v45;
	v53 =	vmul.f32 v58, v58;
	v44 =	vmul.f32 v44, v44  }
0x203: {  	v48 =	vmul.f32 v60, v60;
	v49 =	vadd.f32 v50, v49;
	v59 =	vmul.f32 v63, v63  }
0x204: {  	v62 =	vmul.f32 v45, v45;
	v60 =	vadd.f32 v53, v52;
	v0 =	vadd.f32 v44, v0  }
0x205: {  	v48 =	vadd.f32 v48, v47;
	v47 =	vadd.f32 v59, v49  }
0x206: {  	v45 =	vadd.f32 v61, v60;
	v44 =	vadd.f32 v62, v0;
	v0 =	vld [tilespmem:s24+$0xFFFFFFF0]  }
0x207: {  	v63 =	vmin.f32 v41, v46  }
0x208: {  	v56 =	vmin.f32 v42, v43;
	v57 =	vmin.f32 v48, v47;
	v52 =	vmin.f32 v45, v44  }
0x209: {  	v49 =	vmin.f32 v63, v56;
	v58 =	vmin.f32 v57, v52  }
0x20a: {  	v49 =	vmin.f32 v49, v58  }
0x20b: {  	v0 =	vmin.f32 v0, v49  }
0x20c: {  	[tilespmem:s24+$0xFFFFFFF0] =	vst v0  }
0x20d: {  	v0 =	vld [tilespmem:s28+$0x0]  }
0x20e: {  	v53 =	vld [tilespmem:s26+$0x0];
	_ =	sdelay $0x1  }
0x20f: {  	v54 =	vld [tilespmem:s25+$0x0];
	_ =	sdelay $0x2  }
0x210: {  	v59 =	vsub.f32 v4, v0;
	v60 =	vsub.f32 v5, v53  }
0x211: {  	v61 =	vsub.f32 v7, v0;
	v62 =	vsub.f32 v8, v53  }
0x212: {  	v55 =	vsub.f32 v6, v54;
	v63 =	vsub.f32 v9, v54  }
0x213: {  	v56 =	vsub.f32 v11, v53;
	v57 =	vsub.f32 v13, v0;
	v49 =	vmul.f32 v59, v59  }
0x214: {  	v58 =	vsub.f32 v14, v53;
	v50 =	vmul.f32 v60, v60;
	v51 =	vmul.f32 v61, v61  }
0x215: {  	v52 =	vmul.f32 v62, v62;
	v60 =	vmul.f32 v55, v55;
	v61 =	vsub.f32 v10, v0  }
0x216: {  	v62 =	vmul.f32 v56, v56;
	v59 =	vsub.f32 v19, v0;
	v49 =	vadd.f32 v50, v49  }
0x217: {  	v51 =	vadd.f32 v52, v51;
	v50 =	vmul.f32 v63, v63;
	v52 =	vmul.f32 v61, v61  }
0x218: {  	v63 =	vmul.f32 v57, v57;
	v61 =	vsub.f32 v12, v54;
	v57 =	vsub.f32 v16, v0  }
0x219: {  	v49 =	vadd.f32 v60, v49;
	v50 =	vadd.f32 v50, v51;
	v60 =	vmul.f32 v58, v58  }
0x21a: {  	v52 =	vadd.f32 v62, v52;
	v62 =	vsub.f32 v15, v54;
	v51 =	vmul.f32 v61, v61  }
0x21b: {  	v58 =	vsub.f32 v17, v53;
	v57 =	vmul.f32 v57, v57;
	v61 =	vsub.f32 v24, v54  }
0x21c: {  	v56 =	vadd.f32 v60, v63;
	v55 =	vmul.f32 v62, v62;
	v60 =	vsub.f32 v20, v53  }
0x21d: {  	v51 =	vadd.f32 v51, v52;
	v58 =	vmul.f32 v58, v58;
	v63 =	vmul.f32 v59, v59  }
0x21e: {  	v59 =	vsub.f32 v18, v54;
	v52 =	vadd.f32 v55, v56;
	v60 =	vmul.f32 v60, v60  }
0x21f: {  	v57 =	vadd.f32 v58, v57;
	v56 =	vsub.f32 v22, v0  }
0x220: {  	v55 =	vadd.f32 v60, v63;
	v60 =	vsub.f32 v23, v53  }
0x221: {  	v0 =	vsub.f32 v2, v0;
	v53 =	vsub.f32 v3, v53  }
0x222: {  	v58 =	vsub.f32 v21, v54;
	v56 =	vmul.f32 v56, v56;
	v60 =	vmul.f32 v60, v60  }
0x223: {  	v54 =	vsub.f32 v1, v54;
	v0 =	vmul.f32 v0, v0;
	v53 =	vmul.f32 v53, v53  }
0x224: {  	v59 =	vmul.f32 v59, v59;
	v58 =	vmul.f32 v58, v58;
	v56 =	vadd.f32 v60, v56  }
0x225: {  	v60 =	vmul.f32 v61, v61;
	v0 =	vadd.f32 v53, v0;
	v61 =	vmul.f32 v54, v54  }
0x226: {  	v55 =	vadd.f32 v58, v55;
	v54 =	vadd.f32 v59, v57  }
0x227: {  	v53 =	vld [tilespmem:s24+$0x0];
	v56 =	vadd.f32 v60, v56;
	v0 =	vadd.f32 v61, v0  }
0x228: {  	v58 =	vmin.f32 v51, v52  }
0x229: {  	v57 =	vmin.f32 v49, v50;
	v59 =	vmin.f32 v54, v55;
	v60 =	vmin.f32 v56, v0  }
0x22a: {  	v57 =	vmin.f32 v57, v58;
	v62 =	vmin.f32 v59, v60  }
0x22b: {  	v57 =	vmin.f32 v57, v62  }
0x22c: {  	v53 =	vmin.f32 v53, v57  }
0x22d: {  	[tilespmem:s24+$0x0] =	vst v53  }
0x22e: {  	v53 =	vld [tilespmem:s28+$0x10]  }
0x22f: {  	v32 =	vmin.f32 v32, v33;
	v31 =	vmin.f32 v31, v34;
	v57 =	vld [tilespmem:s26+$0x10]  }
0x230: {  	v28 =	vmin.f32 v28, v35;
	v30 =	vmin.f32 v30, v36;
	v26 =	vmin.f32 v26, v38  }
0x231: {  	v25 =	vmin.f32 v25, v37;
	v29 =	vmin.f32 v29, v40;
	v27 =	vmin.f32 v27, v39;
	v33 =	vld [tilespmem:s25+$0x10]  }
0x232: {  	v32 =	vmin.f32 v32, v41;
	v31 =	vmin.f32 v31, v46;
	v28 =	vmin.f32 v28, v42  }
0x233: {  	v30 =	vmin.f32 v30, v43;
	v29 =	vmin.f32 v29, v48;
	v27 =	vmin.f32 v27, v47  }
0x234: {  	v26 =	vmin.f32 v26, v45;
	v63 =	vsub.f32 v4, v53;
	v60 =	vsub.f32 v5, v57  }
0x235: {  	v25 =	vmin.f32 v25, v44;
	v61 =	vsub.f32 v7, v53;
	v62 =	vsub.f32 v8, v57  }
0x236: {  	v58 =	vsub.f32 v6, v33;
	v59 =	vsub.f32 v9, v33;
	v34 =	vmul.f32 v63, v63  }
0x237: {  	v40 =	vsub.f32 v18, v33;
	v35 =	vmul.f32 v60, v60;
	v36 =	vmul.f32 v61, v61  }
0x238: {  	v63 =	vmul.f32 v62, v62;
	v60 =	vsub.f32 v10, v53;
	v61 =	vsub.f32 v11, v57  }
0x239: {  	v37 =	vmul.f32 v58, v58;
	v62 =	vsub.f32 v13, v53;
	v58 =	vsub.f32 v12, v33  }
0x23a: {  	v32 =	vmin.f32 v32, v49;
	v34 =	vadd.f32 v35, v34;
	v36 =	vadd.f32 v63, v36  }
0x23b: {  	v35 =	vmul.f32 v59, v59;
	v63 =	vsub.f32 v14, v57;
	v60 =	vmul.f32 v60, v60  }
0x23c: {  	v61 =	vmul.f32 v61, v61;
	v62 =	vmul.f32 v62, v62;
	v59 =	vsub.f32 v15, v33  }
0x23d: {  	v39 =	vmul.f32 v58, v58;
	v58 =	vsub.f32 v22, v53;
	v34 =	vadd.f32 v37, v34  }
0x23e: {  	v35 =	vadd.f32 v35, v36;
	v63 =	vmul.f32 v63, v63;
	v37 =	vadd.f32 v61, v60  }
0x23f: {  	v31 =	vmin.f32 v31, v50;
	v60 =	vsub.f32 v16, v53;
	v61 =	vsub.f32 v17, v57  }
0x240: {  	v38 =	vmul.f32 v59, v59;
	v36 =	vadd.f32 v63, v62;
	v62 =	vsub.f32 v19, v53  }
0x241: {  	v63 =	vsub.f32 v20, v57;
	v59 =	vmul.f32 v60, v60;
	v60 =	vmul.f32 v61, v61  }
0x242: {  	v28 =	vmin.f32 v28, v51;
	v37 =	vadd.f32 v39, v37;
	v36 =	vadd.f32 v38, v36  }
0x243: {  	v61 =	vmul.f32 v62, v62;
	v62 =	vmul.f32 v63, v63;
	v39 =	vadd.f32 v60, v59  }
0x244: {  	v30 =	vmin.f32 v30, v52;
	v59 =	vsub.f32 v23, v57;
	v60 =	vsub.f32 v2, v53  }
0x245: {  	v41 =	vmul.f32 v58, v58;
	v38 =	vadd.f32 v62, v61;
	v61 =	vsub.f32 v3, v57  }
0x246: {  	v63 =	vsub.f32 v21, v33;
	v62 =	vsub.f32 v24, v33;
	v43 =	vmul.f32 v59, v59  }
0x247: {  	v33 =	vsub.f32 v1, v33;
	v46 =	vmul.f32 v60, v60;
	v47 =	vmul.f32 v61, v61  }
0x248: {  	v40 =	vmul.f32 v40, v40;
	v42 =	vmul.f32 v63, v63;
	v41 =	vadd.f32 v43, v41  }
0x249: {  	v53 =	vmul.f32 v62, v62;
	v33 =	vmul.f32 v33, v33;
	v63 =	vadd.f32 v47, v46  }
0x24a: {  	v27 =	vmin.f32 v27, v55;
	v39 =	vadd.f32 v40, v39;
	v38 =	vadd.f32 v42, v38  }
0x24b: {  	s23 =	sadd.s32 $0x4, s23;
	v29 =	vmin.f32 v29, v54;
	v58 =	vld [tilespmem:s24+$0x10];
	v57 =	vadd.f32 v53, v41;
	v33 =	vadd.f32 v33, v63  }
0x24c: {  	p0 =	slt.u32 s23, $0xFC;
	v26 =	vmin.f32 v26, v56;
	v0 =	vmin.f32 v25, v0;
	v59 =	vmin.f32 v34, v35  }
.Ltmp1:
0x24d: {  	v60 =	vmin.f32 v37, v36;
	v61 =	vmin.f32 v39, v38;
	v62 =	vmin.f32 v57, v33;
	(pc) =	sbr.rel @p0 .LBB2_5-.Ltmp1, $4  }
0x24e: {  	v32 =	vmin.f32 v32, v34;
	v42 =	vmin.f32 v59, v60;
	v63 =	vmin.f32 v61, v62  }
0x24f: {  	v31 =	vmin.f32 v31, v35;
	v28 =	vmin.f32 v28, v37;
	v42 =	vmin.f32 v42, v63  }
0x250: {  	s25 =	sadd.s32 $0x40, s25;
	v30 =	vmin.f32 v30, v36;
	v29 =	vmin.f32 v29, v39;
	v41 =	vmin.f32 v58, v42  }
0x251: {  	s26 =	sadd.s32 $0x40, s26;
	s28 =	sadd.s32 $0x40, s28;
	v27 =	vmin.f32 v27, v38;
	v26 =	vmin.f32 v26, v57;
	v25 =	vmin.f32 v0, v33;
	[tilespmem:s24+$0x10] =	vst v41;
	s24 =	sadd.s32 $0x40, s24  }
0x252: {  	[tilespmem:s22+$0x4200] =	vst v32  }
0x253: {  	[tilespmem:s22+$0x4210] =	vst v31;
	s21 =	sadd.s32 $0x1, s21  }
0x254: {  	[tilespmem:s22+$0x4220] =	vst v28;
	p0 =	sne.s32 s21, $0x8  }
.Ltmp2:
0x255: {  	[tilespmem:s22+$0x4230] =	vst v30;
	(pc) =	sbr.rel @p0 .LBB2_2-.Ltmp2, $4  }
0x256: {  	[tilespmem:s22+$0x4240] =	vst v29  }
0x257: {  	[tilespmem:s22+$0x4250] =	vst v27  }
0x258: {  	[tilespmem:s22+$0x4260] =	vst v26  }
0x259: {  	[tilespmem:s22+$0x4270] =	vst v25  }
0x25a: {  	[hbm4b:s9+s2] =	stream.linear.scatter [tilespmem:s18], [sflag:$0x1], $0x800, $0x38;
	[tilespmem:$0x4980] =	vst v63  }
0x25b: {  	s20 =	sadd.s32 $0x1, s20;
	_ =	swait.ge [sflag:s13], $0x800  }
0x25c: {  	p0 =	sne.s32 s20, s11;
	[sflag:s13] =	ssyncset.done $0x0  }
.Ltmp3:
0x25d: {  	[sflag:s13] =	ssyncadd.s32 $0xFFFFF800;
	(pc) =	sbr.rel @p0 .LBB2_1-.Ltmp3, $4  }
0x25e: {  	[hbm4b:s10+s2] =	stream.linear.scatter [tilespmem:s19], [sflag:$0x1], $0x1000, $0x38;
	[tilespmem:$0x4980] =	vst v63  }
0x25f: {  	_ =	swait.ge [sflag:s13], $0x1000  }
0x260: {  	[sflag:s13] =	ssyncset.done $0x0  }
0x261: {  	[sflag:s13] =	ssyncadd.s32 $0xFFFFF000  }
0x262: {  	_ =	sfence.sel $0x180000  }
0x263: {  	[bflag:$0x0] =	sbarrier.arrive $0xFFFF  }
0x264: {  	p0 =	sne.s32 s0, $0x0;
	_ =	strace $0x90000047  }
0x265: {  	s0 =	sadd.s32 @!p0 $0x100000, s1;
	[bflag:$0x2] =	sbarrier.arrive $0xFFFF  }
0x266: {  	[sflag:s0] =	ssyncadd.tile.s32 @!p0 $0x1;
	_ =	shalt  }
.Lfunc_end2:
_tile_overlayer_lowered:
.L_overlay_start_2:
0x267: {  	(tag) =	ssettag $0x2  }
0x268: {  	s0 =	rddreg [dreg:$0x0];
	s2 =	stileid.u32  }
0x269: {  	s1 =	rddreg [dreg:$0x1];
	p0 =	sne.s32 s2, $0x0  }
0x26a: {  	s3 =	rddreg [dreg:$0x2];
	[bflag:$0x3] =	sbarrier.arrive $0xFFFF;
	s2 =	simm.s32 @!p0 $0x1C01  }
0x26b: {  	[timem:s3], [sflag:s2] =	dma.local @!p0 [hbm:s0], s1  }
0x26c: {  	s0 =	simm.s32 @!p0 $0x1  }
0x26d: {  	_ =	swait.ge @!p0 [sflag:s0], s1  }
0x26e: {  	s1 =	ssub.s32 @!p0 $0x0, s1;
	[sflag:s0] =	ssyncset.done @!p0 $0x0  }
0x26f: {  	[sflag:s0] =	ssyncadd.s32 @!p0 s1  }
0x270: {  	[bflag:$0x3] =	sbarrier.arrive $0xFFFF  }
0x271: {  	_ =	shalt  }

</sc_bundles>
